<compile_context>
chip_gen: v7x
topology: tpu7x:2x2x1
jax: 0.10.2.dev20260603
libtpu: 0.0.44.dev20260713+nightly
codegen_flags: <defaults>
</compile_context>

<pallas_src>
import functools

import jax
import jax.numpy as jnp
from jax import lax
from jax.experimental import pallas as pl
from jax.experimental.pallas import tpu as pltpu
from jax.experimental.pallas import tpu_sc as plsc

_LS = 0.1
_NO_W = 0.1
_ROWS = 72


def _dense_tc_body(x_ref, tgt_ref, out_ref):
    x = x_ref[0]
    tgt = tgt_ref[0, 0]
    V, L = x.shape
    Tv = tgt.shape[0]

    ex = jnp.exp(x)

    oh = (lax.broadcasted_iota(jnp.int32, (Tv, V), 1)
          == tgt[:, None]).astype(jnp.float32)
    ones_row = jnp.ones((1, V), jnp.float32)
    pad = jnp.zeros((_ROWS - Tv - 1, V), jnp.float32)
    wt = jnp.concatenate([oh, ones_row, pad], axis=0)

    m1 = lax.dot_general(wt, x, (((1,), (0,)), ((), ())),
                         preferred_element_type=jnp.float32,
                         precision=lax.Precision.HIGHEST)
    m2 = lax.dot_general(jnp.ones((8, V), jnp.float32), ex,
                         (((1,), (0,)), ((), ())),
                         preferred_element_type=jnp.float32)

    g = m1[0:Tv]
    rowsum = m1[Tv:Tv + 1]
    x0 = x[0:1]
    lse = jnp.log(m2[0:1])

    neg_lse = -lse
    hints = jnp.argmax(g + neg_lse, axis=1).astype(jnp.float32)

    aux = jnp.concatenate([
        neg_lse,
        lse - rowsum * (_LS / V),
        lse - x0,
        jnp.concatenate([hints[None, :],
                         jnp.zeros((1, L - Tv), jnp.float32)], axis=1),
        jnp.zeros((_ROWS - Tv - 4, L), jnp.float32),
    ], axis=0)
    out_ref[0] = jnp.concatenate([g, aux], axis=0)


def _dense_pass(outputs_t, tgt3, b0, nb):
    B, V, L = outputs_t.shape
    Tv = tgt3.shape[2]
    return pl.pallas_call(
        _dense_tc_body,
        grid=(nb,),
        in_specs=[
            pl.BlockSpec((1, V, L), lambda b: (b + b0, 0, 0)),
            pl.BlockSpec((1, 1, Tv), lambda b: (b + b0, 0, 0)),
        ],
        out_specs=pl.BlockSpec((1, _ROWS, L), lambda b: (b, 0, 0)),
        out_shape=jax.ShapeDtypeStruct((nb, _ROWS, L), jnp.float32),
    )(outputs_t, tgt3)


def _make_sc_matcher(B, Tv, L, total_b):
    mesh = plsc.VectorSubcoreMesh(core_axis_name="c", subcore_axis_name="s")
    nc = mesh.num_cores
    nchunk = L // 16

    @functools.partial(
        pl.kernel,
        out_type=jax.ShapeDtypeStruct((B, 16), jnp.float32),
        mesh=mesh,
        compiler_params=pltpu.CompilerParams(needs_layout_passes=False),
        scratch_types=[
            pltpu.VMEM((_ROWS, L), jnp.float32),
            pltpu.VMEM((L,), jnp.float32),
            pltpu.VMEM((Tv,), jnp.int32),
            pltpu.VMEM((Tv,), jnp.int32),
            pltpu.VMEM((16,), jnp.float32),
        ],
    )
    def sc_match(g_hbm, out_hbm, g_v, d_v, win_v, hint_v, out_v):
        wid = lax.axis_index("s") * nc + lax.axis_index("c")

        @pl.when(wid < B)
        def _():
            b = wid
            pltpu.sync_copy(g_hbm.at[b], g_v)

            zeros16 = jnp.zeros((16,), jnp.float32)
            neg_inf16 = jnp.full((16,), -jnp.inf, jnp.float32)
            lane = lax.iota(jnp.int32, 16)
            lane0 = lane == 0
            for k in range(nchunk):
                d_v[pl.ds(k * 16, 16)] = g_v[Tv, pl.ds(k * 16, 16)]
            for k in range(Tv // 16):
                hint_v[pl.ds(k * 16, 16)] = g_v[
                    Tv + 3, pl.ds(k * 16, 16)].astype(jnp.int32)

            def full_scan(t):
                vals = []
                idxs = []
                for k in range(nchunk):
                    vals.append(g_v[t, pl.ds(k * 16, 16)]
                                + d_v[pl.ds(k * 16, 16)])
                    idxs.append(lane + (k * 16))
                while len(vals) > 1:
                    nv, ni = [], []
                    for j in range(0, len(vals), 2):
                        keep = vals[j] >= vals[j + 1]
                        nv.append(jnp.where(keep, vals[j], vals[j + 1]))
                        ni.append(jnp.where(keep, idxs[j], idxs[j + 1]))
                    vals, idxs = nv, ni
                gm = jnp.max(vals[0])
                ci = jnp.where(vals[0] == gm, idxs[0], jnp.int32(2 ** 30))
                return jnp.min(ci)

            def step(t, carry):
                tv = jnp.full((16,), t, jnp.int32)
                qh = plsc.load_gather(hint_v, [tv])
                dh = plsc.load_gather(d_v, [qh])
                qv = lax.cond(dh[0] > jnp.float32(-3e38),
                              lambda: qh,
                              lambda: jnp.full((16,), full_scan(t),
                                               jnp.int32))
                plsc.store_scatter(d_v, [qv], neg_inf16, mask=lane0)
                plsc.store_scatter(win_v, [tv], qv, mask=lane0)
                return carry

            lax.fori_loop(0, Tv, step, 0)

            acc_nll = zeros16
            acc_no = zeros16
            brow = jnp.full((16,), Tv + 1, jnp.int32)
            nrow = jnp.full((16,), Tv + 2, jnp.int32)
            for j in range(Tv // 16):
                qs = win_v[pl.ds(j * 16, 16)]
                ts = lane + (j * 16)
                gm = plsc.load_gather(g_v, [ts, qs])
                gb = plsc.load_gather(g_v, [brow, qs])
                gn = plsc.load_gather(g_v, [nrow, qs])
                acc_nll = acc_nll + (gb - (1.0 - _LS) * gm)
                acc_no = acc_no + gn

            acc_all = zeros16
            for k in range(nchunk):
                acc_all = acc_all + g_v[Tv + 2, pl.ds(k * 16, 16)]

            out_v[...] = (acc_nll * (1.0 / (total_b * Tv))
                          + (_NO_W / (total_b * (L - Tv)))
                          * (acc_all - acc_no))
            pltpu.sync_copy(out_v, out_hbm.at[b])

    return sc_match


def kernel(outputs, targets):
    B, L, V = outputs.shape
    Tv = targets.shape[1]
    tgt3 = targets.astype(jnp.int32).reshape(B, 1, Tv)

    outputs_t = outputs.transpose(0, 2, 1)

    nb = B // 2
    matcher = _make_sc_matcher(nb, Tv, L, B)
    packed_a = _dense_pass(outputs_t, tgt3, 0, nb)
    packed_b = _dense_pass(outputs_t, tgt3, nb, nb)
    parts_a = matcher(packed_a)
    parts_b = matcher(packed_b)
    loss = jnp.sum(parts_a) + jnp.sum(parts_b)
    return loss.astype(jnp.float32)

# --- scband reference (transcript-rebuilt; emitter-appended) ---
"""Pipeline reference for scband-hungarian-loss-7937099563134 (READ-ONLY COPY).

The authoritative reference and input builder live on the scoring server;
editing this copy changes nothing except your own understanding.
"""

import jax, jax.numpy as jnp
import numpy as np

VOCAB = 1000
LABEL_SMOOTHING = 0.1
NO_OBJECT_TOKEN_ID = 0
NO_OBJECT_WEIGHT = 0.1


def _greedy_match(outputs, targets):
    # Stand-in for HungarianMatcher: per-batch greedy assignment on cost = -softmax prob
    # of the target class. Targets drawn by setup_inputs lie in [0, VOCAB) and never hit
    # the -100 padding sentinel, so every target position is valid and each batch yields
    # exactly Tv matched queries and L - Tv unmatched (no-object) queries.
    B, L, V = outputs.shape
    Tv = targets.shape[1]

    def match_one(logits_i, tgt_i):
        x = logits_i - logits_i.max(axis=-1, keepdims=True)
        p = jnp.exp(x)
        p = p / p.sum(axis=-1, keepdims=True)
        cost = -p[:, tgt_i]  # (L, Tv)

        def body(t, carry):
            assigned, src = carry
            c = jnp.where(assigned, jnp.inf, cost[:, t])
            q = jnp.argmin(c)
            return assigned.at[q].set(True), src.at[t].set(q)

        assigned, src = jax.lax.fori_loop(
            0, Tv, body,
            (jnp.zeros((L,), dtype=bool), jnp.zeros((Tv,), dtype=jnp.int32)))
        rest = jnp.argsort(assigned)[: L - Tv]
        return src, rest

    return jax.vmap(match_one)(outputs, targets)


def _cross_entropy(logits, labels, label_smoothing):
    logp = jax.nn.log_softmax(logits, axis=-1)
    nll = -jnp.take_along_axis(logp, labels[:, None], axis=1)[:, 0]
    if label_smoothing > 0.0:
        smooth = -logp.mean(axis=-1)
        loss = (1.0 - label_smoothing) * nll + label_smoothing * smooth
    else:
        loss = nll
    return loss.mean()


def setup_inputs(seed: int = 0) -> dict:
    key = jax.random.key(seed)
    k1, k2 = jax.random.split(key)
    outputs = jax.random.normal(k1, (8, 512, VOCAB), dtype=jnp.float32)
    targets = jax.random.randint(k2, (8, 64), 0, VOCAB).astype(jnp.int64)
    return {"outputs": outputs, "targets": targets}


def reference(outputs, targets):
    B, L, V = outputs.shape
    Tv = targets.shape[1]
    src, rest = _greedy_match(outputs, targets)

    batch = jnp.arange(B)[:, None]

    src_logits = outputs[batch, src].reshape(B * Tv, V)
    ntc_j = targets.reshape(-1)
    loss_ce = _cross_entropy(src_logits, ntc_j, LABEL_SMOOTHING)

    no_logits = outputs[batch, rest].reshape(B * (L - Tv), V)
    no_labels = jnp.full((no_logits.shape[0],), NO_OBJECT_TOKEN_ID, dtype=jnp.int32)
    loss_no = _cross_entropy(no_logits, no_labels, 0.0)
    total = loss_ce + NO_OBJECT_WEIGHT * loss_no
    return total

if __name__ == "__main__":
    import jax
    _d = setup_inputs()
    print(jax.jit(kernel)(*tuple(_d.values())))

</pallas_src>

<mosaic_0001>
#map = affine_map<(d0, d1) -> (0, 0, 0)>
#map1 = affine_map<(d0, d1) -> (0, 0)>
module attributes {stable_mosaic.version = 14 : i64} {
  func.func @sc_match(%arg0: i32, %arg1: i32, %arg2: memref<4x72x512xf32, #tpu.memory_space<hbm>>, %arg3: memref<4x16xf32, #tpu.memory_space<hbm>>, %arg4: memref<72x512xf32, #tpu.memory_space<vmem>>, %arg5: memref<512xf32, #tpu.memory_space<vmem>>, %arg6: memref<64xi32, #tpu.memory_space<vmem>>, %arg7: memref<64xi32, #tpu.memory_space<vmem>>, %arg8: memref<16xf32, #tpu.memory_space<vmem>>) attributes {dimension_semantics = [#tpu.dimension_semantics<core_parallel>, #tpu.dimension_semantics<subcore_parallel>], iteration_bounds = array<i64: 2, 16>, scalar_prefetch = 0 : i64, scratch_operands = 5 : i64, tpu.core_type = #tpu.core_type<sc_vector_subcore>, window_params = [{transform_indices = #map}, {transform_indices = #map1}]} {
    %mul3A = arith.constant 2 : i32
    %mul3A_0 = arith.muli %arg1, %mul3A : i32
    %add3A = arith.addi %mul3A_0, %arg0 : i32
    %lt3A = arith.constant 4 : i32
    %lt3A_1 = arith.cmpi slt, %add3A, %lt3A : i32
    %convert_element_type3A = arith.extui %lt3A_1 : i1 to i32
    %cond3A = arith.constant 0 : i32
    %cond3A_2 = arith.cmpi ne, %convert_element_type3A, %cond3A : i32
    scf.if %cond3A_2 {
      "tpu.region"() ({
        %run_scoped3A = tpu.sem_alloc : memref<!tpu.dma_semaphore, #tpu.memory_space<semaphore_mem>>
        %dma_start3A = arith.constant 0 : i32
        %dma_start3A_459 = arith.constant 0 : i32
        %dma_start3A_460 = tpu.memref_slice %arg2[%add3A, %dma_start3A, %dma_start3A_459] : memref<4x72x512xf32, #tpu.memory_space<hbm>> -> memref<1x72x512xf32, #tpu.memory_space<hbm>>
        %dma_start3A_461 = tpu.memref_squeeze %dma_start3A_460 : memref<1x72x512xf32, #tpu.memory_space<hbm>> -> memref<72x512xf32, #tpu.memory_space<hbm>>
        %dma_start3A_462 = arith.constant 0 : i32
        %dma_start3A_463 = arith.constant 0 : i32
        %dma_start3A_464 = tpu.memref_slice %arg2[%add3A, %dma_start3A_462, %dma_start3A_463] : memref<4x72x512xf32, #tpu.memory_space<hbm>> -> memref<1x72x512xf32, #tpu.memory_space<hbm>>
        %dma_start3A_465 = tpu.memref_squeeze %dma_start3A_464 : memref<1x72x512xf32, #tpu.memory_space<hbm>> -> memref<72x512xf32, #tpu.memory_space<hbm>>
        tpu.enqueue_dma source(%dma_start3A_465 : memref<72x512xf32, #tpu.memory_space<hbm>>) target(%arg4 : memref<72x512xf32, #tpu.memory_space<vmem>>) target_semaphore(%run_scoped3A : memref<!tpu.dma_semaphore, #tpu.memory_space<semaphore_mem>>)
        %dma_wait3A = arith.constant 0 : i32
        %dma_wait3A_466 = arith.constant 0 : i32
        %dma_wait3A_467 = tpu.memref_slice %arg2[%add3A, %dma_wait3A, %dma_wait3A_466] : memref<4x72x512xf32, #tpu.memory_space<hbm>> -> memref<1x72x512xf32, #tpu.memory_space<hbm>>
        %dma_wait3A_468 = tpu.memref_squeeze %dma_wait3A_467 : memref<1x72x512xf32, #tpu.memory_space<hbm>> -> memref<72x512xf32, #tpu.memory_space<hbm>>
        %dma_wait3A_469 = arith.constant 0 : i32
        %dma_wait3A_470 = arith.constant 0 : i32
        %dma_wait3A_471 = tpu.memref_slice %arg2[%add3A, %dma_wait3A_469, %dma_wait3A_470] : memref<4x72x512xf32, #tpu.memory_space<hbm>> -> memref<1x72x512xf32, #tpu.memory_space<hbm>>
        %dma_wait3A_472 = tpu.memref_squeeze %dma_wait3A_471 : memref<1x72x512xf32, #tpu.memory_space<hbm>> -> memref<72x512xf32, #tpu.memory_space<hbm>>
        tpu.wait_dma2 semaphore(%run_scoped3A : memref<!tpu.dma_semaphore, #tpu.memory_space<semaphore_mem>>) src(%dma_wait3A_472 : memref<72x512xf32, #tpu.memory_space<hbm>>) dst(%arg4 : memref<72x512xf32, #tpu.memory_space<vmem>>)
        tpu.yield
      }) : () -> ()
      %broadcast_in_dim3A = arith.constant 0.000000e+00 : f32
      %broadcast_in_dim3A_3 = vector.broadcast %broadcast_in_dim3A : f32 to vector<16xf32>
      %broadcast_in_dim3A_4 = arith.constant 0xFF800000 : f32
      %broadcast_in_dim3A_5 = vector.broadcast %broadcast_in_dim3A_4 : f32 to vector<16xf32>
      %iota3A = tpu.iota {dimensions = array<i32: 0>} : vector<16xi32>
      %eq3A = arith.constant 0 : i32
      %eq3A_6 = vector.broadcast %eq3A : i32 to vector<16xi32>
      %eq3A_7 = arith.cmpi eq, %iota3A, %eq3A_6 : vector<16xi32>
      %get3A = arith.constant 64 : i32
      %get3A_8 = arith.index_cast %get3A : i32 to index
      %get3A_9 = arith.constant 0 : index
      %get3A_10 = tpu.vector_load %arg4[%get3A_8, %get3A_9] {strides = array<i32>} : memref<72x512xf32, #tpu.memory_space<vmem>>, vector<16xf32>,
      %swap3A = arith.constant 0 : index
      %swap3A_11 = tpu.vector_load %arg5[%swap3A] {strides = array<i32>} : memref<512xf32, #tpu.memory_space<vmem>>, vector<16xf32>,
      tpu.vector_store %arg5[%swap3A], %get3A_10 {strides = array<i32>} : memref<512xf32, #tpu.memory_space<vmem>>, vector<16xf32>,
      %get3A_12 = arith.constant 64 : i32
      %get3A_13 = arith.index_cast %get3A_12 : i32 to index
      %get3A_14 = arith.constant 16 : index
      %get3A_15 = tpu.vector_load %arg4[%get3A_13, %get3A_14] {strides = array<i32>} : memref<72x512xf32, #tpu.memory_space<vmem>>, vector<16xf32>,
      %swap3A_16 = arith.constant 16 : index
      %swap3A_17 = tpu.vector_load %arg5[%swap3A_16] {strides = array<i32>} : memref<512xf32, #tpu.memory_space<vmem>>, vector<16xf32>,
      tpu.vector_store %arg5[%swap3A_16], %get3A_15 {strides = array<i32>} : memref<512xf32, #tpu.memory_space<vmem>>, vector<16xf32>,
      %get3A_18 = arith.constant 64 : i32
      %get3A_19 = arith.index_cast %get3A_18 : i32 to index
      %get3A_20 = arith.constant 32 : index
      %get3A_21 = tpu.vector_load %arg4[%get3A_19, %get3A_20] {strides = array<i32>} : memref<72x512xf32, #tpu.memory_space<vmem>>, vector<16xf32>,
      %swap3A_22 = arith.constant 32 : index
      %swap3A_23 = tpu.vector_load %arg5[%swap3A_22] {strides = array<i32>} : memref<512xf32, #tpu.memory_space<vmem>>, vector<16xf32>,
      tpu.vector_store %arg5[%swap3A_22], %get3A_21 {strides = array<i32>} : memref<512xf32, #tpu.memory_space<vmem>>, vector<16xf32>,
      %get3A_24 = arith.constant 64 : i32
      %get3A_25 = arith.index_cast %get3A_24 : i32 to index
      %get3A_26 = arith.constant 48 : index
      %get3A_27 = tpu.vector_load %arg4[%get3A_25, %get3A_26] {strides = array<i32>} : memref<72x512xf32, #tpu.memory_space<vmem>>, vector<16xf32>,
      %swap3A_28 = arith.constant 48 : index
      %swap3A_29 = tpu.vector_load %arg5[%swap3A_28] {strides = array<i32>} : memref<512xf32, #tpu.memory_space<vmem>>, vector<16xf32>,
      tpu.vector_store %arg5[%swap3A_28], %get3A_27 {strides = array<i32>} : memref<512xf32, #tpu.memory_space<vmem>>, vector<16xf32>,
      %get3A_30 = arith.constant 64 : i32
      %get3A_31 = arith.index_cast %get3A_30 : i32 to index
      %get3A_32 = arith.constant 64 : index
      %get3A_33 = tpu.vector_load %arg4[%get3A_31, %get3A_32] {strides = array<i32>} : memref<72x512xf32, #tpu.memory_space<vmem>>, vector<16xf32>,
      %swap3A_34 = arith.constant 64 : index
      %swap3A_35 = tpu.vector_load %arg5[%swap3A_34] {strides = array<i32>} : memref<512xf32, #tpu.memory_space<vmem>>, vector<16xf32>,
      tpu.vector_store %arg5[%swap3A_34], %get3A_33 {strides = array<i32>} : memref<512xf32, #tpu.memory_space<vmem>>, vector<16xf32>,
      %get3A_36 = arith.constant 64 : i32
      %get3A_37 = arith.index_cast %get3A_36 : i32 to index
      %get3A_38 = arith.constant 80 : index
      %get3A_39 = tpu.vector_load %arg4[%get3A_37, %get3A_38] {strides = array<i32>} : memref<72x512xf32, #tpu.memory_space<vmem>>, vector<16xf32>,
      %swap3A_40 = arith.constant 80 : index
      %swap3A_41 = tpu.vector_load %arg5[%swap3A_40] {strides = array<i32>} : memref<512xf32, #tpu.memory_space<vmem>>, vector<16xf32>,
      tpu.vector_store %arg5[%swap3A_40], %get3A_39 {strides = array<i32>} : memref<512xf32, #tpu.memory_space<vmem>>, vector<16xf32>,
      %get3A_42 = arith.constant 64 : i32
      %get3A_43 = arith.index_cast %get3A_42 : i32 to index
      %get3A_44 = arith.constant 96 : index
      %get3A_45 = tpu.vector_load %arg4[%get3A_43, %get3A_44] {strides = array<i32>} : memref<72x512xf32, #tpu.memory_space<vmem>>, vector<16xf32>,
      %swap3A_46 = arith.constant 96 : index
      %swap3A_47 = tpu.vector_load %arg5[%swap3A_46] {strides = array<i32>} : memref<512xf32, #tpu.memory_space<vmem>>, vector<16xf32>,
      tpu.vector_store %arg5[%swap3A_46], %get3A_45 {strides = array<i32>} : memref<512xf32, #tpu.memory_space<vmem>>, vector<16xf32>,
      %get3A_48 = arith.constant 64 : i32
      %get3A_49 = arith.index_cast %get3A_48 : i32 to index
      %get3A_50 = arith.constant 112 : index
      %get3A_51 = tpu.vector_load %arg4[%get3A_49, %get3A_50] {strides = array<i32>} : memref<72x512xf32, #tpu.memory_space<vmem>>, vector<16xf32>,
      %swap3A_52 = arith.constant 112 : index
      %swap3A_53 = tpu.vector_load %arg5[%swap3A_52] {strides = array<i32>} : memref<512xf32, #tpu.memory_space<vmem>>, vector<16xf32>,
      tpu.vector_store %arg5[%swap3A_52], %get3A_51 {strides = array<i32>} : memref<512xf32, #tpu.memory_space<vmem>>, vector<16xf32>,
      %get3A_54 = arith.constant 64 : i32
      %get3A_55 = arith.index_cast %get3A_54 : i32 to index
      %get3A_56 = arith.constant 128 : index
      %get3A_57 = tpu.vector_load %arg4[%get3A_55, %get3A_56] {strides = array<i32>} : memref<72x512xf32, #tpu.memory_space<vmem>>, vector<16xf32>,
      %swap3A_58 = arith.constant 128 : index
      %swap3A_59 = tpu.vector_load %arg5[%swap3A_58] {strides = array<i32>} : memref<512xf32, #tpu.memory_space<vmem>>, vector<16xf32>,
      tpu.vector_store %arg5[%swap3A_58], %get3A_57 {strides = array<i32>} : memref<512xf32, #tpu.memory_space<vmem>>, vector<16xf32>,
      %get3A_60 = arith.constant 64 : i32
      %get3A_61 = arith.index_cast %get3A_60 : i32 to index
      %get3A_62 = arith.constant 144 : index
      %get3A_63 = tpu.vector_load %arg4[%get3A_61, %get3A_62] {strides = array<i32>} : memref<72x512xf32, #tpu.memory_space<vmem>>, vector<16xf32>,
      %swap3A_64 = arith.constant 144 : index
      %swap3A_65 = tpu.vector_load %arg5[%swap3A_64] {strides = array<i32>} : memref<512xf32, #tpu.memory_space<vmem>>, vector<16xf32>,
      tpu.vector_store %arg5[%swap3A_64], %get3A_63 {strides = array<i32>} : memref<512xf32, #tpu.memory_space<vmem>>, vector<16xf32>,
      %get3A_66 = arith.constant 64 : i32
      %get3A_67 = arith.index_cast %get3A_66 : i32 to index
      %get3A_68 = arith.constant 160 : index
      %get3A_69 = tpu.vector_load %arg4[%get3A_67, %get3A_68] {strides = array<i32>} : memref<72x512xf32, #tpu.memory_space<vmem>>, vector<16xf32>,
      %swap3A_70 = arith.constant 160 : index
      %swap3A_71 = tpu.vector_load %arg5[%swap3A_70] {strides = array<i32>} : memref<512xf32, #tpu.memory_space<vmem>>, vector<16xf32>,
      tpu.vector_store %arg5[%swap3A_70], %get3A_69 {strides = array<i32>} : memref<512xf32, #tpu.memory_space<vmem>>, vector<16xf32>,
      %get3A_72 = arith.constant 64 : i32
      %get3A_73 = arith.index_cast %get3A_72 : i32 to index
      %get3A_74 = arith.constant 176 : index
      %get3A_75 = tpu.vector_load %arg4[%get3A_73, %get3A_74] {strides = array<i32>} : memref<72x512xf32, #tpu.memory_space<vmem>>, vector<16xf32>,
      %swap3A_76 = arith.constant 176 : index
      %swap3A_77 = tpu.vector_load %arg5[%swap3A_76] {strides = array<i32>} : memref<512xf32, #tpu.memory_space<vmem>>, vector<16xf32>,
      tpu.vector_store %arg5[%swap3A_76], %get3A_75 {strides = array<i32>} : memref<512xf32, #tpu.memory_space<vmem>>, vector<16xf32>,
      %get3A_78 = arith.constant 64 : i32
      %get3A_79 = arith.index_cast %get3A_78 : i32 to index
      %get3A_80 = arith.constant 192 : index
      %get3A_81 = tpu.vector_load %arg4[%get3A_79, %get3A_80] {strides = array<i32>} : memref<72x512xf32, #tpu.memory_space<vmem>>, vector<16xf32>,
      %swap3A_82 = arith.constant 192 : index
      %swap3A_83 = tpu.vector_load %arg5[%swap3A_82] {strides = array<i32>} : memref<512xf32, #tpu.memory_space<vmem>>, vector<16xf32>,
      tpu.vector_store %arg5[%swap3A_82], %get3A_81 {strides = array<i32>} : memref<512xf32, #tpu.memory_space<vmem>>, vector<16xf32>,
      %get3A_84 = arith.constant 64 : i32
      %get3A_85 = arith.index_cast %get3A_84 : i32 to index
      %get3A_86 = arith.constant 208 : index
      %get3A_87 = tpu.vector_load %arg4[%get3A_85, %get3A_86] {strides = array<i32>} : memref<72x512xf32, #tpu.memory_space<vmem>>, vector<16xf32>,
      %swap3A_88 = arith.constant 208 : index
      %swap3A_89 = tpu.vector_load %arg5[%swap3A_88] {strides = array<i32>} : memref<512xf32, #tpu.memory_space<vmem>>, vector<16xf32>,
      tpu.vector_store %arg5[%swap3A_88], %get3A_87 {strides = array<i32>} : memref<512xf32, #tpu.memory_space<vmem>>, vector<16xf32>,
      %get3A_90 = arith.constant 64 : i32
      %get3A_91 = arith.index_cast %get3A_90 : i32 to index
      %get3A_92 = arith.constant 224 : index
      %get3A_93 = tpu.vector_load %arg4[%get3A_91, %get3A_92] {strides = array<i32>} : memref<72x512xf32, #tpu.memory_space<vmem>>, vector<16xf32>,
      %swap3A_94 = arith.constant 224 : index
      %swap3A_95 = tpu.vector_load %arg5[%swap3A_94] {strides = array<i32>} : memref<512xf32, #tpu.memory_space<vmem>>, vector<16xf32>,
      tpu.vector_store %arg5[%swap3A_94], %get3A_93 {strides = array<i32>} : memref<512xf32, #tpu.memory_space<vmem>>, vector<16xf32>,
      %get3A_96 = arith.constant 64 : i32
      %get3A_97 = arith.index_cast %get3A_96 : i32 to index
      %get3A_98 = arith.constant 240 : index
      %get3A_99 = tpu.vector_load %arg4[%get3A_97, %get3A_98] {strides = array<i32>} : memref<72x512xf32, #tpu.memory_space<vmem>>, vector<16xf32>,
      %swap3A_100 = arith.constant 240 : index
      %swap3A_101 = tpu.vector_load %arg5[%swap3A_100] {strides = array<i32>} : memref<512xf32, #tpu.memory_space<vmem>>, vector<16xf32>,
      tpu.vector_store %arg5[%swap3A_100], %get3A_99 {strides = array<i32>} : memref<512xf32, #tpu.memory_space<vmem>>, vector<16xf32>,
      %get3A_102 = arith.constant 64 : i32
      %get3A_103 = arith.index_cast %get3A_102 : i32 to index
      %get3A_104 = arith.constant 256 : index
      %get3A_105 = tpu.vector_load %arg4[%get3A_103, %get3A_104] {strides = array<i32>} : memref<72x512xf32, #tpu.memory_space<vmem>>, vector<16xf32>,
      %swap3A_106 = arith.constant 256 : index
      %swap3A_107 = tpu.vector_load %arg5[%swap3A_106] {strides = array<i32>} : memref<512xf32, #tpu.memory_space<vmem>>, vector<16xf32>,
      tpu.vector_store %arg5[%swap3A_106], %get3A_105 {strides = array<i32>} : memref<512xf32, #tpu.memory_space<vmem>>, vector<16xf32>,
      %get3A_108 = arith.constant 64 : i32
      %get3A_109 = arith.index_cast %get3A_108 : i32 to index
      %get3A_110 = arith.constant 272 : index
      %get3A_111 = tpu.vector_load %arg4[%get3A_109, %get3A_110] {strides = array<i32>} : memref<72x512xf32, #tpu.memory_space<vmem>>, vector<16xf32>,
      %swap3A_112 = arith.constant 272 : index
      %swap3A_113 = tpu.vector_load %arg5[%swap3A_112] {strides = array<i32>} : memref<512xf32, #tpu.memory_space<vmem>>, vector<16xf32>,
      tpu.vector_store %arg5[%swap3A_112], %get3A_111 {strides = array<i32>} : memref<512xf32, #tpu.memory_space<vmem>>, vector<16xf32>,
      %get3A_114 = arith.constant 64 : i32
      %get3A_115 = arith.index_cast %get3A_114 : i32 to index
      %get3A_116 = arith.constant 288 : index
      %get3A_117 = tpu.vector_load %arg4[%get3A_115, %get3A_116] {strides = array<i32>} : memref<72x512xf32, #tpu.memory_space<vmem>>, vector<16xf32>,
      %swap3A_118 = arith.constant 288 : index
      %swap3A_119 = tpu.vector_load %arg5[%swap3A_118] {strides = array<i32>} : memref<512xf32, #tpu.memory_space<vmem>>, vector<16xf32>,
      tpu.vector_store %arg5[%swap3A_118], %get3A_117 {strides = array<i32>} : memref<512xf32, #tpu.memory_space<vmem>>, vector<16xf32>,
      %get3A_120 = arith.constant 64 : i32
      %get3A_121 = arith.index_cast %get3A_120 : i32 to index
      %get3A_122 = arith.constant 304 : index
      %get3A_123 = tpu.vector_load %arg4[%get3A_121, %get3A_122] {strides = array<i32>} : memref<72x512xf32, #tpu.memory_space<vmem>>, vector<16xf32>,
      %swap3A_124 = arith.constant 304 : index
      %swap3A_125 = tpu.vector_load %arg5[%swap3A_124] {strides = array<i32>} : memref<512xf32, #tpu.memory_space<vmem>>, vector<16xf32>,
      tpu.vector_store %arg5[%swap3A_124], %get3A_123 {strides = array<i32>} : memref<512xf32, #tpu.memory_space<vmem>>, vector<16xf32>,
      %get3A_126 = arith.constant 64 : i32
      %get3A_127 = arith.index_cast %get3A_126 : i32 to index
      %get3A_128 = arith.constant 320 : index
      %get3A_129 = tpu.vector_load %arg4[%get3A_127, %get3A_128] {strides = array<i32>} : memref<72x512xf32, #tpu.memory_space<vmem>>, vector<16xf32>,
      %swap3A_130 = arith.constant 320 : index
      %swap3A_131 = tpu.vector_load %arg5[%swap3A_130] {strides = array<i32>} : memref<512xf32, #tpu.memory_space<vmem>>, vector<16xf32>,
      tpu.vector_store %arg5[%swap3A_130], %get3A_129 {strides = array<i32>} : memref<512xf32, #tpu.memory_space<vmem>>, vector<16xf32>,
      %get3A_132 = arith.constant 64 : i32
      %get3A_133 = arith.index_cast %get3A_132 : i32 to index
      %get3A_134 = arith.constant 336 : index
      %get3A_135 = tpu.vector_load %arg4[%get3A_133, %get3A_134] {strides = array<i32>} : memref<72x512xf32, #tpu.memory_space<vmem>>, vector<16xf32>,
      %swap3A_136 = arith.constant 336 : index
      %swap3A_137 = tpu.vector_load %arg5[%swap3A_136] {strides = array<i32>} : memref<512xf32, #tpu.memory_space<vmem>>, vector<16xf32>,
      tpu.vector_store %arg5[%swap3A_136], %get3A_135 {strides = array<i32>} : memref<512xf32, #tpu.memory_space<vmem>>, vector<16xf32>,
      %get3A_138 = arith.constant 64 : i32
      %get3A_139 = arith.index_cast %get3A_138 : i32 to index
      %get3A_140 = arith.constant 352 : index
      %get3A_141 = tpu.vector_load %arg4[%get3A_139, %get3A_140] {strides = array<i32>} : memref<72x512xf32, #tpu.memory_space<vmem>>, vector<16xf32>,
      %swap3A_142 = arith.constant 352 : index
      %swap3A_143 = tpu.vector_load %arg5[%swap3A_142] {strides = array<i32>} : memref<512xf32, #tpu.memory_space<vmem>>, vector<16xf32>,
      tpu.vector_store %arg5[%swap3A_142], %get3A_141 {strides = array<i32>} : memref<512xf32, #tpu.memory_space<vmem>>, vector<16xf32>,
      %get3A_144 = arith.constant 64 : i32
      %get3A_145 = arith.index_cast %get3A_144 : i32 to index
      %get3A_146 = arith.constant 368 : index
      %get3A_147 = tpu.vector_load %arg4[%get3A_145, %get3A_146] {strides = array<i32>} : memref<72x512xf32, #tpu.memory_space<vmem>>, vector<16xf32>,
      %swap3A_148 = arith.constant 368 : index
      %swap3A_149 = tpu.vector_load %arg5[%swap3A_148] {strides = array<i32>} : memref<512xf32, #tpu.memory_space<vmem>>, vector<16xf32>,
      tpu.vector_store %arg5[%swap3A_148], %get3A_147 {strides = array<i32>} : memref<512xf32, #tpu.memory_space<vmem>>, vector<16xf32>,
      %get3A_150 = arith.constant 64 : i32
      %get3A_151 = arith.index_cast %get3A_150 : i32 to index
      %get3A_152 = arith.constant 384 : index
      %get3A_153 = tpu.vector_load %arg4[%get3A_151, %get3A_152] {strides = array<i32>} : memref<72x512xf32, #tpu.memory_space<vmem>>, vector<16xf32>,
      %swap3A_154 = arith.constant 384 : index
      %swap3A_155 = tpu.vector_load %arg5[%swap3A_154] {strides = array<i32>} : memref<512xf32, #tpu.memory_space<vmem>>, vector<16xf32>,
      tpu.vector_store %arg5[%swap3A_154], %get3A_153 {strides = array<i32>} : memref<512xf32, #tpu.memory_space<vmem>>, vector<16xf32>,
      %get3A_156 = arith.constant 64 : i32
      %get3A_157 = arith.index_cast %get3A_156 : i32 to index
      %get3A_158 = arith.constant 400 : index
      %get3A_159 = tpu.vector_load %arg4[%get3A_157, %get3A_158] {strides = array<i32>} : memref<72x512xf32, #tpu.memory_space<vmem>>, vector<16xf32>,
      %swap3A_160 = arith.constant 400 : index
      %swap3A_161 = tpu.vector_load %arg5[%swap3A_160] {strides = array<i32>} : memref<512xf32, #tpu.memory_space<vmem>>, vector<16xf32>,
      tpu.vector_store %arg5[%swap3A_160], %get3A_159 {strides = array<i32>} : memref<512xf32, #tpu.memory_space<vmem>>, vector<16xf32>,
      %get3A_162 = arith.constant 64 : i32
      %get3A_163 = arith.index_cast %get3A_162 : i32 to index
      %get3A_164 = arith.constant 416 : index
      %get3A_165 = tpu.vector_load %arg4[%get3A_163, %get3A_164] {strides = array<i32>} : memref<72x512xf32, #tpu.memory_space<vmem>>, vector<16xf32>,
      %swap3A_166 = arith.constant 416 : index
      %swap3A_167 = tpu.vector_load %arg5[%swap3A_166] {strides = array<i32>} : memref<512xf32, #tpu.memory_space<vmem>>, vector<16xf32>,
      tpu.vector_store %arg5[%swap3A_166], %get3A_165 {strides = array<i32>} : memref<512xf32, #tpu.memory_space<vmem>>, vector<16xf32>,
      %get3A_168 = arith.constant 64 : i32
      %get3A_169 = arith.index_cast %get3A_168 : i32 to index
      %get3A_170 = arith.constant 432 : index
      %get3A_171 = tpu.vector_load %arg4[%get3A_169, %get3A_170] {strides = array<i32>} : memref<72x512xf32, #tpu.memory_space<vmem>>, vector<16xf32>,
      %swap3A_172 = arith.constant 432 : index
      %swap3A_173 = tpu.vector_load %arg5[%swap3A_172] {strides = array<i32>} : memref<512xf32, #tpu.memory_space<vmem>>, vector<16xf32>,
      tpu.vector_store %arg5[%swap3A_172], %get3A_171 {strides = array<i32>} : memref<512xf32, #tpu.memory_space<vmem>>, vector<16xf32>,
      %get3A_174 = arith.constant 64 : i32
      %get3A_175 = arith.index_cast %get3A_174 : i32 to index
      %get3A_176 = arith.constant 448 : index
      %get3A_177 = tpu.vector_load %arg4[%get3A_175, %get3A_176] {strides = array<i32>} : memref<72x512xf32, #tpu.memory_space<vmem>>, vector<16xf32>,
      %swap3A_178 = arith.constant 448 : index
      %swap3A_179 = tpu.vector_load %arg5[%swap3A_178] {strides = array<i32>} : memref<512xf32, #tpu.memory_space<vmem>>, vector<16xf32>,
      tpu.vector_store %arg5[%swap3A_178], %get3A_177 {strides = array<i32>} : memref<512xf32, #tpu.memory_space<vmem>>, vector<16xf32>,
      %get3A_180 = arith.constant 64 : i32
      %get3A_181 = arith.index_cast %get3A_180 : i32 to index
      %get3A_182 = arith.constant 464 : index
      %get3A_183 = tpu.vector_load %arg4[%get3A_181, %get3A_182] {strides = array<i32>} : memref<72x512xf32, #tpu.memory_space<vmem>>, vector<16xf32>,
      %swap3A_184 = arith.constant 464 : index
      %swap3A_185 = tpu.vector_load %arg5[%swap3A_184] {strides = array<i32>} : memref<512xf32, #tpu.memory_space<vmem>>, vector<16xf32>,
      tpu.vector_store %arg5[%swap3A_184], %get3A_183 {strides = array<i32>} : memref<512xf32, #tpu.memory_space<vmem>>, vector<16xf32>,
      %get3A_186 = arith.constant 64 : i32
      %get3A_187 = arith.index_cast %get3A_186 : i32 to index
      %get3A_188 = arith.constant 480 : index
      %get3A_189 = tpu.vector_load %arg4[%get3A_187, %get3A_188] {strides = array<i32>} : memref<72x512xf32, #tpu.memory_space<vmem>>, vector<16xf32>,
      %swap3A_190 = arith.constant 480 : index
      %swap3A_191 = tpu.vector_load %arg5[%swap3A_190] {strides = array<i32>} : memref<512xf32, #tpu.memory_space<vmem>>, vector<16xf32>,
      tpu.vector_store %arg5[%swap3A_190], %get3A_189 {strides = array<i32>} : memref<512xf32, #tpu.memory_space<vmem>>, vector<16xf32>,
      %get3A_192 = arith.constant 64 : i32
      %get3A_193 = arith.index_cast %get3A_192 : i32 to index
      %get3A_194 = arith.constant 496 : index
      %get3A_195 = tpu.vector_load %arg4[%get3A_193, %get3A_194] {strides = array<i32>} : memref<72x512xf32, #tpu.memory_space<vmem>>, vector<16xf32>,
      %swap3A_196 = arith.constant 496 : index
      %swap3A_197 = tpu.vector_load %arg5[%swap3A_196] {strides = array<i32>} : memref<512xf32, #tpu.memory_space<vmem>>, vector<16xf32>,
      tpu.vector_store %arg5[%swap3A_196], %get3A_195 {strides = array<i32>} : memref<512xf32, #tpu.memory_space<vmem>>, vector<16xf32>,
      %get3A_198 = arith.constant 67 : i32
      %get3A_199 = arith.index_cast %get3A_198 : i32 to index
      %get3A_200 = arith.constant 0 : index
      %get3A_201 = tpu.vector_load %arg4[%get3A_199, %get3A_200] {strides = array<i32>} : memref<72x512xf32, #tpu.memory_space<vmem>>, vector<16xf32>,
      %convert_element_type3A_202 = arith.fptosi %get3A_201 : vector<16xf32> to vector<16xi32>
      %swap3A_203 = arith.constant 0 : index
      %swap3A_204 = tpu.vector_load %arg7[%swap3A_203] {strides = array<i32>} : memref<64xi32, #tpu.memory_space<vmem>>, vector<16xi32>,
      tpu.vector_store %arg7[%swap3A_203], %convert_element_type3A_202 {strides = array<i32>} : memref<64xi32, #tpu.memory_space<vmem>>, vector<16xi32>,
      %get3A_205 = arith.constant 67 : i32
      %get3A_206 = arith.index_cast %get3A_205 : i32 to index
      %get3A_207 = arith.constant 16 : index
      %get3A_208 = tpu.vector_load %arg4[%get3A_206, %get3A_207] {strides = array<i32>} : memref<72x512xf32, #tpu.memory_space<vmem>>, vector<16xf32>,
      %convert_element_type3A_209 = arith.fptosi %get3A_208 : vector<16xf32> to vector<16xi32>
      %swap3A_210 = arith.constant 16 : index
      %swap3A_211 = tpu.vector_load %arg7[%swap3A_210] {strides = array<i32>} : memref<64xi32, #tpu.memory_space<vmem>>, vector<16xi32>,
      tpu.vector_store %arg7[%swap3A_210], %convert_element_type3A_209 {strides = array<i32>} : memref<64xi32, #tpu.memory_space<vmem>>, vector<16xi32>,
      %get3A_212 = arith.constant 67 : i32
      %get3A_213 = arith.index_cast %get3A_212 : i32 to index
      %get3A_214 = arith.constant 32 : index
      %get3A_215 = tpu.vector_load %arg4[%get3A_213, %get3A_214] {strides = array<i32>} : memref<72x512xf32, #tpu.memory_space<vmem>>, vector<16xf32>,
      %convert_element_type3A_216 = arith.fptosi %get3A_215 : vector<16xf32> to vector<16xi32>
      %swap3A_217 = arith.constant 32 : index
      %swap3A_218 = tpu.vector_load %arg7[%swap3A_217] {strides = array<i32>} : memref<64xi32, #tpu.memory_space<vmem>>, vector<16xi32>,
      tpu.vector_store %arg7[%swap3A_217], %convert_element_type3A_216 {strides = array<i32>} : memref<64xi32, #tpu.memory_space<vmem>>, vector<16xi32>,
      %get3A_219 = arith.constant 67 : i32
      %get3A_220 = arith.index_cast %get3A_219 : i32 to index
      %get3A_221 = arith.constant 48 : index
      %get3A_222 = tpu.vector_load %arg4[%get3A_220, %get3A_221] {strides = array<i32>} : memref<72x512xf32, #tpu.memory_space<vmem>>, vector<16xf32>,
      %convert_element_type3A_223 = arith.fptosi %get3A_222 : vector<16xf32> to vector<16xi32>
      %swap3A_224 = arith.constant 48 : index
      %swap3A_225 = tpu.vector_load %arg7[%swap3A_224] {strides = array<i32>} : memref<64xi32, #tpu.memory_space<vmem>>, vector<16xi32>,
      tpu.vector_store %arg7[%swap3A_224], %convert_element_type3A_223 {strides = array<i32>} : memref<64xi32, #tpu.memory_space<vmem>>, vector<16xi32>,
      %scan3A = arith.constant 0 : i32
      %scan3A_226 = arith.constant 0 : i32
      %scan3A_227 = arith.constant 64 : i32
      %scan3A_228 = arith.addi %scan3A_226, %scan3A_227 : i32
      %scan3A_229 = arith.constant 1 : i32
      scf.for %scan3A_459 = %scan3A_226 to %scan3A_228 step %scan3A_229  : i32 {
        %broadcast_in_dim3A_460 = vector.broadcast %scan3A_459 : i32 to vector<16xi32>
        %gather3A_461 = tpu.vector_load_idx %arg7[%broadcast_in_dim3A_460] : memref<64xi32, #tpu.memory_space<vmem>>[vector<16xi32>], vector<16xi32>,
        %gather3A_462 = tpu.vector_load_idx %arg5[%gather3A_461] : memref<512xf32, #tpu.memory_space<vmem>>[vector<16xi32>], vector<16xf32>,
        %slice3A = vector.extract_strided_slice %gather3A_462 {offsets = [0], sizes = [1], strides = [1]} : vector<16xf32> to vector<1xf32>
        %squeeze3A = vector.extract %slice3A[0] : f32 from vector<1xf32>
        %gt3A = arith.constant -3.000000e+38 : f32
        %gt3A_463 = arith.cmpf ogt, %squeeze3A, %gt3A : f32
        %convert_element_type3A_464 = arith.extui %gt3A_463 : i1 to i32
        %cond3A_465 = arith.constant 0 : i32
        %cond3A_466 = arith.cmpi ne, %convert_element_type3A_464, %cond3A_465 : i32
        %cond3A_467 = scf.if %cond3A_466 -> (vector<16xi32>) {
          scf.yield %gather3A_461 : vector<16xi32>
        } else {
          %get3A_468 = arith.index_cast %scan3A_459 : i32 to index
          %get3A_469 = arith.constant 0 : index
          %get3A_470 = tpu.vector_load %arg4[%get3A_468, %get3A_469] {strides = array<i32>} : memref<72x512xf32, #tpu.memory_space<vmem>>, vector<16xf32>,
          %get3A_471 = arith.constant 0 : index
          %get3A_472 = tpu.vector_load %arg5[%get3A_471] {strides = array<i32>} : memref<512xf32, #tpu.memory_space<vmem>>, vector<16xf32>,
          %add3A_473 = arith.addf %get3A_470, %get3A_472 : vector<16xf32>
          %add3A_474 = arith.constant 0 : i32
          %add3A_475 = vector.broadcast %add3A_474 : i32 to vector<16xi32>
          %add3A_476 = arith.addi %iota3A, %add3A_475 : vector<16xi32>
          %get3A_477 = arith.index_cast %scan3A_459 : i32 to index
          %get3A_478 = arith.constant 16 : index
          %get3A_479 = tpu.vector_load %arg4[%get3A_477, %get3A_478] {strides = array<i32>} : memref<72x512xf32, #tpu.memory_space<vmem>>, vector<16xf32>,
          %get3A_480 = arith.constant 16 : index
          %get3A_481 = tpu.vector_load %arg5[%get3A_480] {strides = array<i32>} : memref<512xf32, #tpu.memory_space<vmem>>, vector<16xf32>,
          %add3A_482 = arith.addf %get3A_479, %get3A_481 : vector<16xf32>
          %add3A_483 = arith.constant 16 : i32
          %add3A_484 = vector.broadcast %add3A_483 : i32 to vector<16xi32>
          %add3A_485 = arith.addi %iota3A, %add3A_484 : vector<16xi32>
          %get3A_486 = arith.index_cast %scan3A_459 : i32 to index
          %get3A_487 = arith.constant 32 : index
          %get3A_488 = tpu.vector_load %arg4[%get3A_486, %get3A_487] {strides = array<i32>} : memref<72x512xf32, #tpu.memory_space<vmem>>, vector<16xf32>,
          %get3A_489 = arith.constant 32 : index
          %get3A_490 = tpu.vector_load %arg5[%get3A_489] {strides = array<i32>} : memref<512xf32, #tpu.memory_space<vmem>>, vector<16xf32>,
          %add3A_491 = arith.addf %get3A_488, %get3A_490 : vector<16xf32>
          %add3A_492 = arith.constant 32 : i32
          %add3A_493 = vector.broadcast %add3A_492 : i32 to vector<16xi32>
          %add3A_494 = arith.addi %iota3A, %add3A_493 : vector<16xi32>
          %get3A_495 = arith.index_cast %scan3A_459 : i32 to index
          %get3A_496 = arith.constant 48 : index
          %get3A_497 = tpu.vector_load %arg4[%get3A_495, %get3A_496] {strides = array<i32>} : memref<72x512xf32, #tpu.memory_space<vmem>>, vector<16xf32>,
          %get3A_498 = arith.constant 48 : index
          %get3A_499 = tpu.vector_load %arg5[%get3A_498] {strides = array<i32>} : memref<512xf32, #tpu.memory_space<vmem>>, vector<16xf32>,
          %add3A_500 = arith.addf %get3A_497, %get3A_499 : vector<16xf32>
          %add3A_501 = arith.constant 48 : i32
          %add3A_502 = vector.broadcast %add3A_501 : i32 to vector<16xi32>
          %add3A_503 = arith.addi %iota3A, %add3A_502 : vector<16xi32>
          %get3A_504 = arith.index_cast %scan3A_459 : i32 to index
          %get3A_505 = arith.constant 64 : index
          %get3A_506 = tpu.vector_load %arg4[%get3A_504, %get3A_505] {strides = array<i32>} : memref<72x512xf32, #tpu.memory_space<vmem>>, vector<16xf32>,
          %get3A_507 = arith.constant 64 : index
          %get3A_508 = tpu.vector_load %arg5[%get3A_507] {strides = array<i32>} : memref<512xf32, #tpu.memory_space<vmem>>, vector<16xf32>,
          %add3A_509 = arith.addf %get3A_506, %get3A_508 : vector<16xf32>
          %add3A_510 = arith.constant 64 : i32
          %add3A_511 = vector.broadcast %add3A_510 : i32 to vector<16xi32>
          %add3A_512 = arith.addi %iota3A, %add3A_511 : vector<16xi32>
          %get3A_513 = arith.index_cast %scan3A_459 : i32 to index
          %get3A_514 = arith.constant 80 : index
          %get3A_515 = tpu.vector_load %arg4[%get3A_513, %get3A_514] {strides = array<i32>} : memref<72x512xf32, #tpu.memory_space<vmem>>, vector<16xf32>,
          %get3A_516 = arith.constant 80 : index
          %get3A_517 = tpu.vector_load %arg5[%get3A_516] {strides = array<i32>} : memref<512xf32, #tpu.memory_space<vmem>>, vector<16xf32>,
          %add3A_518 = arith.addf %get3A_515, %get3A_517 : vector<16xf32>
          %add3A_519 = arith.constant 80 : i32
          %add3A_520 = vector.broadcast %add3A_519 : i32 to vector<16xi32>
          %add3A_521 = arith.addi %iota3A, %add3A_520 : vector<16xi32>
          %get3A_522 = arith.index_cast %scan3A_459 : i32 to index
          %get3A_523 = arith.constant 96 : index
          %get3A_524 = tpu.vector_load %arg4[%get3A_522, %get3A_523] {strides = array<i32>} : memref<72x512xf32, #tpu.memory_space<vmem>>, vector<16xf32>,
          %get3A_525 = arith.constant 96 : index
          %get3A_526 = tpu.vector_load %arg5[%get3A_525] {strides = array<i32>} : memref<512xf32, #tpu.memory_space<vmem>>, vector<16xf32>,
          %add3A_527 = arith.addf %get3A_524, %get3A_526 : vector<16xf32>
          %add3A_528 = arith.constant 96 : i32
          %add3A_529 = vector.broadcast %add3A_528 : i32 to vector<16xi32>
          %add3A_530 = arith.addi %iota3A, %add3A_529 : vector<16xi32>
          %get3A_531 = arith.index_cast %scan3A_459 : i32 to index
          %get3A_532 = arith.constant 112 : index
          %get3A_533 = tpu.vector_load %arg4[%get3A_531, %get3A_532] {strides = array<i32>} : memref<72x512xf32, #tpu.memory_space<vmem>>, vector<16xf32>,
          %get3A_534 = arith.constant 112 : index
          %get3A_535 = tpu.vector_load %arg5[%get3A_534] {strides = array<i32>} : memref<512xf32, #tpu.memory_space<vmem>>, vector<16xf32>,
          %add3A_536 = arith.addf %get3A_533, %get3A_535 : vector<16xf32>
          %add3A_537 = arith.constant 112 : i32
          %add3A_538 = vector.broadcast %add3A_537 : i32 to vector<16xi32>
          %add3A_539 = arith.addi %iota3A, %add3A_538 : vector<16xi32>
          %get3A_540 = arith.index_cast %scan3A_459 : i32 to index
          %get3A_541 = arith.constant 128 : index
          %get3A_542 = tpu.vector_load %arg4[%get3A_540, %get3A_541] {strides = array<i32>} : memref<72x512xf32, #tpu.memory_space<vmem>>, vector<16xf32>,
          %get3A_543 = arith.constant 128 : index
          %get3A_544 = tpu.vector_load %arg5[%get3A_543] {strides = array<i32>} : memref<512xf32, #tpu.memory_space<vmem>>, vector<16xf32>,
          %add3A_545 = arith.addf %get3A_542, %get3A_544 : vector<16xf32>
          %add3A_546 = arith.constant 128 : i32
          %add3A_547 = vector.broadcast %add3A_546 : i32 to vector<16xi32>
          %add3A_548 = arith.addi %iota3A, %add3A_547 : vector<16xi32>
          %get3A_549 = arith.index_cast %scan3A_459 : i32 to index
          %get3A_550 = arith.constant 144 : index
          %get3A_551 = tpu.vector_load %arg4[%get3A_549, %get3A_550] {strides = array<i32>} : memref<72x512xf32, #tpu.memory_space<vmem>>, vector<16xf32>,
          %get3A_552 = arith.constant 144 : index
          %get3A_553 = tpu.vector_load %arg5[%get3A_552] {strides = array<i32>} : memref<512xf32, #tpu.memory_space<vmem>>, vector<16xf32>,
          %add3A_554 = arith.addf %get3A_551, %get3A_553 : vector<16xf32>
          %add3A_555 = arith.constant 144 : i32
          %add3A_556 = vector.broadcast %add3A_555 : i32 to vector<16xi32>
          %add3A_557 = arith.addi %iota3A, %add3A_556 : vector<16xi32>
          %get3A_558 = arith.index_cast %scan3A_459 : i32 to index
          %get3A_559 = arith.constant 160 : index
          %get3A_560 = tpu.vector_load %arg4[%get3A_558, %get3A_559] {strides = array<i32>} : memref<72x512xf32, #tpu.memory_space<vmem>>, vector<16xf32>,
          %get3A_561 = arith.constant 160 : index
          %get3A_562 = tpu.vector_load %arg5[%get3A_561] {strides = array<i32>} : memref<512xf32, #tpu.memory_space<vmem>>, vector<16xf32>,
          %add3A_563 = arith.addf %get3A_560, %get3A_562 : vector<16xf32>
          %add3A_564 = arith.constant 160 : i32
          %add3A_565 = vector.broadcast %add3A_564 : i32 to vector<16xi32>
          %add3A_566 = arith.addi %iota3A, %add3A_565 : vector<16xi32>
          %get3A_567 = arith.index_cast %scan3A_459 : i32 to index
          %get3A_568 = arith.constant 176 : index
          %get3A_569 = tpu.vector_load %arg4[%get3A_567, %get3A_568] {strides = array<i32>} : memref<72x512xf32, #tpu.memory_space<vmem>>, vector<16xf32>,
          %get3A_570 = arith.constant 176 : index
          %get3A_571 = tpu.vector_load %arg5[%get3A_570] {strides = array<i32>} : memref<512xf32, #tpu.memory_space<vmem>>, vector<16xf32>,
          %add3A_572 = arith.addf %get3A_569, %get3A_571 : vector<16xf32>
          %add3A_573 = arith.constant 176 : i32
          %add3A_574 = vector.broadcast %add3A_573 : i32 to vector<16xi32>
          %add3A_575 = arith.addi %iota3A, %add3A_574 : vector<16xi32>
          %get3A_576 = arith.index_cast %scan3A_459 : i32 to index
          %get3A_577 = arith.constant 192 : index
          %get3A_578 = tpu.vector_load %arg4[%get3A_576, %get3A_577] {strides = array<i32>} : memref<72x512xf32, #tpu.memory_space<vmem>>, vector<16xf32>,
          %get3A_579 = arith.constant 192 : index
          %get3A_580 = tpu.vector_load %arg5[%get3A_579] {strides = array<i32>} : memref<512xf32, #tpu.memory_space<vmem>>, vector<16xf32>,
          %add3A_581 = arith.addf %get3A_578, %get3A_580 : vector<16xf32>
          %add3A_582 = arith.constant 192 : i32
          %add3A_583 = vector.broadcast %add3A_582 : i32 to vector<16xi32>
          %add3A_584 = arith.addi %iota3A, %add3A_583 : vector<16xi32>
          %get3A_585 = arith.index_cast %scan3A_459 : i32 to index
          %get3A_586 = arith.constant 208 : index
          %get3A_587 = tpu.vector_load %arg4[%get3A_585, %get3A_586] {strides = array<i32>} : memref<72x512xf32, #tpu.memory_space<vmem>>, vector<16xf32>,
          %get3A_588 = arith.constant 208 : index
          %get3A_589 = tpu.vector_load %arg5[%get3A_588] {strides = array<i32>} : memref<512xf32, #tpu.memory_space<vmem>>, vector<16xf32>,
          %add3A_590 = arith.addf %get3A_587, %get3A_589 : vector<16xf32>
          %add3A_591 = arith.constant 208 : i32
          %add3A_592 = vector.broadcast %add3A_591 : i32 to vector<16xi32>
          %add3A_593 = arith.addi %iota3A, %add3A_592 : vector<16xi32>
          %get3A_594 = arith.index_cast %scan3A_459 : i32 to index
          %get3A_595 = arith.constant 224 : index
          %get3A_596 = tpu.vector_load %arg4[%get3A_594, %get3A_595] {strides = array<i32>} : memref<72x512xf32, #tpu.memory_space<vmem>>, vector<16xf32>,
          %get3A_597 = arith.constant 224 : index
          %get3A_598 = tpu.vector_load %arg5[%get3A_597] {strides = array<i32>} : memref<512xf32, #tpu.memory_space<vmem>>, vector<16xf32>,
          %add3A_599 = arith.addf %get3A_596, %get3A_598 : vector<16xf32>
          %add3A_600 = arith.constant 224 : i32
          %add3A_601 = vector.broadcast %add3A_600 : i32 to vector<16xi32>
          %add3A_602 = arith.addi %iota3A, %add3A_601 : vector<16xi32>
          %get3A_603 = arith.index_cast %scan3A_459 : i32 to index
          %get3A_604 = arith.constant 240 : index
          %get3A_605 = tpu.vector_load %arg4[%get3A_603, %get3A_604] {strides = array<i32>} : memref<72x512xf32, #tpu.memory_space<vmem>>, vector<16xf32>,
          %get3A_606 = arith.constant 240 : index
          %get3A_607 = tpu.vector_load %arg5[%get3A_606] {strides = array<i32>} : memref<512xf32, #tpu.memory_space<vmem>>, vector<16xf32>,
          %add3A_608 = arith.addf %get3A_605, %get3A_607 : vector<16xf32>
          %add3A_609 = arith.constant 240 : i32
          %add3A_610 = vector.broadcast %add3A_609 : i32 to vector<16xi32>
          %add3A_611 = arith.addi %iota3A, %add3A_610 : vector<16xi32>
          %get3A_612 = arith.index_cast %scan3A_459 : i32 to index
          %get3A_613 = arith.constant 256 : index
          %get3A_614 = tpu.vector_load %arg4[%get3A_612, %get3A_613] {strides = array<i32>} : memref<72x512xf32, #tpu.memory_space<vmem>>, vector<16xf32>,
          %get3A_615 = arith.constant 256 : index
          %get3A_616 = tpu.vector_load %arg5[%get3A_615] {strides = array<i32>} : memref<512xf32, #tpu.memory_space<vmem>>, vector<16xf32>,
          %add3A_617 = arith.addf %get3A_614, %get3A_616 : vector<16xf32>
          %add3A_618 = arith.constant 256 : i32
          %add3A_619 = vector.broadcast %add3A_618 : i32 to vector<16xi32>
          %add3A_620 = arith.addi %iota3A, %add3A_619 : vector<16xi32>
          %get3A_621 = arith.index_cast %scan3A_459 : i32 to index
          %get3A_622 = arith.constant 272 : index
          %get3A_623 = tpu.vector_load %arg4[%get3A_621, %get3A_622] {strides = array<i32>} : memref<72x512xf32, #tpu.memory_space<vmem>>, vector<16xf32>,
          %get3A_624 = arith.constant 272 : index
          %get3A_625 = tpu.vector_load %arg5[%get3A_624] {strides = array<i32>} : memref<512xf32, #tpu.memory_space<vmem>>, vector<16xf32>,
          %add3A_626 = arith.addf %get3A_623, %get3A_625 : vector<16xf32>
          %add3A_627 = arith.constant 272 : i32
          %add3A_628 = vector.broadcast %add3A_627 : i32 to vector<16xi32>
          %add3A_629 = arith.addi %iota3A, %add3A_628 : vector<16xi32>
          %get3A_630 = arith.index_cast %scan3A_459 : i32 to index
          %get3A_631 = arith.constant 288 : index
          %get3A_632 = tpu.vector_load %arg4[%get3A_630, %get3A_631] {strides = array<i32>} : memref<72x512xf32, #tpu.memory_space<vmem>>, vector<16xf32>,
          %get3A_633 = arith.constant 288 : index
          %get3A_634 = tpu.vector_load %arg5[%get3A_633] {strides = array<i32>} : memref<512xf32, #tpu.memory_space<vmem>>, vector<16xf32>,
          %add3A_635 = arith.addf %get3A_632, %get3A_634 : vector<16xf32>
          %add3A_636 = arith.constant 288 : i32
          %add3A_637 = vector.broadcast %add3A_636 : i32 to vector<16xi32>
          %add3A_638 = arith.addi %iota3A, %add3A_637 : vector<16xi32>
          %get3A_639 = arith.index_cast %scan3A_459 : i32 to index
          %get3A_640 = arith.constant 304 : index
          %get3A_641 = tpu.vector_load %arg4[%get3A_639, %get3A_640] {strides = array<i32>} : memref<72x512xf32, #tpu.memory_space<vmem>>, vector<16xf32>,
          %get3A_642 = arith.constant 304 : index
          %get3A_643 = tpu.vector_load %arg5[%get3A_642] {strides = array<i32>} : memref<512xf32, #tpu.memory_space<vmem>>, vector<16xf32>,
          %add3A_644 = arith.addf %get3A_641, %get3A_643 : vector<16xf32>
          %add3A_645 = arith.constant 304 : i32
          %add3A_646 = vector.broadcast %add3A_645 : i32 to vector<16xi32>
          %add3A_647 = arith.addi %iota3A, %add3A_646 : vector<16xi32>
          %get3A_648 = arith.index_cast %scan3A_459 : i32 to index
          %get3A_649 = arith.constant 320 : index
          %get3A_650 = tpu.vector_load %arg4[%get3A_648, %get3A_649] {strides = array<i32>} : memref<72x512xf32, #tpu.memory_space<vmem>>, vector<16xf32>,
          %get3A_651 = arith.constant 320 : index
          %get3A_652 = tpu.vector_load %arg5[%get3A_651] {strides = array<i32>} : memref<512xf32, #tpu.memory_space<vmem>>, vector<16xf32>,
          %add3A_653 = arith.addf %get3A_650, %get3A_652 : vector<16xf32>
          %add3A_654 = arith.constant 320 : i32
          %add3A_655 = vector.broadcast %add3A_654 : i32 to vector<16xi32>
          %add3A_656 = arith.addi %iota3A, %add3A_655 : vector<16xi32>
          %get3A_657 = arith.index_cast %scan3A_459 : i32 to index
          %get3A_658 = arith.constant 336 : index
          %get3A_659 = tpu.vector_load %arg4[%get3A_657, %get3A_658] {strides = array<i32>} : memref<72x512xf32, #tpu.memory_space<vmem>>, vector<16xf32>,
          %get3A_660 = arith.constant 336 : index
          %get3A_661 = tpu.vector_load %arg5[%get3A_660] {strides = array<i32>} : memref<512xf32, #tpu.memory_space<vmem>>, vector<16xf32>,
          %add3A_662 = arith.addf %get3A_659, %get3A_661 : vector<16xf32>
          %add3A_663 = arith.constant 336 : i32
          %add3A_664 = vector.broadcast %add3A_663 : i32 to vector<16xi32>
          %add3A_665 = arith.addi %iota3A, %add3A_664 : vector<16xi32>
          %get3A_666 = arith.index_cast %scan3A_459 : i32 to index
          %get3A_667 = arith.constant 352 : index
          %get3A_668 = tpu.vector_load %arg4[%get3A_666, %get3A_667] {strides = array<i32>} : memref<72x512xf32, #tpu.memory_space<vmem>>, vector<16xf32>,
          %get3A_669 = arith.constant 352 : index
          %get3A_670 = tpu.vector_load %arg5[%get3A_669] {strides = array<i32>} : memref<512xf32, #tpu.memory_space<vmem>>, vector<16xf32>,
          %add3A_671 = arith.addf %get3A_668, %get3A_670 : vector<16xf32>
          %add3A_672 = arith.constant 352 : i32
          %add3A_673 = vector.broadcast %add3A_672 : i32 to vector<16xi32>
          %add3A_674 = arith.addi %iota3A, %add3A_673 : vector<16xi32>
          %get3A_675 = arith.index_cast %scan3A_459 : i32 to index
          %get3A_676 = arith.constant 368 : index
          %get3A_677 = tpu.vector_load %arg4[%get3A_675, %get3A_676] {strides = array<i32>} : memref<72x512xf32, #tpu.memory_space<vmem>>, vector<16xf32>,
          %get3A_678 = arith.constant 368 : index
          %get3A_679 = tpu.vector_load %arg5[%get3A_678] {strides = array<i32>} : memref<512xf32, #tpu.memory_space<vmem>>, vector<16xf32>,
          %add3A_680 = arith.addf %get3A_677, %get3A_679 : vector<16xf32>
          %add3A_681 = arith.constant 368 : i32
          %add3A_682 = vector.broadcast %add3A_681 : i32 to vector<16xi32>
          %add3A_683 = arith.addi %iota3A, %add3A_682 : vector<16xi32>
          %get3A_684 = arith.index_cast %scan3A_459 : i32 to index
          %get3A_685 = arith.constant 384 : index
          %get3A_686 = tpu.vector_load %arg4[%get3A_684, %get3A_685] {strides = array<i32>} : memref<72x512xf32, #tpu.memory_space<vmem>>, vector<16xf32>,
          %get3A_687 = arith.constant 384 : index
          %get3A_688 = tpu.vector_load %arg5[%get3A_687] {strides = array<i32>} : memref<512xf32, #tpu.memory_space<vmem>>, vector<16xf32>,
          %add3A_689 = arith.addf %get3A_686, %get3A_688 : vector<16xf32>
          %add3A_690 = arith.constant 384 : i32
          %add3A_691 = vector.broadcast %add3A_690 : i32 to vector<16xi32>
          %add3A_692 = arith.addi %iota3A, %add3A_691 : vector<16xi32>
          %get3A_693 = arith.index_cast %scan3A_459 : i32 to index
          %get3A_694 = arith.constant 400 : index
          %get3A_695 = tpu.vector_load %arg4[%get3A_693, %get3A_694] {strides = array<i32>} : memref<72x512xf32, #tpu.memory_space<vmem>>, vector<16xf32>,
          %get3A_696 = arith.constant 400 : index
          %get3A_697 = tpu.vector_load %arg5[%get3A_696] {strides = array<i32>} : memref<512xf32, #tpu.memory_space<vmem>>, vector<16xf32>,
          %add3A_698 = arith.addf %get3A_695, %get3A_697 : vector<16xf32>
          %add3A_699 = arith.constant 400 : i32
          %add3A_700 = vector.broadcast %add3A_699 : i32 to vector<16xi32>
          %add3A_701 = arith.addi %iota3A, %add3A_700 : vector<16xi32>
          %get3A_702 = arith.index_cast %scan3A_459 : i32 to index
          %get3A_703 = arith.constant 416 : index
          %get3A_704 = tpu.vector_load %arg4[%get3A_702, %get3A_703] {strides = array<i32>} : memref<72x512xf32, #tpu.memory_space<vmem>>, vector<16xf32>,
          %get3A_705 = arith.constant 416 : index
          %get3A_706 = tpu.vector_load %arg5[%get3A_705] {strides = array<i32>} : memref<512xf32, #tpu.memory_space<vmem>>, vector<16xf32>,
          %add3A_707 = arith.addf %get3A_704, %get3A_706 : vector<16xf32>
          %add3A_708 = arith.constant 416 : i32
          %add3A_709 = vector.broadcast %add3A_708 : i32 to vector<16xi32>
          %add3A_710 = arith.addi %iota3A, %add3A_709 : vector<16xi32>
          %get3A_711 = arith.index_cast %scan3A_459 : i32 to index
          %get3A_712 = arith.constant 432 : index
          %get3A_713 = tpu.vector_load %arg4[%get3A_711, %get3A_712] {strides = array<i32>} : memref<72x512xf32, #tpu.memory_space<vmem>>, vector<16xf32>,
          %get3A_714 = arith.constant 432 : index
          %get3A_715 = tpu.vector_load %arg5[%get3A_714] {strides = array<i32>} : memref<512xf32, #tpu.memory_space<vmem>>, vector<16xf32>,
          %add3A_716 = arith.addf %get3A_713, %get3A_715 : vector<16xf32>
          %add3A_717 = arith.constant 432 : i32
          %add3A_718 = vector.broadcast %add3A_717 : i32 to vector<16xi32>
          %add3A_719 = arith.addi %iota3A, %add3A_718 : vector<16xi32>
          %get3A_720 = arith.index_cast %scan3A_459 : i32 to index
          %get3A_721 = arith.constant 448 : index
          %get3A_722 = tpu.vector_load %arg4[%get3A_720, %get3A_721] {strides = array<i32>} : memref<72x512xf32, #tpu.memory_space<vmem>>, vector<16xf32>,
          %get3A_723 = arith.constant 448 : index
          %get3A_724 = tpu.vector_load %arg5[%get3A_723] {strides = array<i32>} : memref<512xf32, #tpu.memory_space<vmem>>, vector<16xf32>,
          %add3A_725 = arith.addf %get3A_722, %get3A_724 : vector<16xf32>
          %add3A_726 = arith.constant 448 : i32
          %add3A_727 = vector.broadcast %add3A_726 : i32 to vector<16xi32>
          %add3A_728 = arith.addi %iota3A, %add3A_727 : vector<16xi32>
          %get3A_729 = arith.index_cast %scan3A_459 : i32 to index
          %get3A_730 = arith.constant 464 : index
          %get3A_731 = tpu.vector_load %arg4[%get3A_729, %get3A_730] {strides = array<i32>} : memref<72x512xf32, #tpu.memory_space<vmem>>, vector<16xf32>,
          %get3A_732 = arith.constant 464 : index
          %get3A_733 = tpu.vector_load %arg5[%get3A_732] {strides = array<i32>} : memref<512xf32, #tpu.memory_space<vmem>>, vector<16xf32>,
          %add3A_734 = arith.addf %get3A_731, %get3A_733 : vector<16xf32>
          %add3A_735 = arith.constant 464 : i32
          %add3A_736 = vector.broadcast %add3A_735 : i32 to vector<16xi32>
          %add3A_737 = arith.addi %iota3A, %add3A_736 : vector<16xi32>
          %get3A_738 = arith.index_cast %scan3A_459 : i32 to index
          %get3A_739 = arith.constant 480 : index
          %get3A_740 = tpu.vector_load %arg4[%get3A_738, %get3A_739] {strides = array<i32>} : memref<72x512xf32, #tpu.memory_space<vmem>>, vector<16xf32>,
          %get3A_741 = arith.constant 480 : index
          %get3A_742 = tpu.vector_load %arg5[%get3A_741] {strides = array<i32>} : memref<512xf32, #tpu.memory_space<vmem>>, vector<16xf32>,
          %add3A_743 = arith.addf %get3A_740, %get3A_742 : vector<16xf32>
          %add3A_744 = arith.constant 480 : i32
          %add3A_745 = vector.broadcast %add3A_744 : i32 to vector<16xi32>
          %add3A_746 = arith.addi %iota3A, %add3A_745 : vector<16xi32>
          %get3A_747 = arith.index_cast %scan3A_459 : i32 to index
          %get3A_748 = arith.constant 496 : index
          %get3A_749 = tpu.vector_load %arg4[%get3A_747, %get3A_748] {strides = array<i32>} : memref<72x512xf32, #tpu.memory_space<vmem>>, vector<16xf32>,
          %get3A_750 = arith.constant 496 : index
          %get3A_751 = tpu.vector_load %arg5[%get3A_750] {strides = array<i32>} : memref<512xf32, #tpu.memory_space<vmem>>, vector<16xf32>,
          %add3A_752 = arith.addf %get3A_749, %get3A_751 : vector<16xf32>
          %add3A_753 = arith.constant 496 : i32
          %add3A_754 = vector.broadcast %add3A_753 : i32 to vector<16xi32>
          %add3A_755 = arith.addi %iota3A, %add3A_754 : vector<16xi32>
          %ge3A = arith.cmpf oge, %add3A_473, %add3A_482 : vector<16xf32>
          %select_n3A = arith.select %ge3A, %add3A_473, %add3A_482 : vector<16xi1>, vector<16xf32>
          %select_n3A_756 = arith.select %ge3A, %add3A_476, %add3A_485 : vector<16xi1>, vector<16xi32>
          %ge3A_757 = arith.cmpf oge, %add3A_491, %add3A_500 : vector<16xf32>
          %select_n3A_758 = arith.select %ge3A_757, %add3A_491, %add3A_500 : vector<16xi1>, vector<16xf32>
          %select_n3A_759 = arith.select %ge3A_757, %add3A_494, %add3A_503 : vector<16xi1>, vector<16xi32>
          %ge3A_760 = arith.cmpf oge, %add3A_509, %add3A_518 : vector<16xf32>
          %select_n3A_761 = arith.select %ge3A_760, %add3A_509, %add3A_518 : vector<16xi1>, vector<16xf32>
          %select_n3A_762 = arith.select %ge3A_760, %add3A_512, %add3A_521 : vector<16xi1>, vector<16xi32>
          %ge3A_763 = arith.cmpf oge, %add3A_527, %add3A_536 : vector<16xf32>
          %select_n3A_764 = arith.select %ge3A_763, %add3A_527, %add3A_536 : vector<16xi1>, vector<16xf32>
          %select_n3A_765 = arith.select %ge3A_763, %add3A_530, %add3A_539 : vector<16xi1>, vector<16xi32>
          %ge3A_766 = arith.cmpf oge, %add3A_545, %add3A_554 : vector<16xf32>
          %select_n3A_767 = arith.select %ge3A_766, %add3A_545, %add3A_554 : vector<16xi1>, vector<16xf32>
          %select_n3A_768 = arith.select %ge3A_766, %add3A_548, %add3A_557 : vector<16xi1>, vector<16xi32>
          %ge3A_769 = arith.cmpf oge, %add3A_563, %add3A_572 : vector<16xf32>
          %select_n3A_770 = arith.select %ge3A_769, %add3A_563, %add3A_572 : vector<16xi1>, vector<16xf32>
          %select_n3A_771 = arith.select %ge3A_769, %add3A_566, %add3A_575 : vector<16xi1>, vector<16xi32>
          %ge3A_772 = arith.cmpf oge, %add3A_581, %add3A_590 : vector<16xf32>
          %select_n3A_773 = arith.select %ge3A_772, %add3A_581, %add3A_590 : vector<16xi1>, vector<16xf32>
          %select_n3A_774 = arith.select %ge3A_772, %add3A_584, %add3A_593 : vector<16xi1>, vector<16xi32>
          %ge3A_775 = arith.cmpf oge, %add3A_599, %add3A_608 : vector<16xf32>
          %select_n3A_776 = arith.select %ge3A_775, %add3A_599, %add3A_608 : vector<16xi1>, vector<16xf32>
          %select_n3A_777 = arith.select %ge3A_775, %add3A_602, %add3A_611 : vector<16xi1>, vector<16xi32>
          %ge3A_778 = arith.cmpf oge, %add3A_617, %add3A_626 : vector<16xf32>
          %select_n3A_779 = arith.select %ge3A_778, %add3A_617, %add3A_626 : vector<16xi1>, vector<16xf32>
          %select_n3A_780 = arith.select %ge3A_778, %add3A_620, %add3A_629 : vector<16xi1>, vector<16xi32>
          %ge3A_781 = arith.cmpf oge, %add3A_635, %add3A_644 : vector<16xf32>
          %select_n3A_782 = arith.select %ge3A_781, %add3A_635, %add3A_644 : vector<16xi1>, vector<16xf32>
          %select_n3A_783 = arith.select %ge3A_781, %add3A_638, %add3A_647 : vector<16xi1>, vector<16xi32>
          %ge3A_784 = arith.cmpf oge, %add3A_653, %add3A_662 : vector<16xf32>
          %select_n3A_785 = arith.select %ge3A_784, %add3A_653, %add3A_662 : vector<16xi1>, vector<16xf32>
          %select_n3A_786 = arith.select %ge3A_784, %add3A_656, %add3A_665 : vector<16xi1>, vector<16xi32>
          %ge3A_787 = arith.cmpf oge, %add3A_671, %add3A_680 : vector<16xf32>
          %select_n3A_788 = arith.select %ge3A_787, %add3A_671, %add3A_680 : vector<16xi1>, vector<16xf32>
          %select_n3A_789 = arith.select %ge3A_787, %add3A_674, %add3A_683 : vector<16xi1>, vector<16xi32>
          %ge3A_790 = arith.cmpf oge, %add3A_689, %add3A_698 : vector<16xf32>
          %select_n3A_791 = arith.select %ge3A_790, %add3A_689, %add3A_698 : vector<16xi1>, vector<16xf32>
          %select_n3A_792 = arith.select %ge3A_790, %add3A_692, %add3A_701 : vector<16xi1>, vector<16xi32>
          %ge3A_793 = arith.cmpf oge, %add3A_707, %add3A_716 : vector<16xf32>
          %select_n3A_794 = arith.select %ge3A_793, %add3A_707, %add3A_716 : vector<16xi1>, vector<16xf32>
          %select_n3A_795 = arith.select %ge3A_793, %add3A_710, %add3A_719 : vector<16xi1>, vector<16xi32>
          %ge3A_796 = arith.cmpf oge, %add3A_725, %add3A_734 : vector<16xf32>
          %select_n3A_797 = arith.select %ge3A_796, %add3A_725, %add3A_734 : vector<16xi1>, vector<16xf32>
          %select_n3A_798 = arith.select %ge3A_796, %add3A_728, %add3A_737 : vector<16xi1>, vector<16xi32>
          %ge3A_799 = arith.cmpf oge, %add3A_743, %add3A_752 : vector<16xf32>
          %select_n3A_800 = arith.select %ge3A_799, %add3A_743, %add3A_752 : vector<16xi1>, vector<16xf32>
          %select_n3A_801 = arith.select %ge3A_799, %add3A_746, %add3A_755 : vector<16xi1>, vector<16xi32>
          %ge3A_802 = arith.cmpf oge, %select_n3A, %select_n3A_758 : vector<16xf32>
          %select_n3A_803 = arith.select %ge3A_802, %select_n3A, %select_n3A_758 : vector<16xi1>, vector<16xf32>
          %select_n3A_804 = arith.select %ge3A_802, %select_n3A_756, %select_n3A_759 : vector<16xi1>, vector<16xi32>
          %ge3A_805 = arith.cmpf oge, %select_n3A_761, %select_n3A_764 : vector<16xf32>
          %select_n3A_806 = arith.select %ge3A_805, %select_n3A_761, %select_n3A_764 : vector<16xi1>, vector<16xf32>
          %select_n3A_807 = arith.select %ge3A_805, %select_n3A_762, %select_n3A_765 : vector<16xi1>, vector<16xi32>
          %ge3A_808 = arith.cmpf oge, %select_n3A_767, %select_n3A_770 : vector<16xf32>
          %select_n3A_809 = arith.select %ge3A_808, %select_n3A_767, %select_n3A_770 : vector<16xi1>, vector<16xf32>
          %select_n3A_810 = arith.select %ge3A_808, %select_n3A_768, %select_n3A_771 : vector<16xi1>, vector<16xi32>
          %ge3A_811 = arith.cmpf oge, %select_n3A_773, %select_n3A_776 : vector<16xf32>
          %select_n3A_812 = arith.select %ge3A_811, %select_n3A_773, %select_n3A_776 : vector<16xi1>, vector<16xf32>
          %select_n3A_813 = arith.select %ge3A_811, %select_n3A_774, %select_n3A_777 : vector<16xi1>, vector<16xi32>
          %ge3A_814 = arith.cmpf oge, %select_n3A_779, %select_n3A_782 : vector<16xf32>
          %select_n3A_815 = arith.select %ge3A_814, %select_n3A_779, %select_n3A_782 : vector<16xi1>, vector<16xf32>
          %select_n3A_816 = arith.select %ge3A_814, %select_n3A_780, %select_n3A_783 : vector<16xi1>, vector<16xi32>
          %ge3A_817 = arith.cmpf oge, %select_n3A_785, %select_n3A_788 : vector<16xf32>
          %select_n3A_818 = arith.select %ge3A_817, %select_n3A_785, %select_n3A_788 : vector<16xi1>, vector<16xf32>
          %select_n3A_819 = arith.select %ge3A_817, %select_n3A_786, %select_n3A_789 : vector<16xi1>, vector<16xi32>
          %ge3A_820 = arith.cmpf oge, %select_n3A_791, %select_n3A_794 : vector<16xf32>
          %select_n3A_821 = arith.select %ge3A_820, %select_n3A_791, %select_n3A_794 : vector<16xi1>, vector<16xf32>
          %select_n3A_822 = arith.select %ge3A_820, %select_n3A_792, %select_n3A_795 : vector<16xi1>, vector<16xi32>
          %ge3A_823 = arith.cmpf oge, %select_n3A_797, %select_n3A_800 : vector<16xf32>
          %select_n3A_824 = arith.select %ge3A_823, %select_n3A_797, %select_n3A_800 : vector<16xi1>, vector<16xf32>
          %select_n3A_825 = arith.select %ge3A_823, %select_n3A_798, %select_n3A_801 : vector<16xi1>, vector<16xi32>
          %ge3A_826 = arith.cmpf oge, %select_n3A_803, %select_n3A_806 : vector<16xf32>
          %select_n3A_827 = arith.select %ge3A_826, %select_n3A_803, %select_n3A_806 : vector<16xi1>, vector<16xf32>
          %select_n3A_828 = arith.select %ge3A_826, %select_n3A_804, %select_n3A_807 : vector<16xi1>, vector<16xi32>
          %ge3A_829 = arith.cmpf oge, %select_n3A_809, %select_n3A_812 : vector<16xf32>
          %select_n3A_830 = arith.select %ge3A_829, %select_n3A_809, %select_n3A_812 : vector<16xi1>, vector<16xf32>
          %select_n3A_831 = arith.select %ge3A_829, %select_n3A_810, %select_n3A_813 : vector<16xi1>, vector<16xi32>
          %ge3A_832 = arith.cmpf oge, %select_n3A_815, %select_n3A_818 : vector<16xf32>
          %select_n3A_833 = arith.select %ge3A_832, %select_n3A_815, %select_n3A_818 : vector<16xi1>, vector<16xf32>
          %select_n3A_834 = arith.select %ge3A_832, %select_n3A_816, %select_n3A_819 : vector<16xi1>, vector<16xi32>
          %ge3A_835 = arith.cmpf oge, %select_n3A_821, %select_n3A_824 : vector<16xf32>
          %select_n3A_836 = arith.select %ge3A_835, %select_n3A_821, %select_n3A_824 : vector<16xi1>, vector<16xf32>
          %select_n3A_837 = arith.select %ge3A_835, %select_n3A_822, %select_n3A_825 : vector<16xi1>, vector<16xi32>
          %ge3A_838 = arith.cmpf oge, %select_n3A_827, %select_n3A_830 : vector<16xf32>
          %select_n3A_839 = arith.select %ge3A_838, %select_n3A_827, %select_n3A_830 : vector<16xi1>, vector<16xf32>
          %select_n3A_840 = arith.select %ge3A_838, %select_n3A_828, %select_n3A_831 : vector<16xi1>, vector<16xi32>
          %ge3A_841 = arith.cmpf oge, %select_n3A_833, %select_n3A_836 : vector<16xf32>
          %select_n3A_842 = arith.select %ge3A_841, %select_n3A_833, %select_n3A_836 : vector<16xi1>, vector<16xf32>
          %select_n3A_843 = arith.select %ge3A_841, %select_n3A_834, %select_n3A_837 : vector<16xi1>, vector<16xi32>
          %ge3A_844 = arith.cmpf oge, %select_n3A_839, %select_n3A_842 : vector<16xf32>
          %select_n3A_845 = arith.select %ge3A_844, %select_n3A_839, %select_n3A_842 : vector<16xi1>, vector<16xf32>
          %select_n3A_846 = arith.select %ge3A_844, %select_n3A_840, %select_n3A_843 : vector<16xi1>, vector<16xi32>
          %reduce_max3A = arith.constant true
          %reduce_max3A_847 = vector.broadcast %reduce_max3A : i1 to vector<16xi1>
          %reduce_max3A_848 = tpu.scan <max>, %select_n3A_845 masked %reduce_max3A_847 : vector<16xf32>, vector<16xi1> -> vector<16xf32>
          %reduce_max3A_849 = vector.extract %reduce_max3A_848[15] : f32 from vector<16xf32>
          %eq3A_850 = vector.broadcast %reduce_max3A_849 : f32 to vector<16xf32>
          %eq3A_851 = arith.cmpf oeq, %select_n3A_845, %eq3A_850 : vector<16xf32>
          %jit3A = arith.constant 1073741824 : i32
          %broadcast_in_dim3A_852 = vector.broadcast %jit3A : i32 to vector<16xi32>
          %select_n3A_853 = arith.select %eq3A_851, %select_n3A_846, %broadcast_in_dim3A_852 : vector<16xi1>, vector<16xi32>
          %reduce_min3A = arith.constant true
          %reduce_min3A_854 = vector.broadcast %reduce_min3A : i1 to vector<16xi1>
          %reduce_min3A_855 = arith.constant -2147483648 : i32
          %reduce_min3A_856 = vector.broadcast %reduce_min3A_855 : i32 to vector<16xi32>
          %reduce_min3A_857 = arith.xori %select_n3A_853, %reduce_min3A_856 : vector<16xi32>
          %reduce_min3A_858 = tpu.scan <min>, %reduce_min3A_857 masked %reduce_min3A_854 : vector<16xi32>, vector<16xi1> -> vector<16xi32>
          %reduce_min3A_859 = arith.xori %reduce_min3A_858, %reduce_min3A_856 : vector<16xi32>
          %reduce_min3A_860 = vector.extract %reduce_min3A_859[15] : i32 from vector<16xi32>
          %broadcast_in_dim3A_861 = vector.broadcast %reduce_min3A_860 : i32 to vector<16xi32>
          scf.yield %broadcast_in_dim3A_861 : vector<16xi32>
        }
        tpu.vector_store_idx %arg5[%cond3A_467], %broadcast_in_dim3A_5 masked %eq3A_7 : memref<512xf32, #tpu.memory_space<vmem>>[vector<16xi32>], vector<16xf32>, vector<16xi1>
        tpu.vector_store_idx %arg6[%broadcast_in_dim3A_460], %cond3A_467 masked %eq3A_7 : memref<64xi32, #tpu.memory_space<vmem>>[vector<16xi32>], vector<16xi32>, vector<16xi1>
      }
      %scan3A_230 = arith.constant 64 : i32
      %broadcast_in_dim3A_231 = arith.constant 65 : i32
      %broadcast_in_dim3A_232 = vector.broadcast %broadcast_in_dim3A_231 : i32 to vector<16xi32>
      %broadcast_in_dim3A_233 = arith.constant 66 : i32
      %broadcast_in_dim3A_234 = vector.broadcast %broadcast_in_dim3A_233 : i32 to vector<16xi32>
      %get3A_235 = arith.constant 0 : index
      %get3A_236 = tpu.vector_load %arg6[%get3A_235] {strides = array<i32>} : memref<64xi32, #tpu.memory_space<vmem>>, vector<16xi32>,
      %add3A_237 = arith.constant 0 : i32
      %add3A_238 = vector.broadcast %add3A_237 : i32 to vector<16xi32>
      %add3A_239 = arith.addi %iota3A, %add3A_238 : vector<16xi32>
      %gather3A = tpu.vector_load_idx %arg4[%add3A_239, %get3A_236] : memref<72x512xf32, #tpu.memory_space<vmem>>[vector<16xi32>, vector<16xi32>], vector<16xf32>,
      %gather3A_240 = tpu.vector_load_idx %arg4[%broadcast_in_dim3A_232, %get3A_236] : memref<72x512xf32, #tpu.memory_space<vmem>>[vector<16xi32>, vector<16xi32>], vector<16xf32>,
      %gather3A_241 = tpu.vector_load_idx %arg4[%broadcast_in_dim3A_234, %get3A_236] : memref<72x512xf32, #tpu.memory_space<vmem>>[vector<16xi32>, vector<16xi32>], vector<16xf32>,
      %mul3A_242 = arith.constant 0.899999976 : f32
      %mul3A_243 = vector.broadcast %mul3A_242 : f32 to vector<16xf32>
      %mul3A_244 = arith.mulf %mul3A_243, %gather3A : vector<16xf32>
      %sub3A = arith.subf %gather3A_240, %mul3A_244 : vector<16xf32>
      %add3A_245 = arith.addf %broadcast_in_dim3A_3, %sub3A : vector<16xf32>
      %add3A_246 = arith.addf %broadcast_in_dim3A_3, %gather3A_241 : vector<16xf32>
      %get3A_247 = arith.constant 16 : index
      %get3A_248 = tpu.vector_load %arg6[%get3A_247] {strides = array<i32>} : memref<64xi32, #tpu.memory_space<vmem>>, vector<16xi32>,
      %add3A_249 = arith.constant 16 : i32
      %add3A_250 = vector.broadcast %add3A_249 : i32 to vector<16xi32>
      %add3A_251 = arith.addi %iota3A, %add3A_250 : vector<16xi32>
      %gather3A_252 = tpu.vector_load_idx %arg4[%add3A_251, %get3A_248] : memref<72x512xf32, #tpu.memory_space<vmem>>[vector<16xi32>, vector<16xi32>], vector<16xf32>,
      %gather3A_253 = tpu.vector_load_idx %arg4[%broadcast_in_dim3A_232, %get3A_248] : memref<72x512xf32, #tpu.memory_space<vmem>>[vector<16xi32>, vector<16xi32>], vector<16xf32>,
      %gather3A_254 = tpu.vector_load_idx %arg4[%broadcast_in_dim3A_234, %get3A_248] : memref<72x512xf32, #tpu.memory_space<vmem>>[vector<16xi32>, vector<16xi32>], vector<16xf32>,
      %mul3A_255 = arith.constant 0.899999976 : f32
      %mul3A_256 = vector.broadcast %mul3A_255 : f32 to vector<16xf32>
      %mul3A_257 = arith.mulf %mul3A_256, %gather3A_252 : vector<16xf32>
      %sub3A_258 = arith.subf %gather3A_253, %mul3A_257 : vector<16xf32>
      %add3A_259 = arith.addf %add3A_245, %sub3A_258 : vector<16xf32>
      %add3A_260 = arith.addf %add3A_246, %gather3A_254 : vector<16xf32>
      %get3A_261 = arith.constant 32 : index
      %get3A_262 = tpu.vector_load %arg6[%get3A_261] {strides = array<i32>} : memref<64xi32, #tpu.memory_space<vmem>>, vector<16xi32>,
      %add3A_263 = arith.constant 32 : i32
      %add3A_264 = vector.broadcast %add3A_263 : i32 to vector<16xi32>
      %add3A_265 = arith.addi %iota3A, %add3A_264 : vector<16xi32>
      %gather3A_266 = tpu.vector_load_idx %arg4[%add3A_265, %get3A_262] : memref<72x512xf32, #tpu.memory_space<vmem>>[vector<16xi32>, vector<16xi32>], vector<16xf32>,
      %gather3A_267 = tpu.vector_load_idx %arg4[%broadcast_in_dim3A_232, %get3A_262] : memref<72x512xf32, #tpu.memory_space<vmem>>[vector<16xi32>, vector<16xi32>], vector<16xf32>,
      %gather3A_268 = tpu.vector_load_idx %arg4[%broadcast_in_dim3A_234, %get3A_262] : memref<72x512xf32, #tpu.memory_space<vmem>>[vector<16xi32>, vector<16xi32>], vector<16xf32>,
      %mul3A_269 = arith.constant 0.899999976 : f32
      %mul3A_270 = vector.broadcast %mul3A_269 : f32 to vector<16xf32>
      %mul3A_271 = arith.mulf %mul3A_270, %gather3A_266 : vector<16xf32>
      %sub3A_272 = arith.subf %gather3A_267, %mul3A_271 : vector<16xf32>
      %add3A_273 = arith.addf %add3A_259, %sub3A_272 : vector<16xf32>
      %add3A_274 = arith.addf %add3A_260, %gather3A_268 : vector<16xf32>
      %get3A_275 = arith.constant 48 : index
      %get3A_276 = tpu.vector_load %arg6[%get3A_275] {strides = array<i32>} : memref<64xi32, #tpu.memory_space<vmem>>, vector<16xi32>,
      %add3A_277 = arith.constant 48 : i32
      %add3A_278 = vector.broadcast %add3A_277 : i32 to vector<16xi32>
      %add3A_279 = arith.addi %iota3A, %add3A_278 : vector<16xi32>
      %gather3A_280 = tpu.vector_load_idx %arg4[%add3A_279, %get3A_276] : memref<72x512xf32, #tpu.memory_space<vmem>>[vector<16xi32>, vector<16xi32>], vector<16xf32>,
      %gather3A_281 = tpu.vector_load_idx %arg4[%broadcast_in_dim3A_232, %get3A_276] : memref<72x512xf32, #tpu.memory_space<vmem>>[vector<16xi32>, vector<16xi32>], vector<16xf32>,
      %gather3A_282 = tpu.vector_load_idx %arg4[%broadcast_in_dim3A_234, %get3A_276] : memref<72x512xf32, #tpu.memory_space<vmem>>[vector<16xi32>, vector<16xi32>], vector<16xf32>,
      %mul3A_283 = arith.constant 0.899999976 : f32
      %mul3A_284 = vector.broadcast %mul3A_283 : f32 to vector<16xf32>
      %mul3A_285 = arith.mulf %mul3A_284, %gather3A_280 : vector<16xf32>
      %sub3A_286 = arith.subf %gather3A_281, %mul3A_285 : vector<16xf32>
      %add3A_287 = arith.addf %add3A_273, %sub3A_286 : vector<16xf32>
      %add3A_288 = arith.addf %add3A_274, %gather3A_282 : vector<16xf32>
      %get3A_289 = arith.constant 66 : i32
      %get3A_290 = arith.index_cast %get3A_289 : i32 to index
      %get3A_291 = arith.constant 0 : index
      %get3A_292 = tpu.vector_load %arg4[%get3A_290, %get3A_291] {strides = array<i32>} : memref<72x512xf32, #tpu.memory_space<vmem>>, vector<16xf32>,
      %add3A_293 = arith.addf %broadcast_in_dim3A_3, %get3A_292 : vector<16xf32>
      %get3A_294 = arith.constant 66 : i32
      %get3A_295 = arith.index_cast %get3A_294 : i32 to index
      %get3A_296 = arith.constant 16 : index
      %get3A_297 = tpu.vector_load %arg4[%get3A_295, %get3A_296] {strides = array<i32>} : memref<72x512xf32, #tpu.memory_space<vmem>>, vector<16xf32>,
      %add3A_298 = arith.addf %add3A_293, %get3A_297 : vector<16xf32>
      %get3A_299 = arith.constant 66 : i32
      %get3A_300 = arith.index_cast %get3A_299 : i32 to index
      %get3A_301 = arith.constant 32 : index
      %get3A_302 = tpu.vector_load %arg4[%get3A_300, %get3A_301] {strides = array<i32>} : memref<72x512xf32, #tpu.memory_space<vmem>>, vector<16xf32>,
      %add3A_303 = arith.addf %add3A_298, %get3A_302 : vector<16xf32>
      %get3A_304 = arith.constant 66 : i32
      %get3A_305 = arith.index_cast %get3A_304 : i32 to index
      %get3A_306 = arith.constant 48 : index
      %get3A_307 = tpu.vector_load %arg4[%get3A_305, %get3A_306] {strides = array<i32>} : memref<72x512xf32, #tpu.memory_space<vmem>>, vector<16xf32>,
      %add3A_308 = arith.addf %add3A_303, %get3A_307 : vector<16xf32>
      %get3A_309 = arith.constant 66 : i32
      %get3A_310 = arith.index_cast %get3A_309 : i32 to index
      %get3A_311 = arith.constant 64 : index
      %get3A_312 = tpu.vector_load %arg4[%get3A_310, %get3A_311] {strides = array<i32>} : memref<72x512xf32, #tpu.memory_space<vmem>>, vector<16xf32>,
      %add3A_313 = arith.addf %add3A_308, %get3A_312 : vector<16xf32>
      %get3A_314 = arith.constant 66 : i32
      %get3A_315 = arith.index_cast %get3A_314 : i32 to index
      %get3A_316 = arith.constant 80 : index
      %get3A_317 = tpu.vector_load %arg4[%get3A_315, %get3A_316] {strides = array<i32>} : memref<72x512xf32, #tpu.memory_space<vmem>>, vector<16xf32>,
      %add3A_318 = arith.addf %add3A_313, %get3A_317 : vector<16xf32>
      %get3A_319 = arith.constant 66 : i32
      %get3A_320 = arith.index_cast %get3A_319 : i32 to index
      %get3A_321 = arith.constant 96 : index
      %get3A_322 = tpu.vector_load %arg4[%get3A_320, %get3A_321] {strides = array<i32>} : memref<72x512xf32, #tpu.memory_space<vmem>>, vector<16xf32>,
      %add3A_323 = arith.addf %add3A_318, %get3A_322 : vector<16xf32>
      %get3A_324 = arith.constant 66 : i32
      %get3A_325 = arith.index_cast %get3A_324 : i32 to index
      %get3A_326 = arith.constant 112 : index
      %get3A_327 = tpu.vector_load %arg4[%get3A_325, %get3A_326] {strides = array<i32>} : memref<72x512xf32, #tpu.memory_space<vmem>>, vector<16xf32>,
      %add3A_328 = arith.addf %add3A_323, %get3A_327 : vector<16xf32>
      %get3A_329 = arith.constant 66 : i32
      %get3A_330 = arith.index_cast %get3A_329 : i32 to index
      %get3A_331 = arith.constant 128 : index
      %get3A_332 = tpu.vector_load %arg4[%get3A_330, %get3A_331] {strides = array<i32>} : memref<72x512xf32, #tpu.memory_space<vmem>>, vector<16xf32>,
      %add3A_333 = arith.addf %add3A_328, %get3A_332 : vector<16xf32>
      %get3A_334 = arith.constant 66 : i32
      %get3A_335 = arith.index_cast %get3A_334 : i32 to index
      %get3A_336 = arith.constant 144 : index
      %get3A_337 = tpu.vector_load %arg4[%get3A_335, %get3A_336] {strides = array<i32>} : memref<72x512xf32, #tpu.memory_space<vmem>>, vector<16xf32>,
      %add3A_338 = arith.addf %add3A_333, %get3A_337 : vector<16xf32>
      %get3A_339 = arith.constant 66 : i32
      %get3A_340 = arith.index_cast %get3A_339 : i32 to index
      %get3A_341 = arith.constant 160 : index
      %get3A_342 = tpu.vector_load %arg4[%get3A_340, %get3A_341] {strides = array<i32>} : memref<72x512xf32, #tpu.memory_space<vmem>>, vector<16xf32>,
      %add3A_343 = arith.addf %add3A_338, %get3A_342 : vector<16xf32>
      %get3A_344 = arith.constant 66 : i32
      %get3A_345 = arith.index_cast %get3A_344 : i32 to index
      %get3A_346 = arith.constant 176 : index
      %get3A_347 = tpu.vector_load %arg4[%get3A_345, %get3A_346] {strides = array<i32>} : memref<72x512xf32, #tpu.memory_space<vmem>>, vector<16xf32>,
      %add3A_348 = arith.addf %add3A_343, %get3A_347 : vector<16xf32>
      %get3A_349 = arith.constant 66 : i32
      %get3A_350 = arith.index_cast %get3A_349 : i32 to index
      %get3A_351 = arith.constant 192 : index
      %get3A_352 = tpu.vector_load %arg4[%get3A_350, %get3A_351] {strides = array<i32>} : memref<72x512xf32, #tpu.memory_space<vmem>>, vector<16xf32>,
      %add3A_353 = arith.addf %add3A_348, %get3A_352 : vector<16xf32>
      %get3A_354 = arith.constant 66 : i32
      %get3A_355 = arith.index_cast %get3A_354 : i32 to index
      %get3A_356 = arith.constant 208 : index
      %get3A_357 = tpu.vector_load %arg4[%get3A_355, %get3A_356] {strides = array<i32>} : memref<72x512xf32, #tpu.memory_space<vmem>>, vector<16xf32>,
      %add3A_358 = arith.addf %add3A_353, %get3A_357 : vector<16xf32>
      %get3A_359 = arith.constant 66 : i32
      %get3A_360 = arith.index_cast %get3A_359 : i32 to index
      %get3A_361 = arith.constant 224 : index
      %get3A_362 = tpu.vector_load %arg4[%get3A_360, %get3A_361] {strides = array<i32>} : memref<72x512xf32, #tpu.memory_space<vmem>>, vector<16xf32>,
      %add3A_363 = arith.addf %add3A_358, %get3A_362 : vector<16xf32>
      %get3A_364 = arith.constant 66 : i32
      %get3A_365 = arith.index_cast %get3A_364 : i32 to index
      %get3A_366 = arith.constant 240 : index
      %get3A_367 = tpu.vector_load %arg4[%get3A_365, %get3A_366] {strides = array<i32>} : memref<72x512xf32, #tpu.memory_space<vmem>>, vector<16xf32>,
      %add3A_368 = arith.addf %add3A_363, %get3A_367 : vector<16xf32>
      %get3A_369 = arith.constant 66 : i32
      %get3A_370 = arith.index_cast %get3A_369 : i32 to index
      %get3A_371 = arith.constant 256 : index
      %get3A_372 = tpu.vector_load %arg4[%get3A_370, %get3A_371] {strides = array<i32>} : memref<72x512xf32, #tpu.memory_space<vmem>>, vector<16xf32>,
      %add3A_373 = arith.addf %add3A_368, %get3A_372 : vector<16xf32>
      %get3A_374 = arith.constant 66 : i32
      %get3A_375 = arith.index_cast %get3A_374 : i32 to index
      %get3A_376 = arith.constant 272 : index
      %get3A_377 = tpu.vector_load %arg4[%get3A_375, %get3A_376] {strides = array<i32>} : memref<72x512xf32, #tpu.memory_space<vmem>>, vector<16xf32>,
      %add3A_378 = arith.addf %add3A_373, %get3A_377 : vector<16xf32>
      %get3A_379 = arith.constant 66 : i32
      %get3A_380 = arith.index_cast %get3A_379 : i32 to index
      %get3A_381 = arith.constant 288 : index
      %get3A_382 = tpu.vector_load %arg4[%get3A_380, %get3A_381] {strides = array<i32>} : memref<72x512xf32, #tpu.memory_space<vmem>>, vector<16xf32>,
      %add3A_383 = arith.addf %add3A_378, %get3A_382 : vector<16xf32>
      %get3A_384 = arith.constant 66 : i32
      %get3A_385 = arith.index_cast %get3A_384 : i32 to index
      %get3A_386 = arith.constant 304 : index
      %get3A_387 = tpu.vector_load %arg4[%get3A_385, %get3A_386] {strides = array<i32>} : memref<72x512xf32, #tpu.memory_space<vmem>>, vector<16xf32>,
      %add3A_388 = arith.addf %add3A_383, %get3A_387 : vector<16xf32>
      %get3A_389 = arith.constant 66 : i32
      %get3A_390 = arith.index_cast %get3A_389 : i32 to index
      %get3A_391 = arith.constant 320 : index
      %get3A_392 = tpu.vector_load %arg4[%get3A_390, %get3A_391] {strides = array<i32>} : memref<72x512xf32, #tpu.memory_space<vmem>>, vector<16xf32>,
      %add3A_393 = arith.addf %add3A_388, %get3A_392 : vector<16xf32>
      %get3A_394 = arith.constant 66 : i32
      %get3A_395 = arith.index_cast %get3A_394 : i32 to index
      %get3A_396 = arith.constant 336 : index
      %get3A_397 = tpu.vector_load %arg4[%get3A_395, %get3A_396] {strides = array<i32>} : memref<72x512xf32, #tpu.memory_space<vmem>>, vector<16xf32>,
      %add3A_398 = arith.addf %add3A_393, %get3A_397 : vector<16xf32>
      %get3A_399 = arith.constant 66 : i32
      %get3A_400 = arith.index_cast %get3A_399 : i32 to index
      %get3A_401 = arith.constant 352 : index
      %get3A_402 = tpu.vector_load %arg4[%get3A_400, %get3A_401] {strides = array<i32>} : memref<72x512xf32, #tpu.memory_space<vmem>>, vector<16xf32>,
      %add3A_403 = arith.addf %add3A_398, %get3A_402 : vector<16xf32>
      %get3A_404 = arith.constant 66 : i32
      %get3A_405 = arith.index_cast %get3A_404 : i32 to index
      %get3A_406 = arith.constant 368 : index
      %get3A_407 = tpu.vector_load %arg4[%get3A_405, %get3A_406] {strides = array<i32>} : memref<72x512xf32, #tpu.memory_space<vmem>>, vector<16xf32>,
      %add3A_408 = arith.addf %add3A_403, %get3A_407 : vector<16xf32>
      %get3A_409 = arith.constant 66 : i32
      %get3A_410 = arith.index_cast %get3A_409 : i32 to index
      %get3A_411 = arith.constant 384 : index
      %get3A_412 = tpu.vector_load %arg4[%get3A_410, %get3A_411] {strides = array<i32>} : memref<72x512xf32, #tpu.memory_space<vmem>>, vector<16xf32>,
      %add3A_413 = arith.addf %add3A_408, %get3A_412 : vector<16xf32>
      %get3A_414 = arith.constant 66 : i32
      %get3A_415 = arith.index_cast %get3A_414 : i32 to index
      %get3A_416 = arith.constant 400 : index
      %get3A_417 = tpu.vector_load %arg4[%get3A_415, %get3A_416] {strides = array<i32>} : memref<72x512xf32, #tpu.memory_space<vmem>>, vector<16xf32>,
      %add3A_418 = arith.addf %add3A_413, %get3A_417 : vector<16xf32>
      %get3A_419 = arith.constant 66 : i32
      %get3A_420 = arith.index_cast %get3A_419 : i32 to index
      %get3A_421 = arith.constant 416 : index
      %get3A_422 = tpu.vector_load %arg4[%get3A_420, %get3A_421] {strides = array<i32>} : memref<72x512xf32, #tpu.memory_space<vmem>>, vector<16xf32>,
      %add3A_423 = arith.addf %add3A_418, %get3A_422 : vector<16xf32>
      %get3A_424 = arith.constant 66 : i32
      %get3A_425 = arith.index_cast %get3A_424 : i32 to index
      %get3A_426 = arith.constant 432 : index
      %get3A_427 = tpu.vector_load %arg4[%get3A_425, %get3A_426] {strides = array<i32>} : memref<72x512xf32, #tpu.memory_space<vmem>>, vector<16xf32>,
      %add3A_428 = arith.addf %add3A_423, %get3A_427 : vector<16xf32>
      %get3A_429 = arith.constant 66 : i32
      %get3A_430 = arith.index_cast %get3A_429 : i32 to index
      %get3A_431 = arith.constant 448 : index
      %get3A_432 = tpu.vector_load %arg4[%get3A_430, %get3A_431] {strides = array<i32>} : memref<72x512xf32, #tpu.memory_space<vmem>>, vector<16xf32>,
      %add3A_433 = arith.addf %add3A_428, %get3A_432 : vector<16xf32>
      %get3A_434 = arith.constant 66 : i32
      %get3A_435 = arith.index_cast %get3A_434 : i32 to index
      %get3A_436 = arith.constant 464 : index
      %get3A_437 = tpu.vector_load %arg4[%get3A_435, %get3A_436] {strides = array<i32>} : memref<72x512xf32, #tpu.memory_space<vmem>>, vector<16xf32>,
      %add3A_438 = arith.addf %add3A_433, %get3A_437 : vector<16xf32>
      %get3A_439 = arith.constant 66 : i32
      %get3A_440 = arith.index_cast %get3A_439 : i32 to index
      %get3A_441 = arith.constant 480 : index
      %get3A_442 = tpu.vector_load %arg4[%get3A_440, %get3A_441] {strides = array<i32>} : memref<72x512xf32, #tpu.memory_space<vmem>>, vector<16xf32>,
      %add3A_443 = arith.addf %add3A_438, %get3A_442 : vector<16xf32>
      %get3A_444 = arith.constant 66 : i32
      %get3A_445 = arith.index_cast %get3A_444 : i32 to index
      %get3A_446 = arith.constant 496 : index
      %get3A_447 = tpu.vector_load %arg4[%get3A_445, %get3A_446] {strides = array<i32>} : memref<72x512xf32, #tpu.memory_space<vmem>>, vector<16xf32>,
      %add3A_448 = arith.addf %add3A_443, %get3A_447 : vector<16xf32>
      %mul3A_449 = arith.constant 0.001953125 : f32
      %mul3A_450 = vector.broadcast %mul3A_449 : f32 to vector<16xf32>
      %mul3A_451 = arith.mulf %add3A_287, %mul3A_450 : vector<16xf32>
      %sub3A_452 = arith.subf %add3A_448, %add3A_288 : vector<16xf32>
      %mul3A_453 = arith.constant 2.79017859E-5 : f32
      %mul3A_454 = vector.broadcast %mul3A_453 : f32 to vector<16xf32>
      %mul3A_455 = arith.mulf %mul3A_454, %sub3A_452 : vector<16xf32>
      %add3A_456 = arith.addf %mul3A_451, %mul3A_455 : vector<16xf32>
      %swap3A_457 = arith.constant 0 : index
      %swap3A_458 = tpu.vector_load %arg8[%swap3A_457] {strides = array<i32>} : memref<16xf32, #tpu.memory_space<vmem>>, vector<16xf32>,
      tpu.vector_store %arg8[%swap3A_457], %add3A_456 {strides = array<i32>} : memref<16xf32, #tpu.memory_space<vmem>>, vector<16xf32>,
      "tpu.region"() ({
        %run_scoped3A = tpu.sem_alloc : memref<!tpu.dma_semaphore, #tpu.memory_space<semaphore_mem>>
        %dma_start3A = arith.constant 0 : i32
        %dma_start3A_459 = tpu.memref_slice %arg3[%add3A, %dma_start3A] : memref<4x16xf32, #tpu.memory_space<hbm>> -> memref<1x16xf32, #tpu.memory_space<hbm>>
        %dma_start3A_460 = tpu.memref_squeeze %dma_start3A_459 : memref<1x16xf32, #tpu.memory_space<hbm>> -> memref<16xf32, #tpu.memory_space<hbm>>
        %dma_start3A_461 = arith.constant 0 : i32
        %dma_start3A_462 = tpu.memref_slice %arg3[%add3A, %dma_start3A_461] : memref<4x16xf32, #tpu.memory_space<hbm>> -> memref<1x16xf32, #tpu.memory_space<hbm>>
        %dma_start3A_463 = tpu.memref_squeeze %dma_start3A_462 : memref<1x16xf32, #tpu.memory_space<hbm>> -> memref<16xf32, #tpu.memory_space<hbm>>
        tpu.enqueue_dma source(%arg8 : memref<16xf32, #tpu.memory_space<vmem>>) target(%dma_start3A_463 : memref<16xf32, #tpu.memory_space<hbm>>) target_semaphore(%run_scoped3A : memref<!tpu.dma_semaphore, #tpu.memory_space<semaphore_mem>>)
        %dma_wait3A = arith.constant 0 : i32
        %dma_wait3A_464 = tpu.memref_slice %arg3[%add3A, %dma_wait3A] : memref<4x16xf32, #tpu.memory_space<hbm>> -> memref<1x16xf32, #tpu.memory_space<hbm>>
        %dma_wait3A_465 = tpu.memref_squeeze %dma_wait3A_464 : memref<1x16xf32, #tpu.memory_space<hbm>> -> memref<16xf32, #tpu.memory_space<hbm>>
        %dma_wait3A_466 = arith.constant 0 : i32
        %dma_wait3A_467 = tpu.memref_slice %arg3[%add3A, %dma_wait3A_466] : memref<4x16xf32, #tpu.memory_space<hbm>> -> memref<1x16xf32, #tpu.memory_space<hbm>>
        %dma_wait3A_468 = tpu.memref_squeeze %dma_wait3A_467 : memref<1x16xf32, #tpu.memory_space<hbm>> -> memref<16xf32, #tpu.memory_space<hbm>>
        tpu.wait_dma2 semaphore(%run_scoped3A : memref<!tpu.dma_semaphore, #tpu.memory_space<semaphore_mem>>) src(%arg8 : memref<16xf32, #tpu.memory_space<vmem>>) dst(%dma_wait3A_468 : memref<16xf32, #tpu.memory_space<hbm>>)
        tpu.yield
      }) : () -> ()
    } else {
    }
    return
  }
}

#map = affine_map<(d0, d1) -> (0, 0, 0)>
#map1 = affine_map<(d0, d1) -> (0, 0)>
module attributes {stable_mosaic.version = 14 : i64} {
  func.func @sc_match(%arg0: i32, %arg1: i32, %arg2: memref<4x72x512xf32, #tpu.memory_space<hbm>>, %arg3: memref<4x16xf32, #tpu.memory_space<hbm>>, %arg4: memref<72x512xf32, #tpu.memory_space<vmem>>, %arg5: memref<512xf32, #tpu.memory_space<vmem>>, %arg6: memref<64xi32, #tpu.memory_space<vmem>>, %arg7: memref<64xi32, #tpu.memory_space<vmem>>, %arg8: memref<16xf32, #tpu.memory_space<vmem>>) attributes {dimension_semantics = [#tpu.dimension_semantics<core_parallel>, #tpu.dimension_semantics<subcore_parallel>], iteration_bounds = array<i64: 2, 16>, scalar_prefetch = 0 : i64, scratch_operands = 5 : i64, tpu.core_type = #tpu.core_type<sc_vector_subcore>, window_params = [{transform_indices = #map}, {transform_indices = #map1}]} {
    %mul3A = arith.constant 2 : i32
    %mul3A_0 = arith.muli %arg1, %mul3A : i32
    %add3A = arith.addi %mul3A_0, %arg0 : i32
    %lt3A = arith.constant 4 : i32
    %lt3A_1 = arith.cmpi slt, %add3A, %lt3A : i32
    %convert_element_type3A = arith.extui %lt3A_1 : i1 to i32
    %cond3A = arith.constant 0 : i32
    %cond3A_2 = arith.cmpi ne, %convert_element_type3A, %cond3A : i32
    scf.if %cond3A_2 {
      "tpu.region"() ({
        %run_scoped3A = tpu.sem_alloc : memref<!tpu.dma_semaphore, #tpu.memory_space<semaphore_mem>>
        %dma_start3A = arith.constant 0 : i32
        %dma_start3A_459 = arith.constant 0 : i32
        %dma_start3A_460 = tpu.memref_slice %arg2[%add3A, %dma_start3A, %dma_start3A_459] : memref<4x72x512xf32, #tpu.memory_space<hbm>> -> memref<1x72x512xf32, #tpu.memory_space<hbm>>
        %dma_start3A_461 = tpu.memref_squeeze %dma_start3A_460 : memref<1x72x512xf32, #tpu.memory_space<hbm>> -> memref<72x512xf32, #tpu.memory_space<hbm>>
        %dma_start3A_462 = arith.constant 0 : i32
        %dma_start3A_463 = arith.constant 0 : i32
        %dma_start3A_464 = tpu.memref_slice %arg2[%add3A, %dma_start3A_462, %dma_start3A_463] : memref<4x72x512xf32, #tpu.memory_space<hbm>> -> memref<1x72x512xf32, #tpu.memory_space<hbm>>
        %dma_start3A_465 = tpu.memref_squeeze %dma_start3A_464 : memref<1x72x512xf32, #tpu.memory_space<hbm>> -> memref<72x512xf32, #tpu.memory_space<hbm>>
        tpu.enqueue_dma source(%dma_start3A_465 : memref<72x512xf32, #tpu.memory_space<hbm>>) target(%arg4 : memref<72x512xf32, #tpu.memory_space<vmem>>) target_semaphore(%run_scoped3A : memref<!tpu.dma_semaphore, #tpu.memory_space<semaphore_mem>>)
        %dma_wait3A = arith.constant 0 : i32
        %dma_wait3A_466 = arith.constant 0 : i32
        %dma_wait3A_467 = tpu.memref_slice %arg2[%add3A, %dma_wait3A, %dma_wait3A_466] : memref<4x72x512xf32, #tpu.memory_space<hbm>> -> memref<1x72x512xf32, #tpu.memory_space<hbm>>
        %dma_wait3A_468 = tpu.memref_squeeze %dma_wait3A_467 : memref<1x72x512xf32, #tpu.memory_space<hbm>> -> memref<72x512xf32, #tpu.memory_space<hbm>>
        %dma_wait3A_469 = arith.constant 0 : i32
        %dma_wait3A_470 = arith.constant 0 : i32
        %dma_wait3A_471 = tpu.memref_slice %arg2[%add3A, %dma_wait3A_469, %dma_wait3A_470] : memref<4x72x512xf32, #tpu.memory_space<hbm>> -> memref<1x72x512xf32, #tpu.memory_space<hbm>>
        %dma_wait3A_472 = tpu.memref_squeeze %dma_wait3A_471 : memref<1x72x512xf32, #tpu.memory_space<hbm>> -> memref<72x512xf32, #tpu.memory_space<hbm>>
        tpu.wait_dma2 semaphore(%run_scoped3A : memref<!tpu.dma_semaphore, #tpu.memory_space<semaphore_mem>>) src(%dma_wait3A_472 : memref<72x512xf32, #tpu.memory_space<hbm>>) dst(%arg4 : memref<72x512xf32, #tpu.memory_space<vmem>>)
        tpu.yield
      }) : () -> ()
      %broadcast_in_dim3A = arith.constant 0.000000e+00 : f32
      %broadcast_in_dim3A_3 = vector.broadcast %broadcast_in_dim3A : f32 to vector<16xf32>
      %broadcast_in_dim3A_4 = arith.constant 0xFF800000 : f32
      %broadcast_in_dim3A_5 = vector.broadcast %broadcast_in_dim3A_4 : f32 to vector<16xf32>
      %iota3A = tpu.iota {dimensions = array<i32: 0>} : vector<16xi32>
      %eq3A = arith.constant 0 : i32
      %eq3A_6 = vector.broadcast %eq3A : i32 to vector<16xi32>
      %eq3A_7 = arith.cmpi eq, %iota3A, %eq3A_6 : vector<16xi32>
      %get3A = arith.constant 64 : i32
      %get3A_8 = arith.index_cast %get3A : i32 to index
      %get3A_9 = arith.constant 0 : index
      %get3A_10 = tpu.vector_load %arg4[%get3A_8, %get3A_9] {strides = array<i32>} : memref<72x512xf32, #tpu.memory_space<vmem>>, vector<16xf32>,
      %swap3A = arith.constant 0 : index
      %swap3A_11 = tpu.vector_load %arg5[%swap3A] {strides = array<i32>} : memref<512xf32, #tpu.memory_space<vmem>>, vector<16xf32>,
      tpu.vector_store %arg5[%swap3A], %get3A_10 {strides = array<i32>} : memref<512xf32, #tpu.memory_space<vmem>>, vector<16xf32>,
      %get3A_12 = arith.constant 64 : i32
      %get3A_13 = arith.index_cast %get3A_12 : i32 to index
      %get3A_14 = arith.constant 16 : index
      %get3A_15 = tpu.vector_load %arg4[%get3A_13, %get3A_14] {strides = array<i32>} : memref<72x512xf32, #tpu.memory_space<vmem>>, vector<16xf32>,
      %swap3A_16 = arith.constant 16 : index
      %swap3A_17 = tpu.vector_load %arg5[%swap3A_16] {strides = array<i32>} : memref<512xf32, #tpu.memory_space<vmem>>, vector<16xf32>,
      tpu.vector_store %arg5[%swap3A_16], %get3A_15 {strides = array<i32>} : memref<512xf32, #tpu.memory_space<vmem>>, vector<16xf32>,
      %get3A_18 = arith.constant 64 : i32
      %get3A_19 = arith.index_cast %get3A_18 : i32 to index
      %get3A_20 = arith.constant 32 : index
      %get3A_21 = tpu.vector_load %arg4[%get3A_19, %get3A_20] {strides = array<i32>} : memref<72x512xf32, #tpu.memory_space<vmem>>, vector<16xf32>,
      %swap3A_22 = arith.constant 32 : index
      %swap3A_23 = tpu.vector_load %arg5[%swap3A_22] {strides = array<i32>} : memref<512xf32, #tpu.memory_space<vmem>>, vector<16xf32>,
      tpu.vector_store %arg5[%swap3A_22], %get3A_21 {strides = array<i32>} : memref<512xf32, #tpu.memory_space<vmem>>, vector<16xf32>,
      %get3A_24 = arith.constant 64 : i32
      %get3A_25 = arith.index_cast %get3A_24 : i32 to index
      %get3A_26 = arith.constant 48 : index
      %get3A_27 = tpu.vector_load %arg4[%get3A_25, %get3A_26] {strides = array<i32>} : memref<72x512xf32, #tpu.memory_space<vmem>>, vector<16xf32>,
      %swap3A_28 = arith.constant 48 : index
      %swap3A_29 = tpu.vector_load %arg5[%swap3A_28] {strides = array<i32>} : memref<512xf32, #tpu.memory_space<vmem>>, vector<16xf32>,
      tpu.vector_store %arg5[%swap3A_28], %get3A_27 {strides = array<i32>} : memref<512xf32, #tpu.memory_space<vmem>>, vector<16xf32>,
      %get3A_30 = arith.constant 64 : i32
      %get3A_31 = arith.index_cast %get3A_30 : i32 to index
      %get3A_32 = arith.constant 64 : index
      %get3A_33 = tpu.vector_load %arg4[%get3A_31, %get3A_32] {strides = array<i32>} : memref<72x512xf32, #tpu.memory_space<vmem>>, vector<16xf32>,
      %swap3A_34 = arith.constant 64 : index
      %swap3A_35 = tpu.vector_load %arg5[%swap3A_34] {strides = array<i32>} : memref<512xf32, #tpu.memory_space<vmem>>, vector<16xf32>,
      tpu.vector_store %arg5[%swap3A_34], %get3A_33 {strides = array<i32>} : memref<512xf32, #tpu.memory_space<vmem>>, vector<16xf32>,
      %get3A_36 = arith.constant 64 : i32
      %get3A_37 = arith.index_cast %get3A_36 : i32 to index
      %get3A_38 = arith.constant 80 : index
      %get3A_39 = tpu.vector_load %arg4[%get3A_37, %get3A_38] {strides = array<i32>} : memref<72x512xf32, #tpu.memory_space<vmem>>, vector<16xf32>,
      %swap3A_40 = arith.constant 80 : index
      %swap3A_41 = tpu.vector_load %arg5[%swap3A_40] {strides = array<i32>} : memref<512xf32, #tpu.memory_space<vmem>>, vector<16xf32>,
      tpu.vector_store %arg5[%swap3A_40], %get3A_39 {strides = array<i32>} : memref<512xf32, #tpu.memory_space<vmem>>, vector<16xf32>,
      %get3A_42 = arith.constant 64 : i32
      %get3A_43 = arith.index_cast %get3A_42 : i32 to index
      %get3A_44 = arith.constant 96 : index
      %get3A_45 = tpu.vector_load %arg4[%get3A_43, %get3A_44] {strides = array<i32>} : memref<72x512xf32, #tpu.memory_space<vmem>>, vector<16xf32>,
      %swap3A_46 = arith.constant 96 : index
      %swap3A_47 = tpu.vector_load %arg5[%swap3A_46] {strides = array<i32>} : memref<512xf32, #tpu.memory_space<vmem>>, vector<16xf32>,
      tpu.vector_store %arg5[%swap3A_46], %get3A_45 {strides = array<i32>} : memref<512xf32, #tpu.memory_space<vmem>>, vector<16xf32>,
      %get3A_48 = arith.constant 64 : i32
      %get3A_49 = arith.index_cast %get3A_48 : i32 to index
      %get3A_50 = arith.constant 112 : index
      %get3A_51 = tpu.vector_load %arg4[%get3A_49, %get3A_50] {strides = array<i32>} : memref<72x512xf32, #tpu.memory_space<vmem>>, vector<16xf32>,
      %swap3A_52 = arith.constant 112 : index
      %swap3A_53 = tpu.vector_load %arg5[%swap3A_52] {strides = array<i32>} : memref<512xf32, #tpu.memory_space<vmem>>, vector<16xf32>,
      tpu.vector_store %arg5[%swap3A_52], %get3A_51 {strides = array<i32>} : memref<512xf32, #tpu.memory_space<vmem>>, vector<16xf32>,
      %get3A_54 = arith.constant 64 : i32
      %get3A_55 = arith.index_cast %get3A_54 : i32 to index
      %get3A_56 = arith.constant 128 : index
      %get3A_57 = tpu.vector_load %arg4[%get3A_55, %get3A_56] {strides = array<i32>} : memref<72x512xf32, #tpu.memory_space<vmem>>, vector<16xf32>,
      %swap3A_58 = arith.constant 128 : index
      %swap3A_59 = tpu.vector_load %arg5[%swap3A_58] {strides = array<i32>} : memref<512xf32, #tpu.memory_space<vmem>>, vector<16xf32>,
      tpu.vector_store %arg5[%swap3A_58], %get3A_57 {strides = array<i32>} : memref<512xf32, #tpu.memory_space<vmem>>, vector<16xf32>,
      %get3A_60 = arith.constant 64 : i32
      %get3A_61 = arith.index_cast %get3A_60 : i32 to index
      %get3A_62 = arith.constant 144 : index
      %get3A_63 = tpu.vector_load %arg4[%get3A_61, %get3A_62] {strides = array<i32>} : memref<72x512xf32, #tpu.memory_space<vmem>>, vector<16xf32>,
      %swap3A_64 = arith.constant 144 : index
      %swap3A_65 = tpu.vector_load %arg5[%swap3A_64] {strides = array<i32>} : memref<512xf32, #tpu.memory_space<vmem>>, vector<16xf32>,
      tpu.vector_store %arg5[%swap3A_64], %get3A_63 {strides = array<i32>} : memref<512xf32, #tpu.memory_space<vmem>>, vector<16xf32>,
      %get3A_66 = arith.constant 64 : i32
      %get3A_67 = arith.index_cast %get3A_66 : i32 to index
      %get3A_68 = arith.constant 160 : index
      %get3A_69 = tpu.vector_load %arg4[%get3A_67, %get3A_68] {strides = array<i32>} : memref<72x512xf32, #tpu.memory_space<vmem>>, vector<16xf32>,
      %swap3A_70 = arith.constant 160 : index
      %swap3A_71 = tpu.vector_load %arg5[%swap3A_70] {strides = array<i32>} : memref<512xf32, #tpu.memory_space<vmem>>, vector<16xf32>,
      tpu.vector_store %arg5[%swap3A_70], %get3A_69 {strides = array<i32>} : memref<512xf32, #tpu.memory_space<vmem>>, vector<16xf32>,
      %get3A_72 = arith.constant 64 : i32
      %get3A_73 = arith.index_cast %get3A_72 : i32 to index
      %get3A_74 = arith.constant 176 : index
      %get3A_75 = tpu.vector_load %arg4[%get3A_73, %get3A_74] {strides = array<i32>} : memref<72x512xf32, #tpu.memory_space<vmem>>, vector<16xf32>,
      %swap3A_76 = arith.constant 176 : index
      %swap3A_77 = tpu.vector_load %arg5[%swap3A_76] {strides = array<i32>} : memref<512xf32, #tpu.memory_space<vmem>>, vector<16xf32>,
      tpu.vector_store %arg5[%swap3A_76], %get3A_75 {strides = array<i32>} : memref<512xf32, #tpu.memory_space<vmem>>, vector<16xf32>,
      %get3A_78 = arith.constant 64 : i32
      %get3A_79 = arith.index_cast %get3A_78 : i32 to index
      %get3A_80 = arith.constant 192 : index
      %get3A_81 = tpu.vector_load %arg4[%get3A_79, %get3A_80] {strides = array<i32>} : memref<72x512xf32, #tpu.memory_space<vmem>>, vector<16xf32>,
      %swap3A_82 = arith.constant 192 : index
      %swap3A_83 = tpu.vector_load %arg5[%swap3A_82] {strides = array<i32>} : memref<512xf32, #tpu.memory_space<vmem>>, vector<16xf32>,
      tpu.vector_store %arg5[%swap3A_82], %get3A_81 {strides = array<i32>} : memref<512xf32, #tpu.memory_space<vmem>>, vector<16xf32>,
      %get3A_84 = arith.constant 64 : i32
      %get3A_85 = arith.index_cast %get3A_84 : i32 to index
      %get3A_86 = arith.constant 208 : index
      %get3A_87 = tpu.vector_load %arg4[%get3A_85, %get3A_86] {strides = array<i32>} : memref<72x512xf32, #tpu.memory_space<vmem>>, vector<16xf32>,
      %swap3A_88 = arith.constant 208 : index
      %swap3A_89 = tpu.vector_load %arg5[%swap3A_88] {strides = array<i32>} : memref<512xf32, #tpu.memory_space<vmem>>, vector<16xf32>,
      tpu.vector_store %arg5[%swap3A_88], %get3A_87 {strides = array<i32>} : memref<512xf32, #tpu.memory_space<vmem>>, vector<16xf32>,
      %get3A_90 = arith.constant 64 : i32
      %get3A_91 = arith.index_cast %get3A_90 : i32 to index
      %get3A_92 = arith.constant 224 : index
      %get3A_93 = tpu.vector_load %arg4[%get3A_91, %get3A_92] {strides = array<i32>} : memref<72x512xf32, #tpu.memory_space<vmem>>, vector<16xf32>,
      %swap3A_94 = arith.constant 224 : index
      %swap3A_95 = tpu.vector_load %arg5[%swap3A_94] {strides = array<i32>} : memref<512xf32, #tpu.memory_space<vmem>>, vector<16xf32>,
      tpu.vector_store %arg5[%swap3A_94], %get3A_93 {strides = array<i32>} : memref<512xf32, #tpu.memory_space<vmem>>, vector<16xf32>,
      %get3A_96 = arith.constant 64 : i32
      %get3A_97 = arith.index_cast %get3A_96 : i32 to index
      %get3A_98 = arith.constant 240 : index
      %get3A_99 = tpu.vector_load %arg4[%get3A_97, %get3A_98] {strides = array<i32>} : memref<72x512xf32, #tpu.memory_space<vmem>>, vector<16xf32>,
      %swap3A_100 = arith.constant 240 : index
      %swap3A_101 = tpu.vector_load %arg5[%swap3A_100] {strides = array<i32>} : memref<512xf32, #tpu.memory_space<vmem>>, vector<16xf32>,
      tpu.vector_store %arg5[%swap3A_100], %get3A_99 {strides = array<i32>} : memref<512xf32, #tpu.memory_space<vmem>>, vector<16xf32>,
      %get3A_102 = arith.constant 64 : i32
      %get3A_103 = arith.index_cast %get3A_102 : i32 to index
      %get3A_104 = arith.constant 256 : index
      %get3A_105 = tpu.vector_load %arg4[%get3A_103, %get3A_104] {strides = array<i32>} : memref<72x512xf32, #tpu.memory_space<vmem>>, vector<16xf32>,
      %swap3A_106 = arith.constant 256 : index
      %swap3A_107 = tpu.vector_load %arg5[%swap3A_106] {strides = array<i32>} : memref<512xf32, #tpu.memory_space<vmem>>, vector<16xf32>,
      tpu.vector_store %arg5[%swap3A_106], %get3A_105 {strides = array<i32>} : memref<512xf32, #tpu.memory_space<vmem>>, vector<16xf32>,
      %get3A_108 = arith.constant 64 : i32
      %get3A_109 = arith.index_cast %get3A_108 : i32 to index
      %get3A_110 = arith.constant 272 : index
      %get3A_111 = tpu.vector_load %arg4[%get3A_109, %get3A_110] {strides = array<i32>} : memref<72x512xf32, #tpu.memory_space<vmem>>, vector<16xf32>,
      %swap3A_112 = arith.constant 272 : index
      %swap3A_113 = tpu.vector_load %arg5[%swap3A_112] {strides = array<i32>} : memref<512xf32, #tpu.memory_space<vmem>>, vector<16xf32>,
      tpu.vector_store %arg5[%swap3A_112], %get3A_111 {strides = array<i32>} : memref<512xf32, #tpu.memory_space<vmem>>, vector<16xf32>,
      %get3A_114 = arith.constant 64 : i32
      %get3A_115 = arith.index_cast %get3A_114 : i32 to index
      %get3A_116 = arith.constant 288 : index
      %get3A_117 = tpu.vector_load %arg4[%get3A_115, %get3A_116] {strides = array<i32>} : memref<72x512xf32, #tpu.memory_space<vmem>>, vector<16xf32>,
      %swap3A_118 = arith.constant 288 : index
      %swap3A_119 = tpu.vector_load %arg5[%swap3A_118] {strides = array<i32>} : memref<512xf32, #tpu.memory_space<vmem>>, vector<16xf32>,
      tpu.vector_store %arg5[%swap3A_118], %get3A_117 {strides = array<i32>} : memref<512xf32, #tpu.memory_space<vmem>>, vector<16xf32>,
      %get3A_120 = arith.constant 64 : i32
      %get3A_121 = arith.index_cast %get3A_120 : i32 to index
      %get3A_122 = arith.constant 304 : index
      %get3A_123 = tpu.vector_load %arg4[%get3A_121, %get3A_122] {strides = array<i32>} : memref<72x512xf32, #tpu.memory_space<vmem>>, vector<16xf32>,
      %swap3A_124 = arith.constant 304 : index
      %swap3A_125 = tpu.vector_load %arg5[%swap3A_124] {strides = array<i32>} : memref<512xf32, #tpu.memory_space<vmem>>, vector<16xf32>,
      tpu.vector_store %arg5[%swap3A_124], %get3A_123 {strides = array<i32>} : memref<512xf32, #tpu.memory_space<vmem>>, vector<16xf32>,
      %get3A_126 = arith.constant 64 : i32
      %get3A_127 = arith.index_cast %get3A_126 : i32 to index
      %get3A_128 = arith.constant 320 : index
      %get3A_129 = tpu.vector_load %arg4[%get3A_127, %get3A_128] {strides = array<i32>} : memref<72x512xf32, #tpu.memory_space<vmem>>, vector<16xf32>,
      %swap3A_130 = arith.constant 320 : index
      %swap3A_131 = tpu.vector_load %arg5[%swap3A_130] {strides = array<i32>} : memref<512xf32, #tpu.memory_space<vmem>>, vector<16xf32>,
      tpu.vector_store %arg5[%swap3A_130], %get3A_129 {strides = array<i32>} : memref<512xf32, #tpu.memory_space<vmem>>, vector<16xf32>,
      %get3A_132 = arith.constant 64 : i32
      %get3A_133 = arith.index_cast %get3A_132 : i32 to index
      %get3A_134 = arith.constant 336 : index
      %get3A_135 = tpu.vector_load %arg4[%get3A_133, %get3A_134] {strides = array<i32>} : memref<72x512xf32, #tpu.memory_space<vmem>>, vector<16xf32>,
      %swap3A_136 = arith.constant 336 : index
      %swap3A_137 = tpu.vector_load %arg5[%swap3A_136] {strides = array<i32>} : memref<512xf32, #tpu.memory_space<vmem>>, vector<16xf32>,
      tpu.vector_store %arg5[%swap3A_136], %get3A_135 {strides = array<i32>} : memref<512xf32, #tpu.memory_space<vmem>>, vector<16xf32>,
      %get3A_138 = arith.constant 64 : i32
      %get3A_139 = arith.index_cast %get3A_138 : i32 to index
      %get3A_140 = arith.constant 352 : index
      %get3A_141 = tpu.vector_load %arg4[%get3A_139, %get3A_140] {strides = array<i32>} : memref<72x512xf32, #tpu.memory_space<vmem>>, vector<16xf32>,
      %swap3A_142 = arith.constant 352 : index
      %swap3A_143 = tpu.vector_load %arg5[%swap3A_142] {strides = array<i32>} : memref<512xf32, #tpu.memory_space<vmem>>, vector<16xf32>,
      tpu.vector_store %arg5[%swap3A_142], %get3A_141 {strides = array<i32>} : memref<512xf32, #tpu.memory_space<vmem>>, vector<16xf32>,
      %get3A_144 = arith.constant 64 : i32
      %get3A_145 = arith.index_cast %get3A_144 : i32 to index
      %get3A_146 = arith.constant 368 : index
      %get3A_147 = tpu.vector_load %arg4[%get3A_145, %get3A_146] {strides = array<i32>} : memref<72x512xf32, #tpu.memory_space<vmem>>, vector<16xf32>,
      %swap3A_148 = arith.constant 368 : index
      %swap3A_149 = tpu.vector_load %arg5[%swap3A_148] {strides = array<i32>} : memref<512xf32, #tpu.memory_space<vmem>>, vector<16xf32>,
      tpu.vector_store %arg5[%swap3A_148], %get3A_147 {strides = array<i32>} : memref<512xf32, #tpu.memory_space<vmem>>, vector<16xf32>,
      %get3A_150 = arith.constant 64 : i32
      %get3A_151 = arith.index_cast %get3A_150 : i32 to index
      %get3A_152 = arith.constant 384 : index
      %get3A_153 = tpu.vector_load %arg4[%get3A_151, %get3A_152] {strides = array<i32>} : memref<72x512xf32, #tpu.memory_space<vmem>>, vector<16xf32>,
      %swap3A_154 = arith.constant 384 : index
      %swap3A_155 = tpu.vector_load %arg5[%swap3A_154] {strides = array<i32>} : memref<512xf32, #tpu.memory_space<vmem>>, vector<16xf32>,
      tpu.vector_store %arg5[%swap3A_154], %get3A_153 {strides = array<i32>} : memref<512xf32, #tpu.memory_space<vmem>>, vector<16xf32>,
      %get3A_156 = arith.constant 64 : i32
      %get3A_157 = arith.index_cast %get3A_156 : i32 to index
      %get3A_158 = arith.constant 400 : index
      %get3A_159 = tpu.vector_load %arg4[%get3A_157, %get3A_158] {strides = array<i32>} : memref<72x512xf32, #tpu.memory_space<vmem>>, vector<16xf32>,
      %swap3A_160 = arith.constant 400 : index
      %swap3A_161 = tpu.vector_load %arg5[%swap3A_160] {strides = array<i32>} : memref<512xf32, #tpu.memory_space<vmem>>, vector<16xf32>,
      tpu.vector_store %arg5[%swap3A_160], %get3A_159 {strides = array<i32>} : memref<512xf32, #tpu.memory_space<vmem>>, vector<16xf32>,
      %get3A_162 = arith.constant 64 : i32
      %get3A_163 = arith.index_cast %get3A_162 : i32 to index
      %get3A_164 = arith.constant 416 : index
      %get3A_165 = tpu.vector_load %arg4[%get3A_163, %get3A_164] {strides = array<i32>} : memref<72x512xf32, #tpu.memory_space<vmem>>, vector<16xf32>,
      %swap3A_166 = arith.constant 416 : index
      %swap3A_167 = tpu.vector_load %arg5[%swap3A_166] {strides = array<i32>} : memref<512xf32, #tpu.memory_space<vmem>>, vector<16xf32>,
      tpu.vector_store %arg5[%swap3A_166], %get3A_165 {strides = array<i32>} : memref<512xf32, #tpu.memory_space<vmem>>, vector<16xf32>,
      %get3A_168 = arith.constant 64 : i32
      %get3A_169 = arith.index_cast %get3A_168 : i32 to index
      %get3A_170 = arith.constant 432 : index
      %get3A_171 = tpu.vector_load %arg4[%get3A_169, %get3A_170] {strides = array<i32>} : memref<72x512xf32, #tpu.memory_space<vmem>>, vector<16xf32>,
      %swap3A_172 = arith.constant 432 : index
      %swap3A_173 = tpu.vector_load %arg5[%swap3A_172] {strides = array<i32>} : memref<512xf32, #tpu.memory_space<vmem>>, vector<16xf32>,
      tpu.vector_store %arg5[%swap3A_172], %get3A_171 {strides = array<i32>} : memref<512xf32, #tpu.memory_space<vmem>>, vector<16xf32>,
      %get3A_174 = arith.constant 64 : i32
      %get3A_175 = arith.index_cast %get3A_174 : i32 to index
      %get3A_176 = arith.constant 448 : index
      %get3A_177 = tpu.vector_load %arg4[%get3A_175, %get3A_176] {strides = array<i32>} : memref<72x512xf32, #tpu.memory_space<vmem>>, vector<16xf32>,
      %swap3A_178 = arith.constant 448 : index
      %swap3A_179 = tpu.vector_load %arg5[%swap3A_178] {strides = array<i32>} : memref<512xf32, #tpu.memory_space<vmem>>, vector<16xf32>,
      tpu.vector_store %arg5[%swap3A_178], %get3A_177 {strides = array<i32>} : memref<512xf32, #tpu.memory_space<vmem>>, vector<16xf32>,
      %get3A_180 = arith.constant 64 : i32
      %get3A_181 = arith.index_cast %get3A_180 : i32 to index
      %get3A_182 = arith.constant 464 : index
      %get3A_183 = tpu.vector_load %arg4[%get3A_181, %get3A_182] {strides = array<i32>} : memref<72x512xf32, #tpu.memory_space<vmem>>, vector<16xf32>,
      %swap3A_184 = arith.constant 464 : index
      %swap3A_185 = tpu.vector_load %arg5[%swap3A_184] {strides = array<i32>} : memref<512xf32, #tpu.memory_space<vmem>>, vector<16xf32>,
      tpu.vector_store %arg5[%swap3A_184], %get3A_183 {strides = array<i32>} : memref<512xf32, #tpu.memory_space<vmem>>, vector<16xf32>,
      %get3A_186 = arith.constant 64 : i32
      %get3A_187 = arith.index_cast %get3A_186 : i32 to index
      %get3A_188 = arith.constant 480 : index
      %get3A_189 = tpu.vector_load %arg4[%get3A_187, %get3A_188] {strides = array<i32>} : memref<72x512xf32, #tpu.memory_space<vmem>>, vector<16xf32>,
      %swap3A_190 = arith.constant 480 : index
      %swap3A_191 = tpu.vector_load %arg5[%swap3A_190] {strides = array<i32>} : memref<512xf32, #tpu.memory_space<vmem>>, vector<16xf32>,
      tpu.vector_store %arg5[%swap3A_190], %get3A_189 {strides = array<i32>} : memref<512xf32, #tpu.memory_space<vmem>>, vector<16xf32>,
      %get3A_192 = arith.constant 64 : i32
      %get3A_193 = arith.index_cast %get3A_192 : i32 to index
      %get3A_194 = arith.constant 496 : index
      %get3A_195 = tpu.vector_load %arg4[%get3A_193, %get3A_194] {strides = array<i32>} : memref<72x512xf32, #tpu.memory_space<vmem>>, vector<16xf32>,
      %swap3A_196 = arith.constant 496 : index
      %swap3A_197 = tpu.vector_load %arg5[%swap3A_196] {strides = array<i32>} : memref<512xf32, #tpu.memory_space<vmem>>, vector<16xf32>,
      tpu.vector_store %arg5[%swap3A_196], %get3A_195 {strides = array<i32>} : memref<512xf32, #tpu.memory_space<vmem>>, vector<16xf32>,
      %get3A_198 = arith.constant 67 : i32
      %get3A_199 = arith.index_cast %get3A_198 : i32 to index
      %get3A_200 = arith.constant 0 : index
      %get3A_201 = tpu.vector_load %arg4[%get3A_199, %get3A_200] {strides = array<i32>} : memref<72x512xf32, #tpu.memory_space<vmem>>, vector<16xf32>,
      %convert_element_type3A_202 = arith.fptosi %get3A_201 : vector<16xf32> to vector<16xi32>
      %swap3A_203 = arith.constant 0 : index
      %swap3A_204 = tpu.vector_load %arg7[%swap3A_203] {strides = array<i32>} : memref<64xi32, #tpu.memory_space<vmem>>, vector<16xi32>,
      tpu.vector_store %arg7[%swap3A_203], %convert_element_type3A_202 {strides = array<i32>} : memref<64xi32, #tpu.memory_space<vmem>>, vector<16xi32>,
      %get3A_205 = arith.constant 67 : i32
      %get3A_206 = arith.index_cast %get3A_205 : i32 to index
      %get3A_207 = arith.constant 16 : index
      %get3A_208 = tpu.vector_load %arg4[%get3A_206, %get3A_207] {strides = array<i32>} : memref<72x512xf32, #tpu.memory_space<vmem>>, vector<16xf32>,
      %convert_element_type3A_209 = arith.fptosi %get3A_208 : vector<16xf32> to vector<16xi32>
      %swap3A_210 = arith.constant 16 : index
      %swap3A_211 = tpu.vector_load %arg7[%swap3A_210] {strides = array<i32>} : memref<64xi32, #tpu.memory_space<vmem>>, vector<16xi32>,
      tpu.vector_store %arg7[%swap3A_210], %convert_element_type3A_209 {strides = array<i32>} : memref<64xi32, #tpu.memory_space<vmem>>, vector<16xi32>,
      %get3A_212 = arith.constant 67 : i32
      %get3A_213 = arith.index_cast %get3A_212 : i32 to index
      %get3A_214 = arith.constant 32 : index
      %get3A_215 = tpu.vector_load %arg4[%get3A_213, %get3A_214] {strides = array<i32>} : memref<72x512xf32, #tpu.memory_space<vmem>>, vector<16xf32>,
      %convert_element_type3A_216 = arith.fptosi %get3A_215 : vector<16xf32> to vector<16xi32>
      %swap3A_217 = arith.constant 32 : index
      %swap3A_218 = tpu.vector_load %arg7[%swap3A_217] {strides = array<i32>} : memref<64xi32, #tpu.memory_space<vmem>>, vector<16xi32>,
      tpu.vector_store %arg7[%swap3A_217], %convert_element_type3A_216 {strides = array<i32>} : memref<64xi32, #tpu.memory_space<vmem>>, vector<16xi32>,
      %get3A_219 = arith.constant 67 : i32
      %get3A_220 = arith.index_cast %get3A_219 : i32 to index
      %get3A_221 = arith.constant 48 : index
      %get3A_222 = tpu.vector_load %arg4[%get3A_220, %get3A_221] {strides = array<i32>} : memref<72x512xf32, #tpu.memory_space<vmem>>, vector<16xf32>,
      %convert_element_type3A_223 = arith.fptosi %get3A_222 : vector<16xf32> to vector<16xi32>
      %swap3A_224 = arith.constant 48 : index
      %swap3A_225 = tpu.vector_load %arg7[%swap3A_224] {strides = array<i32>} : memref<64xi32, #tpu.memory_space<vmem>>, vector<16xi32>,
      tpu.vector_store %arg7[%swap3A_224], %convert_element_type3A_223 {strides = array<i32>} : memref<64xi32, #tpu.memory_space<vmem>>, vector<16xi32>,
      %scan3A = arith.constant 0 : i32
      %scan3A_226 = arith.constant 0 : i32
      %scan3A_227 = arith.constant 64 : i32
      %scan3A_228 = arith.addi %scan3A_226, %scan3A_227 : i32
      %scan3A_229 = arith.constant 1 : i32
      scf.for %scan3A_459 = %scan3A_226 to %scan3A_228 step %scan3A_229  : i32 {
        %broadcast_in_dim3A_460 = vector.broadcast %scan3A_459 : i32 to vector<16xi32>
        %gather3A_461 = tpu.vector_load_idx %arg7[%broadcast_in_dim3A_460] : memref<64xi32, #tpu.memory_space<vmem>>[vector<16xi32>], vector<16xi32>,
        %gather3A_462 = tpu.vector_load_idx %arg5[%gather3A_461] : memref<512xf32, #tpu.memory_space<vmem>>[vector<16xi32>], vector<16xf32>,
        %slice3A = vector.extract_strided_slice %gather3A_462 {offsets = [0], sizes = [1], strides = [1]} : vector<16xf32> to vector<1xf32>
        %squeeze3A = vector.extract %slice3A[0] : f32 from vector<1xf32>
        %gt3A = arith.constant -3.000000e+38 : f32
        %gt3A_463 = arith.cmpf ogt, %squeeze3A, %gt3A : f32
        %convert_element_type3A_464 = arith.extui %gt3A_463 : i1 to i32
        %cond3A_465 = arith.constant 0 : i32
        %cond3A_466 = arith.cmpi ne, %convert_element_type3A_464, %cond3A_465 : i32
        %cond3A_467 = scf.if %cond3A_466 -> (vector<16xi32>) {
          scf.yield %gather3A_461 : vector<16xi32>
        } else {
          %get3A_468 = arith.index_cast %scan3A_459 : i32 to index
          %get3A_469 = arith.constant 0 : index
          %get3A_470 = tpu.vector_load %arg4[%get3A_468, %get3A_469] {strides = array<i32>} : memref<72x512xf32, #tpu.memory_space<vmem>>, vector<16xf32>,
          %get3A_471 = arith.constant 0 : index
          %get3A_472 = tpu.vector_load %arg5[%get3A_471] {strides = array<i32>} : memref<512xf32, #tpu.memory_space<vmem>>, vector<16xf32>,
          %add3A_473 = arith.addf %get3A_470, %get3A_472 : vector<16xf32>
          %add3A_474 = arith.constant 0 : i32
          %add3A_475 = vector.broadcast %add3A_474 : i32 to vector<16xi32>
          %add3A_476 = arith.addi %iota3A, %add3A_475 : vector<16xi32>
          %get3A_477 = arith.index_cast %scan3A_459 : i32 to index
          %get3A_478 = arith.constant 16 : index
          %get3A_479 = tpu.vector_load %arg4[%get3A_477, %get3A_478] {strides = array<i32>} : memref<72x512xf32, #tpu.memory_space<vmem>>, vector<16xf32>,
          %get3A_480 = arith.constant 16 : index
          %get3A_481 = tpu.vector_load %arg5[%get3A_480] {strides = array<i32>} : memref<512xf32, #tpu.memory_space<vmem>>, vector<16xf32>,
          %add3A_482 = arith.addf %get3A_479, %get3A_481 : vector<16xf32>
          %add3A_483 = arith.constant 16 : i32
          %add3A_484 = vector.broadcast %add3A_483 : i32 to vector<16xi32>
          %add3A_485 = arith.addi %iota3A, %add3A_484 : vector<16xi32>
          %get3A_486 = arith.index_cast %scan3A_459 : i32 to index
          %get3A_487 = arith.constant 32 : index
          %get3A_488 = tpu.vector_load %arg4[%get3A_486, %get3A_487] {strides = array<i32>} : memref<72x512xf32, #tpu.memory_space<vmem>>, vector<16xf32>,
          %get3A_489 = arith.constant 32 : index
          %get3A_490 = tpu.vector_load %arg5[%get3A_489] {strides = array<i32>} : memref<512xf32, #tpu.memory_space<vmem>>, vector<16xf32>,
          %add3A_491 = arith.addf %get3A_488, %get3A_490 : vector<16xf32>
          %add3A_492 = arith.constant 32 : i32
          %add3A_493 = vector.broadcast %add3A_492 : i32 to vector<16xi32>
          %add3A_494 = arith.addi %iota3A, %add3A_493 : vector<16xi32>
          %get3A_495 = arith.index_cast %scan3A_459 : i32 to index
          %get3A_496 = arith.constant 48 : index
          %get3A_497 = tpu.vector_load %arg4[%get3A_495, %get3A_496] {strides = array<i32>} : memref<72x512xf32, #tpu.memory_space<vmem>>, vector<16xf32>,
          %get3A_498 = arith.constant 48 : index
          %get3A_499 = tpu.vector_load %arg5[%get3A_498] {strides = array<i32>} : memref<512xf32, #tpu.memory_space<vmem>>, vector<16xf32>,
          %add3A_500 = arith.addf %get3A_497, %get3A_499 : vector<16xf32>
          %add3A_501 = arith.constant 48 : i32
          %add3A_502 = vector.broadcast %add3A_501 : i32 to vector<16xi32>
          %add3A_503 = arith.addi %iota3A, %add3A_502 : vector<16xi32>
          %get3A_504 = arith.index_cast %scan3A_459 : i32 to index
          %get3A_505 = arith.constant 64 : index
          %get3A_506 = tpu.vector_load %arg4[%get3A_504, %get3A_505] {strides = array<i32>} : memref<72x512xf32, #tpu.memory_space<vmem>>, vector<16xf32>,
          %get3A_507 = arith.constant 64 : index
          %get3A_508 = tpu.vector_load %arg5[%get3A_507] {strides = array<i32>} : memref<512xf32, #tpu.memory_space<vmem>>, vector<16xf32>,
          %add3A_509 = arith.addf %get3A_506, %get3A_508 : vector<16xf32>
          %add3A_510 = arith.constant 64 : i32
          %add3A_511 = vector.broadcast %add3A_510 : i32 to vector<16xi32>
          %add3A_512 = arith.addi %iota3A, %add3A_511 : vector<16xi32>
          %get3A_513 = arith.index_cast %scan3A_459 : i32 to index
          %get3A_514 = arith.constant 80 : index
          %get3A_515 = tpu.vector_load %arg4[%get3A_513, %get3A_514] {strides = array<i32>} : memref<72x512xf32, #tpu.memory_space<vmem>>, vector<16xf32>,
          %get3A_516 = arith.constant 80 : index
          %get3A_517 = tpu.vector_load %arg5[%get3A_516] {strides = array<i32>} : memref<512xf32, #tpu.memory_space<vmem>>, vector<16xf32>,
          %add3A_518 = arith.addf %get3A_515, %get3A_517 : vector<16xf32>
          %add3A_519 = arith.constant 80 : i32
          %add3A_520 = vector.broadcast %add3A_519 : i32 to vector<16xi32>
          %add3A_521 = arith.addi %iota3A, %add3A_520 : vector<16xi32>
          %get3A_522 = arith.index_cast %scan3A_459 : i32 to index
          %get3A_523 = arith.constant 96 : index
          %get3A_524 = tpu.vector_load %arg4[%get3A_522, %get3A_523] {strides = array<i32>} : memref<72x512xf32, #tpu.memory_space<vmem>>, vector<16xf32>,
          %get3A_525 = arith.constant 96 : index
          %get3A_526 = tpu.vector_load %arg5[%get3A_525] {strides = array<i32>} : memref<512xf32, #tpu.memory_space<vmem>>, vector<16xf32>,
          %add3A_527 = arith.addf %get3A_524, %get3A_526 : vector<16xf32>
          %add3A_528 = arith.constant 96 : i32
          %add3A_529 = vector.broadcast %add3A_528 : i32 to vector<16xi32>
          %add3A_530 = arith.addi %iota3A, %add3A_529 : vector<16xi32>
          %get3A_531 = arith.index_cast %scan3A_459 : i32 to index
          %get3A_532 = arith.constant 112 : index
          %get3A_533 = tpu.vector_load %arg4[%get3A_531, %get3A_532] {strides = array<i32>} : memref<72x512xf32, #tpu.memory_space<vmem>>, vector<16xf32>,
          %get3A_534 = arith.constant 112 : index
          %get3A_535 = tpu.vector_load %arg5[%get3A_534] {strides = array<i32>} : memref<512xf32, #tpu.memory_space<vmem>>, vector<16xf32>,
          %add3A_536 = arith.addf %get3A_533, %get3A_535 : vector<16xf32>
          %add3A_537 = arith.constant 112 : i32
          %add3A_538 = vector.broadcast %add3A_537 : i32 to vector<16xi32>
          %add3A_539 = arith.addi %iota3A, %add3A_538 : vector<16xi32>
          %get3A_540 = arith.index_cast %scan3A_459 : i32 to index
          %get3A_541 = arith.constant 128 : index
          %get3A_542 = tpu.vector_load %arg4[%get3A_540, %get3A_541] {strides = array<i32>} : memref<72x512xf32, #tpu.memory_space<vmem>>, vector<16xf32>,
          %get3A_543 = arith.constant 128 : index
          %get3A_544 = tpu.vector_load %arg5[%get3A_543] {strides = array<i32>} : memref<512xf32, #tpu.memory_space<vmem>>, vector<16xf32>,
          %add3A_545 = arith.addf %get3A_542, %get3A_544 : vector<16xf32>
          %add3A_546 = arith.constant 128 : i32
          %add3A_547 = vector.broadcast %add3A_546 : i32 to vector<16xi32>
          %add3A_548 = arith.addi %iota3A, %add3A_547 : vector<16xi32>
          %get3A_549 = arith.index_cast %scan3A_459 : i32 to index
          %get3A_550 = arith.constant 144 : index
          %get3A_551 = tpu.vector_load %arg4[%get3A_549, %get3A_550] {strides = array<i32>} : memref<72x512xf32, #tpu.memory_space<vmem>>, vector<16xf32>,
          %get3A_552 = arith.constant 144 : index
          %get3A_553 = tpu.vector_load %arg5[%get3A_552] {strides = array<i32>} : memref<512xf32, #tpu.memory_space<vmem>>, vector<16xf32>,
          %add3A_554 = arith.addf %get3A_551, %get3A_553 : vector<16xf32>
          %add3A_555 = arith.constant 144 : i32
          %add3A_556 = vector.broadcast %add3A_555 : i32 to vector<16xi32>
          %add3A_557 = arith.addi %iota3A, %add3A_556 : vector<16xi32>
          %get3A_558 = arith.index_cast %scan3A_459 : i32 to index
          %get3A_559 = arith.constant 160 : index
          %get3A_560 = tpu.vector_load %arg4[%get3A_558, %get3A_559] {strides = array<i32>} : memref<72x512xf32, #tpu.memory_space<vmem>>, vector<16xf32>,
          %get3A_561 = arith.constant 160 : index
          %get3A_562 = tpu.vector_load %arg5[%get3A_561] {strides = array<i32>} : memref<512xf32, #tpu.memory_space<vmem>>, vector<16xf32>,
          %add3A_563 = arith.addf %get3A_560, %get3A_562 : vector<16xf32>
          %add3A_564 = arith.constant 160 : i32
          %add3A_565 = vector.broadcast %add3A_564 : i32 to vector<16xi32>
          %add3A_566 = arith.addi %iota3A, %add3A_565 : vector<16xi32>
          %get3A_567 = arith.index_cast %scan3A_459 : i32 to index
          %get3A_568 = arith.constant 176 : index
          %get3A_569 = tpu.vector_load %arg4[%get3A_567, %get3A_568] {strides = array<i32>} : memref<72x512xf32, #tpu.memory_space<vmem>>, vector<16xf32>,
          %get3A_570 = arith.constant 176 : index
          %get3A_571 = tpu.vector_load %arg5[%get3A_570] {strides = array<i32>} : memref<512xf32, #tpu.memory_space<vmem>>, vector<16xf32>,
          %add3A_572 = arith.addf %get3A_569, %get3A_571 : vector<16xf32>
          %add3A_573 = arith.constant 176 : i32
          %add3A_574 = vector.broadcast %add3A_573 : i32 to vector<16xi32>
          %add3A_575 = arith.addi %iota3A, %add3A_574 : vector<16xi32>
          %get3A_576 = arith.index_cast %scan3A_459 : i32 to index
          %get3A_577 = arith.constant 192 : index
          %get3A_578 = tpu.vector_load %arg4[%get3A_576, %get3A_577] {strides = array<i32>} : memref<72x512xf32, #tpu.memory_space<vmem>>, vector<16xf32>,
          %get3A_579 = arith.constant 192 : index
          %get3A_580 = tpu.vector_load %arg5[%get3A_579] {strides = array<i32>} : memref<512xf32, #tpu.memory_space<vmem>>, vector<16xf32>,
          %add3A_581 = arith.addf %get3A_578, %get3A_580 : vector<16xf32>
          %add3A_582 = arith.constant 192 : i32
          %add3A_583 = vector.broadcast %add3A_582 : i32 to vector<16xi32>
          %add3A_584 = arith.addi %iota3A, %add3A_583 : vector<16xi32>
          %get3A_585 = arith.index_cast %scan3A_459 : i32 to index
          %get3A_586 = arith.constant 208 : index
          %get3A_587 = tpu.vector_load %arg4[%get3A_585, %get3A_586] {strides = array<i32>} : memref<72x512xf32, #tpu.memory_space<vmem>>, vector<16xf32>,
          %get3A_588 = arith.constant 208 : index
          %get3A_589 = tpu.vector_load %arg5[%get3A_588] {strides = array<i32>} : memref<512xf32, #tpu.memory_space<vmem>>, vector<16xf32>,
          %add3A_590 = arith.addf %get3A_587, %get3A_589 : vector<16xf32>
          %add3A_591 = arith.constant 208 : i32
          %add3A_592 = vector.broadcast %add3A_591 : i32 to vector<16xi32>
          %add3A_593 = arith.addi %iota3A, %add3A_592 : vector<16xi32>
          %get3A_594 = arith.index_cast %scan3A_459 : i32 to index
          %get3A_595 = arith.constant 224 : index
          %get3A_596 = tpu.vector_load %arg4[%get3A_594, %get3A_595] {strides = array<i32>} : memref<72x512xf32, #tpu.memory_space<vmem>>, vector<16xf32>,
          %get3A_597 = arith.constant 224 : index
          %get3A_598 = tpu.vector_load %arg5[%get3A_597] {strides = array<i32>} : memref<512xf32, #tpu.memory_space<vmem>>, vector<16xf32>,
          %add3A_599 = arith.addf %get3A_596, %get3A_598 : vector<16xf32>
          %add3A_600 = arith.constant 224 : i32
          %add3A_601 = vector.broadcast %add3A_600 : i32 to vector<16xi32>
          %add3A_602 = arith.addi %iota3A, %add3A_601 : vector<16xi32>
          %get3A_603 = arith.index_cast %scan3A_459 : i32 to index
          %get3A_604 = arith.constant 240 : index
          %get3A_605 = tpu.vector_load %arg4[%get3A_603, %get3A_604] {strides = array<i32>} : memref<72x512xf32, #tpu.memory_space<vmem>>, vector<16xf32>,
          %get3A_606 = arith.constant 240 : index
          %get3A_607 = tpu.vector_load %arg5[%get3A_606] {strides = array<i32>} : memref<512xf32, #tpu.memory_space<vmem>>, vector<16xf32>,
          %add3A_608 = arith.addf %get3A_605, %get3A_607 : vector<16xf32>
          %add3A_609 = arith.constant 240 : i32
          %add3A_610 = vector.broadcast %add3A_609 : i32 to vector<16xi32>
          %add3A_611 = arith.addi %iota3A, %add3A_610 : vector<16xi32>
          %get3A_612 = arith.index_cast %scan3A_459 : i32 to index
          %get3A_613 = arith.constant 256 : index
          %get3A_614 = tpu.vector_load %arg4[%get3A_612, %get3A_613] {strides = array<i32>} : memref<72x512xf32, #tpu.memory_space<vmem>>, vector<16xf32>,
          %get3A_615 = arith.constant 256 : index
          %get3A_616 = tpu.vector_load %arg5[%get3A_615] {strides = array<i32>} : memref<512xf32, #tpu.memory_space<vmem>>, vector<16xf32>,
          %add3A_617 = arith.addf %get3A_614, %get3A_616 : vector<16xf32>
          %add3A_618 = arith.constant 256 : i32
          %add3A_619 = vector.broadcast %add3A_618 : i32 to vector<16xi32>
          %add3A_620 = arith.addi %iota3A, %add3A_619 : vector<16xi32>
          %get3A_621 = arith.index_cast %scan3A_459 : i32 to index
          %get3A_622 = arith.constant 272 : index
          %get3A_623 = tpu.vector_load %arg4[%get3A_621, %get3A_622] {strides = array<i32>} : memref<72x512xf32, #tpu.memory_space<vmem>>, vector<16xf32>,
          %get3A_624 = arith.constant 272 : index
          %get3A_625 = tpu.vector_load %arg5[%get3A_624] {strides = array<i32>} : memref<512xf32, #tpu.memory_space<vmem>>, vector<16xf32>,
          %add3A_626 = arith.addf %get3A_623, %get3A_625 : vector<16xf32>
          %add3A_627 = arith.constant 272 : i32
          %add3A_628 = vector.broadcast %add3A_627 : i32 to vector<16xi32>
          %add3A_629 = arith.addi %iota3A, %add3A_628 : vector<16xi32>
          %get3A_630 = arith.index_cast %scan3A_459 : i32 to index
          %get3A_631 = arith.constant 288 : index
          %get3A_632 = tpu.vector_load %arg4[%get3A_630, %get3A_631] {strides = array<i32>} : memref<72x512xf32, #tpu.memory_space<vmem>>, vector<16xf32>,
          %get3A_633 = arith.constant 288 : index
          %get3A_634 = tpu.vector_load %arg5[%get3A_633] {strides = array<i32>} : memref<512xf32, #tpu.memory_space<vmem>>, vector<16xf32>,
          %add3A_635 = arith.addf %get3A_632, %get3A_634 : vector<16xf32>
          %add3A_636 = arith.constant 288 : i32
          %add3A_637 = vector.broadcast %add3A_636 : i32 to vector<16xi32>
          %add3A_638 = arith.addi %iota3A, %add3A_637 : vector<16xi32>
          %get3A_639 = arith.index_cast %scan3A_459 : i32 to index
          %get3A_640 = arith.constant 304 : index
          %get3A_641 = tpu.vector_load %arg4[%get3A_639, %get3A_640] {strides = array<i32>} : memref<72x512xf32, #tpu.memory_space<vmem>>, vector<16xf32>,
          %get3A_642 = arith.constant 304 : index
          %get3A_643 = tpu.vector_load %arg5[%get3A_642] {strides = array<i32>} : memref<512xf32, #tpu.memory_space<vmem>>, vector<16xf32>,
          %add3A_644 = arith.addf %get3A_641, %get3A_643 : vector<16xf32>
          %add3A_645 = arith.constant 304 : i32
          %add3A_646 = vector.broadcast %add3A_645 : i32 to vector<16xi32>
          %add3A_647 = arith.addi %iota3A, %add3A_646 : vector<16xi32>
          %get3A_648 = arith.index_cast %scan3A_459 : i32 to index
          %get3A_649 = arith.constant 320 : index
          %get3A_650 = tpu.vector_load %arg4[%get3A_648, %get3A_649] {strides = array<i32>} : memref<72x512xf32, #tpu.memory_space<vmem>>, vector<16xf32>,
          %get3A_651 = arith.constant 320 : index
          %get3A_652 = tpu.vector_load %arg5[%get3A_651] {strides = array<i32>} : memref<512xf32, #tpu.memory_space<vmem>>, vector<16xf32>,
          %add3A_653 = arith.addf %get3A_650, %get3A_652 : vector<16xf32>
          %add3A_654 = arith.constant 320 : i32
          %add3A_655 = vector.broadcast %add3A_654 : i32 to vector<16xi32>
          %add3A_656 = arith.addi %iota3A, %add3A_655 : vector<16xi32>
          %get3A_657 = arith.index_cast %scan3A_459 : i32 to index
          %get3A_658 = arith.constant 336 : index
          %get3A_659 = tpu.vector_load %arg4[%get3A_657, %get3A_658] {strides = array<i32>} : memref<72x512xf32, #tpu.memory_space<vmem>>, vector<16xf32>,
          %get3A_660 = arith.constant 336 : index
          %get3A_661 = tpu.vector_load %arg5[%get3A_660] {strides = array<i32>} : memref<512xf32, #tpu.memory_space<vmem>>, vector<16xf32>,
          %add3A_662 = arith.addf %get3A_659, %get3A_661 : vector<16xf32>
          %add3A_663 = arith.constant 336 : i32
          %add3A_664 = vector.broadcast %add3A_663 : i32 to vector<16xi32>
          %add3A_665 = arith.addi %iota3A, %add3A_664 : vector<16xi32>
          %get3A_666 = arith.index_cast %scan3A_459 : i32 to index
          %get3A_667 = arith.constant 352 : index
          %get3A_668 = tpu.vector_load %arg4[%get3A_666, %get3A_667] {strides = array<i32>} : memref<72x512xf32, #tpu.memory_space<vmem>>, vector<16xf32>,
          %get3A_669 = arith.constant 352 : index
          %get3A_670 = tpu.vector_load %arg5[%get3A_669] {strides = array<i32>} : memref<512xf32, #tpu.memory_space<vmem>>, vector<16xf32>,
          %add3A_671 = arith.addf %get3A_668, %get3A_670 : vector<16xf32>
          %add3A_672 = arith.constant 352 : i32
          %add3A_673 = vector.broadcast %add3A_672 : i32 to vector<16xi32>
          %add3A_674 = arith.addi %iota3A, %add3A_673 : vector<16xi32>
          %get3A_675 = arith.index_cast %scan3A_459 : i32 to index
          %get3A_676 = arith.constant 368 : index
          %get3A_677 = tpu.vector_load %arg4[%get3A_675, %get3A_676] {strides = array<i32>} : memref<72x512xf32, #tpu.memory_space<vmem>>, vector<16xf32>,
          %get3A_678 = arith.constant 368 : index
          %get3A_679 = tpu.vector_load %arg5[%get3A_678] {strides = array<i32>} : memref<512xf32, #tpu.memory_space<vmem>>, vector<16xf32>,
          %add3A_680 = arith.addf %get3A_677, %get3A_679 : vector<16xf32>
          %add3A_681 = arith.constant 368 : i32
          %add3A_682 = vector.broadcast %add3A_681 : i32 to vector<16xi32>
          %add3A_683 = arith.addi %iota3A, %add3A_682 : vector<16xi32>
          %get3A_684 = arith.index_cast %scan3A_459 : i32 to index
          %get3A_685 = arith.constant 384 : index
          %get3A_686 = tpu.vector_load %arg4[%get3A_684, %get3A_685] {strides = array<i32>} : memref<72x512xf32, #tpu.memory_space<vmem>>, vector<16xf32>,
          %get3A_687 = arith.constant 384 : index
          %get3A_688 = tpu.vector_load %arg5[%get3A_687] {strides = array<i32>} : memref<512xf32, #tpu.memory_space<vmem>>, vector<16xf32>,
          %add3A_689 = arith.addf %get3A_686, %get3A_688 : vector<16xf32>
          %add3A_690 = arith.constant 384 : i32
          %add3A_691 = vector.broadcast %add3A_690 : i32 to vector<16xi32>
          %add3A_692 = arith.addi %iota3A, %add3A_691 : vector<16xi32>
          %get3A_693 = arith.index_cast %scan3A_459 : i32 to index
          %get3A_694 = arith.constant 400 : index
          %get3A_695 = tpu.vector_load %arg4[%get3A_693, %get3A_694] {strides = array<i32>} : memref<72x512xf32, #tpu.memory_space<vmem>>, vector<16xf32>,
          %get3A_696 = arith.constant 400 : index
          %get3A_697 = tpu.vector_load %arg5[%get3A_696] {strides = array<i32>} : memref<512xf32, #tpu.memory_space<vmem>>, vector<16xf32>,
          %add3A_698 = arith.addf %get3A_695, %get3A_697 : vector<16xf32>
          %add3A_699 = arith.constant 400 : i32
          %add3A_700 = vector.broadcast %add3A_699 : i32 to vector<16xi32>
          %add3A_701 = arith.addi %iota3A, %add3A_700 : vector<16xi32>
          %get3A_702 = arith.index_cast %scan3A_459 : i32 to index
          %get3A_703 = arith.constant 416 : index
          %get3A_704 = tpu.vector_load %arg4[%get3A_702, %get3A_703] {strides = array<i32>} : memref<72x512xf32, #tpu.memory_space<vmem>>, vector<16xf32>,
          %get3A_705 = arith.constant 416 : index
          %get3A_706 = tpu.vector_load %arg5[%get3A_705] {strides = array<i32>} : memref<512xf32, #tpu.memory_space<vmem>>, vector<16xf32>,
          %add3A_707 = arith.addf %get3A_704, %get3A_706 : vector<16xf32>
          %add3A_708 = arith.constant 416 : i32
          %add3A_709 = vector.broadcast %add3A_708 : i32 to vector<16xi32>
          %add3A_710 = arith.addi %iota3A, %add3A_709 : vector<16xi32>
          %get3A_711 = arith.index_cast %scan3A_459 : i32 to index
          %get3A_712 = arith.constant 432 : index
          %get3A_713 = tpu.vector_load %arg4[%get3A_711, %get3A_712] {strides = array<i32>} : memref<72x512xf32, #tpu.memory_space<vmem>>, vector<16xf32>,
          %get3A_714 = arith.constant 432 : index
          %get3A_715 = tpu.vector_load %arg5[%get3A_714] {strides = array<i32>} : memref<512xf32, #tpu.memory_space<vmem>>, vector<16xf32>,
          %add3A_716 = arith.addf %get3A_713, %get3A_715 : vector<16xf32>
          %add3A_717 = arith.constant 432 : i32
          %add3A_718 = vector.broadcast %add3A_717 : i32 to vector<16xi32>
          %add3A_719 = arith.addi %iota3A, %add3A_718 : vector<16xi32>
          %get3A_720 = arith.index_cast %scan3A_459 : i32 to index
          %get3A_721 = arith.constant 448 : index
          %get3A_722 = tpu.vector_load %arg4[%get3A_720, %get3A_721] {strides = array<i32>} : memref<72x512xf32, #tpu.memory_space<vmem>>, vector<16xf32>,
          %get3A_723 = arith.constant 448 : index
          %get3A_724 = tpu.vector_load %arg5[%get3A_723] {strides = array<i32>} : memref<512xf32, #tpu.memory_space<vmem>>, vector<16xf32>,
          %add3A_725 = arith.addf %get3A_722, %get3A_724 : vector<16xf32>
          %add3A_726 = arith.constant 448 : i32
          %add3A_727 = vector.broadcast %add3A_726 : i32 to vector<16xi32>
          %add3A_728 = arith.addi %iota3A, %add3A_727 : vector<16xi32>
          %get3A_729 = arith.index_cast %scan3A_459 : i32 to index
          %get3A_730 = arith.constant 464 : index
          %get3A_731 = tpu.vector_load %arg4[%get3A_729, %get3A_730] {strides = array<i32>} : memref<72x512xf32, #tpu.memory_space<vmem>>, vector<16xf32>,
          %get3A_732 = arith.constant 464 : index
          %get3A_733 = tpu.vector_load %arg5[%get3A_732] {strides = array<i32>} : memref<512xf32, #tpu.memory_space<vmem>>, vector<16xf32>,
          %add3A_734 = arith.addf %get3A_731, %get3A_733 : vector<16xf32>
          %add3A_735 = arith.constant 464 : i32
          %add3A_736 = vector.broadcast %add3A_735 : i32 to vector<16xi32>
          %add3A_737 = arith.addi %iota3A, %add3A_736 : vector<16xi32>
          %get3A_738 = arith.index_cast %scan3A_459 : i32 to index
          %get3A_739 = arith.constant 480 : index
          %get3A_740 = tpu.vector_load %arg4[%get3A_738, %get3A_739] {strides = array<i32>} : memref<72x512xf32, #tpu.memory_space<vmem>>, vector<16xf32>,
          %get3A_741 = arith.constant 480 : index
          %get3A_742 = tpu.vector_load %arg5[%get3A_741] {strides = array<i32>} : memref<512xf32, #tpu.memory_space<vmem>>, vector<16xf32>,
          %add3A_743 = arith.addf %get3A_740, %get3A_742 : vector<16xf32>
          %add3A_744 = arith.constant 480 : i32
          %add3A_745 = vector.broadcast %add3A_744 : i32 to vector<16xi32>
          %add3A_746 = arith.addi %iota3A, %add3A_745 : vector<16xi32>
          %get3A_747 = arith.index_cast %scan3A_459 : i32 to index
          %get3A_748 = arith.constant 496 : index
          %get3A_749 = tpu.vector_load %arg4[%get3A_747, %get3A_748] {strides = array<i32>} : memref<72x512xf32, #tpu.memory_space<vmem>>, vector<16xf32>,
          %get3A_750 = arith.constant 496 : index
          %get3A_751 = tpu.vector_load %arg5[%get3A_750] {strides = array<i32>} : memref<512xf32, #tpu.memory_space<vmem>>, vector<16xf32>,
          %add3A_752 = arith.addf %get3A_749, %get3A_751 : vector<16xf32>
          %add3A_753 = arith.constant 496 : i32
          %add3A_754 = vector.broadcast %add3A_753 : i32 to vector<16xi32>
          %add3A_755 = arith.addi %iota3A, %add3A_754 : vector<16xi32>
          %ge3A = arith.cmpf oge, %add3A_473, %add3A_482 : vector<16xf32>
          %select_n3A = arith.select %ge3A, %add3A_473, %add3A_482 : vector<16xi1>, vector<16xf32>
          %select_n3A_756 = arith.select %ge3A, %add3A_476, %add3A_485 : vector<16xi1>, vector<16xi32>
          %ge3A_757 = arith.cmpf oge, %add3A_491, %add3A_500 : vector<16xf32>
          %select_n3A_758 = arith.select %ge3A_757, %add3A_491, %add3A_500 : vector<16xi1>, vector<16xf32>
          %select_n3A_759 = arith.select %ge3A_757, %add3A_494, %add3A_503 : vector<16xi1>, vector<16xi32>
          %ge3A_760 = arith.cmpf oge, %add3A_509, %add3A_518 : vector<16xf32>
          %select_n3A_761 = arith.select %ge3A_760, %add3A_509, %add3A_518 : vector<16xi1>, vector<16xf32>
          %select_n3A_762 = arith.select %ge3A_760, %add3A_512, %add3A_521 : vector<16xi1>, vector<16xi32>
          %ge3A_763 = arith.cmpf oge, %add3A_527, %add3A_536 : vector<16xf32>
          %select_n3A_764 = arith.select %ge3A_763, %add3A_527, %add3A_536 : vector<16xi1>, vector<16xf32>
          %select_n3A_765 = arith.select %ge3A_763, %add3A_530, %add3A_539 : vector<16xi1>, vector<16xi32>
          %ge3A_766 = arith.cmpf oge, %add3A_545, %add3A_554 : vector<16xf32>
          %select_n3A_767 = arith.select %ge3A_766, %add3A_545, %add3A_554 : vector<16xi1>, vector<16xf32>
          %select_n3A_768 = arith.select %ge3A_766, %add3A_548, %add3A_557 : vector<16xi1>, vector<16xi32>
          %ge3A_769 = arith.cmpf oge, %add3A_563, %add3A_572 : vector<16xf32>
          %select_n3A_770 = arith.select %ge3A_769, %add3A_563, %add3A_572 : vector<16xi1>, vector<16xf32>
          %select_n3A_771 = arith.select %ge3A_769, %add3A_566, %add3A_575 : vector<16xi1>, vector<16xi32>
          %ge3A_772 = arith.cmpf oge, %add3A_581, %add3A_590 : vector<16xf32>
          %select_n3A_773 = arith.select %ge3A_772, %add3A_581, %add3A_590 : vector<16xi1>, vector<16xf32>
          %select_n3A_774 = arith.select %ge3A_772, %add3A_584, %add3A_593 : vector<16xi1>, vector<16xi32>
          %ge3A_775 = arith.cmpf oge, %add3A_599, %add3A_608 : vector<16xf32>
          %select_n3A_776 = arith.select %ge3A_775, %add3A_599, %add3A_608 : vector<16xi1>, vector<16xf32>
          %select_n3A_777 = arith.select %ge3A_775, %add3A_602, %add3A_611 : vector<16xi1>, vector<16xi32>
          %ge3A_778 = arith.cmpf oge, %add3A_617, %add3A_626 : vector<16xf32>
          %select_n3A_779 = arith.select %ge3A_778, %add3A_617, %add3A_626 : vector<16xi1>, vector<16xf32>
          %select_n3A_780 = arith.select %ge3A_778, %add3A_620, %add3A_629 : vector<16xi1>, vector<16xi32>
          %ge3A_781 = arith.cmpf oge, %add3A_635, %add3A_644 : vector<16xf32>
          %select_n3A_782 = arith.select %ge3A_781, %add3A_635, %add3A_644 : vector<16xi1>, vector<16xf32>
          %select_n3A_783 = arith.select %ge3A_781, %add3A_638, %add3A_647 : vector<16xi1>, vector<16xi32>
          %ge3A_784 = arith.cmpf oge, %add3A_653, %add3A_662 : vector<16xf32>
          %select_n3A_785 = arith.select %ge3A_784, %add3A_653, %add3A_662 : vector<16xi1>, vector<16xf32>
          %select_n3A_786 = arith.select %ge3A_784, %add3A_656, %add3A_665 : vector<16xi1>, vector<16xi32>
          %ge3A_787 = arith.cmpf oge, %add3A_671, %add3A_680 : vector<16xf32>
          %select_n3A_788 = arith.select %ge3A_787, %add3A_671, %add3A_680 : vector<16xi1>, vector<16xf32>
          %select_n3A_789 = arith.select %ge3A_787, %add3A_674, %add3A_683 : vector<16xi1>, vector<16xi32>
          %ge3A_790 = arith.cmpf oge, %add3A_689, %add3A_698 : vector<16xf32>
          %select_n3A_791 = arith.select %ge3A_790, %add3A_689, %add3A_698 : vector<16xi1>, vector<16xf32>
          %select_n3A_792 = arith.select %ge3A_790, %add3A_692, %add3A_701 : vector<16xi1>, vector<16xi32>
          %ge3A_793 = arith.cmpf oge, %add3A_707, %add3A_716 : vector<16xf32>
          %select_n3A_794 = arith.select %ge3A_793, %add3A_707, %add3A_716 : vector<16xi1>, vector<16xf32>
          %select_n3A_795 = arith.select %ge3A_793, %add3A_710, %add3A_719 : vector<16xi1>, vector<16xi32>
          %ge3A_796 = arith.cmpf oge, %add3A_725, %add3A_734 : vector<16xf32>
          %select_n3A_797 = arith.select %ge3A_796, %add3A_725, %add3A_734 : vector<16xi1>, vector<16xf32>
          %select_n3A_798 = arith.select %ge3A_796, %add3A_728, %add3A_737 : vector<16xi1>, vector<16xi32>
          %ge3A_799 = arith.cmpf oge, %add3A_743, %add3A_752 : vector<16xf32>
          %select_n3A_800 = arith.select %ge3A_799, %add3A_743, %add3A_752 : vector<16xi1>, vector<16xf32>
          %select_n3A_801 = arith.select %ge3A_799, %add3A_746, %add3A_755 : vector<16xi1>, vector<16xi32>
          %ge3A_802 = arith.cmpf oge, %select_n3A, %select_n3A_758 : vector<16xf32>
          %select_n3A_803 = arith.select %ge3A_802, %select_n3A, %select_n3A_758 : vector<16xi1>, vector<16xf32>
          %select_n3A_804 = arith.select %ge3A_802, %select_n3A_756, %select_n3A_759 : vector<16xi1>, vector<16xi32>
          %ge3A_805 = arith.cmpf oge, %select_n3A_761, %select_n3A_764 : vector<16xf32>
          %select_n3A_806 = arith.select %ge3A_805, %select_n3A_761, %select_n3A_764 : vector<16xi1>, vector<16xf32>
          %select_n3A_807 = arith.select %ge3A_805, %select_n3A_762, %select_n3A_765 : vector<16xi1>, vector<16xi32>
          %ge3A_808 = arith.cmpf oge, %select_n3A_767, %select_n3A_770 : vector<16xf32>
          %select_n3A_809 = arith.select %ge3A_808, %select_n3A_767, %select_n3A_770 : vector<16xi1>, vector<16xf32>
          %select_n3A_810 = arith.select %ge3A_808, %select_n3A_768, %select_n3A_771 : vector<16xi1>, vector<16xi32>
          %ge3A_811 = arith.cmpf oge, %select_n3A_773, %select_n3A_776 : vector<16xf32>
          %select_n3A_812 = arith.select %ge3A_811, %select_n3A_773, %select_n3A_776 : vector<16xi1>, vector<16xf32>
          %select_n3A_813 = arith.select %ge3A_811, %select_n3A_774, %select_n3A_777 : vector<16xi1>, vector<16xi32>
          %ge3A_814 = arith.cmpf oge, %select_n3A_779, %select_n3A_782 : vector<16xf32>
          %select_n3A_815 = arith.select %ge3A_814, %select_n3A_779, %select_n3A_782 : vector<16xi1>, vector<16xf32>
          %select_n3A_816 = arith.select %ge3A_814, %select_n3A_780, %select_n3A_783 : vector<16xi1>, vector<16xi32>
          %ge3A_817 = arith.cmpf oge, %select_n3A_785, %select_n3A_788 : vector<16xf32>
          %select_n3A_818 = arith.select %ge3A_817, %select_n3A_785, %select_n3A_788 : vector<16xi1>, vector<16xf32>
          %select_n3A_819 = arith.select %ge3A_817, %select_n3A_786, %select_n3A_789 : vector<16xi1>, vector<16xi32>
          %ge3A_820 = arith.cmpf oge, %select_n3A_791, %select_n3A_794 : vector<16xf32>
          %select_n3A_821 = arith.select %ge3A_820, %select_n3A_791, %select_n3A_794 : vector<16xi1>, vector<16xf32>
          %select_n3A_822 = arith.select %ge3A_820, %select_n3A_792, %select_n3A_795 : vector<16xi1>, vector<16xi32>
          %ge3A_823 = arith.cmpf oge, %select_n3A_797, %select_n3A_800 : vector<16xf32>
          %select_n3A_824 = arith.select %ge3A_823, %select_n3A_797, %select_n3A_800 : vector<16xi1>, vector<16xf32>
          %select_n3A_825 = arith.select %ge3A_823, %select_n3A_798, %select_n3A_801 : vector<16xi1>, vector<16xi32>
          %ge3A_826 = arith.cmpf oge, %select_n3A_803, %select_n3A_806 : vector<16xf32>
          %select_n3A_827 = arith.select %ge3A_826, %select_n3A_803, %select_n3A_806 : vector<16xi1>, vector<16xf32>
          %select_n3A_828 = arith.select %ge3A_826, %select_n3A_804, %select_n3A_807 : vector<16xi1>, vector<16xi32>
          %ge3A_829 = arith.cmpf oge, %select_n3A_809, %select_n3A_812 : vector<16xf32>
          %select_n3A_830 = arith.select %ge3A_829, %select_n3A_809, %select_n3A_812 : vector<16xi1>, vector<16xf32>
          %select_n3A_831 = arith.select %ge3A_829, %select_n3A_810, %select_n3A_813 : vector<16xi1>, vector<16xi32>
          %ge3A_832 = arith.cmpf oge, %select_n3A_815, %select_n3A_818 : vector<16xf32>
          %select_n3A_833 = arith.select %ge3A_832, %select_n3A_815, %select_n3A_818 : vector<16xi1>, vector<16xf32>
          %select_n3A_834 = arith.select %ge3A_832, %select_n3A_816, %select_n3A_819 : vector<16xi1>, vector<16xi32>
          %ge3A_835 = arith.cmpf oge, %select_n3A_821, %select_n3A_824 : vector<16xf32>
          %select_n3A_836 = arith.select %ge3A_835, %select_n3A_821, %select_n3A_824 : vector<16xi1>, vector<16xf32>
          %select_n3A_837 = arith.select %ge3A_835, %select_n3A_822, %select_n3A_825 : vector<16xi1>, vector<16xi32>
          %ge3A_838 = arith.cmpf oge, %select_n3A_827, %select_n3A_830 : vector<16xf32>
          %select_n3A_839 = arith.select %ge3A_838, %select_n3A_827, %select_n3A_830 : vector<16xi1>, vector<16xf32>
          %select_n3A_840 = arith.select %ge3A_838, %select_n3A_828, %select_n3A_831 : vector<16xi1>, vector<16xi32>
          %ge3A_841 = arith.cmpf oge, %select_n3A_833, %select_n3A_836 : vector<16xf32>
          %select_n3A_842 = arith.select %ge3A_841, %select_n3A_833, %select_n3A_836 : vector<16xi1>, vector<16xf32>
          %select_n3A_843 = arith.select %ge3A_841, %select_n3A_834, %select_n3A_837 : vector<16xi1>, vector<16xi32>
          %ge3A_844 = arith.cmpf oge, %select_n3A_839, %select_n3A_842 : vector<16xf32>
          %select_n3A_845 = arith.select %ge3A_844, %select_n3A_839, %select_n3A_842 : vector<16xi1>, vector<16xf32>
          %select_n3A_846 = arith.select %ge3A_844, %select_n3A_840, %select_n3A_843 : vector<16xi1>, vector<16xi32>
          %reduce_max3A = arith.constant true
          %reduce_max3A_847 = vector.broadcast %reduce_max3A : i1 to vector<16xi1>
          %reduce_max3A_848 = tpu.scan <max>, %select_n3A_845 masked %reduce_max3A_847 : vector<16xf32>, vector<16xi1> -> vector<16xf32>
          %reduce_max3A_849 = vector.extract %reduce_max3A_848[15] : f32 from vector<16xf32>
          %eq3A_850 = vector.broadcast %reduce_max3A_849 : f32 to vector<16xf32>
          %eq3A_851 = arith.cmpf oeq, %select_n3A_845, %eq3A_850 : vector<16xf32>
          %jit3A = arith.constant 1073741824 : i32
          %broadcast_in_dim3A_852 = vector.broadcast %jit3A : i32 to vector<16xi32>
          %select_n3A_853 = arith.select %eq3A_851, %select_n3A_846, %broadcast_in_dim3A_852 : vector<16xi1>, vector<16xi32>
          %reduce_min3A = arith.constant true
          %reduce_min3A_854 = vector.broadcast %reduce_min3A : i1 to vector<16xi1>
          %reduce_min3A_855 = arith.constant -2147483648 : i32
          %reduce_min3A_856 = vector.broadcast %reduce_min3A_855 : i32 to vector<16xi32>
          %reduce_min3A_857 = arith.xori %select_n3A_853, %reduce_min3A_856 : vector<16xi32>
          %reduce_min3A_858 = tpu.scan <min>, %reduce_min3A_857 masked %reduce_min3A_854 : vector<16xi32>, vector<16xi1> -> vector<16xi32>
          %reduce_min3A_859 = arith.xori %reduce_min3A_858, %reduce_min3A_856 : vector<16xi32>
          %reduce_min3A_860 = vector.extract %reduce_min3A_859[15] : i32 from vector<16xi32>
          %broadcast_in_dim3A_861 = vector.broadcast %reduce_min3A_860 : i32 to vector<16xi32>
          scf.yield %broadcast_in_dim3A_861 : vector<16xi32>
        }
        tpu.vector_store_idx %arg5[%cond3A_467], %broadcast_in_dim3A_5 masked %eq3A_7 : memref<512xf32, #tpu.memory_space<vmem>>[vector<16xi32>], vector<16xf32>, vector<16xi1>
        tpu.vector_store_idx %arg6[%broadcast_in_dim3A_460], %cond3A_467 masked %eq3A_7 : memref<64xi32, #tpu.memory_space<vmem>>[vector<16xi32>], vector<16xi32>, vector<16xi1>
      }
      %scan3A_230 = arith.constant 64 : i32
      %broadcast_in_dim3A_231 = arith.constant 65 : i32
      %broadcast_in_dim3A_232 = vector.broadcast %broadcast_in_dim3A_231 : i32 to vector<16xi32>
      %broadcast_in_dim3A_233 = arith.constant 66 : i32
      %broadcast_in_dim3A_234 = vector.broadcast %broadcast_in_dim3A_233 : i32 to vector<16xi32>
      %get3A_235 = arith.constant 0 : index
      %get3A_236 = tpu.vector_load %arg6[%get3A_235] {strides = array<i32>} : memref<64xi32, #tpu.memory_space<vmem>>, vector<16xi32>,
      %add3A_237 = arith.constant 0 : i32
      %add3A_238 = vector.broadcast %add3A_237 : i32 to vector<16xi32>
      %add3A_239 = arith.addi %iota3A, %add3A_238 : vector<16xi32>
      %gather3A = tpu.vector_load_idx %arg4[%add3A_239, %get3A_236] : memref<72x512xf32, #tpu.memory_space<vmem>>[vector<16xi32>, vector<16xi32>], vector<16xf32>,
      %gather3A_240 = tpu.vector_load_idx %arg4[%broadcast_in_dim3A_232, %get3A_236] : memref<72x512xf32, #tpu.memory_space<vmem>>[vector<16xi32>, vector<16xi32>], vector<16xf32>,
      %gather3A_241 = tpu.vector_load_idx %arg4[%broadcast_in_dim3A_234, %get3A_236] : memref<72x512xf32, #tpu.memory_space<vmem>>[vector<16xi32>, vector<16xi32>], vector<16xf32>,
      %mul3A_242 = arith.constant 0.899999976 : f32
      %mul3A_243 = vector.broadcast %mul3A_242 : f32 to vector<16xf32>
      %mul3A_244 = arith.mulf %mul3A_243, %gather3A : vector<16xf32>
      %sub3A = arith.subf %gather3A_240, %mul3A_244 : vector<16xf32>
      %add3A_245 = arith.addf %broadcast_in_dim3A_3, %sub3A : vector<16xf32>
      %add3A_246 = arith.addf %broadcast_in_dim3A_3, %gather3A_241 : vector<16xf32>
      %get3A_247 = arith.constant 16 : index
      %get3A_248 = tpu.vector_load %arg6[%get3A_247] {strides = array<i32>} : memref<64xi32, #tpu.memory_space<vmem>>, vector<16xi32>,
      %add3A_249 = arith.constant 16 : i32
      %add3A_250 = vector.broadcast %add3A_249 : i32 to vector<16xi32>
      %add3A_251 = arith.addi %iota3A, %add3A_250 : vector<16xi32>
      %gather3A_252 = tpu.vector_load_idx %arg4[%add3A_251, %get3A_248] : memref<72x512xf32, #tpu.memory_space<vmem>>[vector<16xi32>, vector<16xi32>], vector<16xf32>,
      %gather3A_253 = tpu.vector_load_idx %arg4[%broadcast_in_dim3A_232, %get3A_248] : memref<72x512xf32, #tpu.memory_space<vmem>>[vector<16xi32>, vector<16xi32>], vector<16xf32>,
      %gather3A_254 = tpu.vector_load_idx %arg4[%broadcast_in_dim3A_234, %get3A_248] : memref<72x512xf32, #tpu.memory_space<vmem>>[vector<16xi32>, vector<16xi32>], vector<16xf32>,
      %mul3A_255 = arith.constant 0.899999976 : f32
      %mul3A_256 = vector.broadcast %mul3A_255 : f32 to vector<16xf32>
      %mul3A_257 = arith.mulf %mul3A_256, %gather3A_252 : vector<16xf32>
      %sub3A_258 = arith.subf %gather3A_253, %mul3A_257 : vector<16xf32>
      %add3A_259 = arith.addf %add3A_245, %sub3A_258 : vector<16xf32>
      %add3A_260 = arith.addf %add3A_246, %gather3A_254 : vector<16xf32>
      %get3A_261 = arith.constant 32 : index
      %get3A_262 = tpu.vector_load %arg6[%get3A_261] {strides = array<i32>} : memref<64xi32, #tpu.memory_space<vmem>>, vector<16xi32>,
      %add3A_263 = arith.constant 32 : i32
      %add3A_264 = vector.broadcast %add3A_263 : i32 to vector<16xi32>
      %add3A_265 = arith.addi %iota3A, %add3A_264 : vector<16xi32>
      %gather3A_266 = tpu.vector_load_idx %arg4[%add3A_265, %get3A_262] : memref<72x512xf32, #tpu.memory_space<vmem>>[vector<16xi32>, vector<16xi32>], vector<16xf32>,
      %gather3A_267 = tpu.vector_load_idx %arg4[%broadcast_in_dim3A_232, %get3A_262] : memref<72x512xf32, #tpu.memory_space<vmem>>[vector<16xi32>, vector<16xi32>], vector<16xf32>,
      %gather3A_268 = tpu.vector_load_idx %arg4[%broadcast_in_dim3A_234, %get3A_262] : memref<72x512xf32, #tpu.memory_space<vmem>>[vector<16xi32>, vector<16xi32>], vector<16xf32>,
      %mul3A_269 = arith.constant 0.899999976 : f32
      %mul3A_270 = vector.broadcast %mul3A_269 : f32 to vector<16xf32>
      %mul3A_271 = arith.mulf %mul3A_270, %gather3A_266 : vector<16xf32>
      %sub3A_272 = arith.subf %gather3A_267, %mul3A_271 : vector<16xf32>
      %add3A_273 = arith.addf %add3A_259, %sub3A_272 : vector<16xf32>
      %add3A_274 = arith.addf %add3A_260, %gather3A_268 : vector<16xf32>
      %get3A_275 = arith.constant 48 : index
      %get3A_276 = tpu.vector_load %arg6[%get3A_275] {strides = array<i32>} : memref<64xi32, #tpu.memory_space<vmem>>, vector<16xi32>,
      %add3A_277 = arith.constant 48 : i32
      %add3A_278 = vector.broadcast %add3A_277 : i32 to vector<16xi32>
      %add3A_279 = arith.addi %iota3A, %add3A_278 : vector<16xi32>
      %gather3A_280 = tpu.vector_load_idx %arg4[%add3A_279, %get3A_276] : memref<72x512xf32, #tpu.memory_space<vmem>>[vector<16xi32>, vector<16xi32>], vector<16xf32>,
      %gather3A_281 = tpu.vector_load_idx %arg4[%broadcast_in_dim3A_232, %get3A_276] : memref<72x512xf32, #tpu.memory_space<vmem>>[vector<16xi32>, vector<16xi32>], vector<16xf32>,
      %gather3A_282 = tpu.vector_load_idx %arg4[%broadcast_in_dim3A_234, %get3A_276] : memref<72x512xf32, #tpu.memory_space<vmem>>[vector<16xi32>, vector<16xi32>], vector<16xf32>,
      %mul3A_283 = arith.constant 0.899999976 : f32
      %mul3A_284 = vector.broadcast %mul3A_283 : f32 to vector<16xf32>
      %mul3A_285 = arith.mulf %mul3A_284, %gather3A_280 : vector<16xf32>
      %sub3A_286 = arith.subf %gather3A_281, %mul3A_285 : vector<16xf32>
      %add3A_287 = arith.addf %add3A_273, %sub3A_286 : vector<16xf32>
      %add3A_288 = arith.addf %add3A_274, %gather3A_282 : vector<16xf32>
      %get3A_289 = arith.constant 66 : i32
      %get3A_290 = arith.index_cast %get3A_289 : i32 to index
      %get3A_291 = arith.constant 0 : index
      %get3A_292 = tpu.vector_load %arg4[%get3A_290, %get3A_291] {strides = array<i32>} : memref<72x512xf32, #tpu.memory_space<vmem>>, vector<16xf32>,
      %add3A_293 = arith.addf %broadcast_in_dim3A_3, %get3A_292 : vector<16xf32>
      %get3A_294 = arith.constant 66 : i32
      %get3A_295 = arith.index_cast %get3A_294 : i32 to index
      %get3A_296 = arith.constant 16 : index
      %get3A_297 = tpu.vector_load %arg4[%get3A_295, %get3A_296] {strides = array<i32>} : memref<72x512xf32, #tpu.memory_space<vmem>>, vector<16xf32>,
      %add3A_298 = arith.addf %add3A_293, %get3A_297 : vector<16xf32>
      %get3A_299 = arith.constant 66 : i32
      %get3A_300 = arith.index_cast %get3A_299 : i32 to index
      %get3A_301 = arith.constant 32 : index
      %get3A_302 = tpu.vector_load %arg4[%get3A_300, %get3A_301] {strides = array<i32>} : memref<72x512xf32, #tpu.memory_space<vmem>>, vector<16xf32>,
      %add3A_303 = arith.addf %add3A_298, %get3A_302 : vector<16xf32>
      %get3A_304 = arith.constant 66 : i32
      %get3A_305 = arith.index_cast %get3A_304 : i32 to index
      %get3A_306 = arith.constant 48 : index
      %get3A_307 = tpu.vector_load %arg4[%get3A_305, %get3A_306] {strides = array<i32>} : memref<72x512xf32, #tpu.memory_space<vmem>>, vector<16xf32>,
      %add3A_308 = arith.addf %add3A_303, %get3A_307 : vector<16xf32>
      %get3A_309 = arith.constant 66 : i32
      %get3A_310 = arith.index_cast %get3A_309 : i32 to index
      %get3A_311 = arith.constant 64 : index
      %get3A_312 = tpu.vector_load %arg4[%get3A_310, %get3A_311] {strides = array<i32>} : memref<72x512xf32, #tpu.memory_space<vmem>>, vector<16xf32>,
      %add3A_313 = arith.addf %add3A_308, %get3A_312 : vector<16xf32>
      %get3A_314 = arith.constant 66 : i32
      %get3A_315 = arith.index_cast %get3A_314 : i32 to index
      %get3A_316 = arith.constant 80 : index
      %get3A_317 = tpu.vector_load %arg4[%get3A_315, %get3A_316] {strides = array<i32>} : memref<72x512xf32, #tpu.memory_space<vmem>>, vector<16xf32>,
      %add3A_318 = arith.addf %add3A_313, %get3A_317 : vector<16xf32>
      %get3A_319 = arith.constant 66 : i32
      %get3A_320 = arith.index_cast %get3A_319 : i32 to index
      %get3A_321 = arith.constant 96 : index
      %get3A_322 = tpu.vector_load %arg4[%get3A_320, %get3A_321] {strides = array<i32>} : memref<72x512xf32, #tpu.memory_space<vmem>>, vector<16xf32>,
      %add3A_323 = arith.addf %add3A_318, %get3A_322 : vector<16xf32>
      %get3A_324 = arith.constant 66 : i32
      %get3A_325 = arith.index_cast %get3A_324 : i32 to index
      %get3A_326 = arith.constant 112 : index
      %get3A_327 = tpu.vector_load %arg4[%get3A_325, %get3A_326] {strides = array<i32>} : memref<72x512xf32, #tpu.memory_space<vmem>>, vector<16xf32>,
      %add3A_328 = arith.addf %add3A_323, %get3A_327 : vector<16xf32>
      %get3A_329 = arith.constant 66 : i32
      %get3A_330 = arith.index_cast %get3A_329 : i32 to index
      %get3A_331 = arith.constant 128 : index
      %get3A_332 = tpu.vector_load %arg4[%get3A_330, %get3A_331] {strides = array<i32>} : memref<72x512xf32, #tpu.memory_space<vmem>>, vector<16xf32>,
      %add3A_333 = arith.addf %add3A_328, %get3A_332 : vector<16xf32>
      %get3A_334 = arith.constant 66 : i32
      %get3A_335 = arith.index_cast %get3A_334 : i32 to index
      %get3A_336 = arith.constant 144 : index
      %get3A_337 = tpu.vector_load %arg4[%get3A_335, %get3A_336] {strides = array<i32>} : memref<72x512xf32, #tpu.memory_space<vmem>>, vector<16xf32>,
      %add3A_338 = arith.addf %add3A_333, %get3A_337 : vector<16xf32>
      %get3A_339 = arith.constant 66 : i32
      %get3A_340 = arith.index_cast %get3A_339 : i32 to index
      %get3A_341 = arith.constant 160 : index
      %get3A_342 = tpu.vector_load %arg4[%get3A_340, %get3A_341] {strides = array<i32>} : memref<72x512xf32, #tpu.memory_space<vmem>>, vector<16xf32>,
      %add3A_343 = arith.addf %add3A_338, %get3A_342 : vector<16xf32>
      %get3A_344 = arith.constant 66 : i32
      %get3A_345 = arith.index_cast %get3A_344 : i32 to index
      %get3A_346 = arith.constant 176 : index
      %get3A_347 = tpu.vector_load %arg4[%get3A_345, %get3A_346] {strides = array<i32>} : memref<72x512xf32, #tpu.memory_space<vmem>>, vector<16xf32>,
      %add3A_348 = arith.addf %add3A_343, %get3A_347 : vector<16xf32>
      %get3A_349 = arith.constant 66 : i32
      %get3A_350 = arith.index_cast %get3A_349 : i32 to index
      %get3A_351 = arith.constant 192 : index
      %get3A_352 = tpu.vector_load %arg4[%get3A_350, %get3A_351] {strides = array<i32>} : memref<72x512xf32, #tpu.memory_space<vmem>>, vector<16xf32>,
      %add3A_353 = arith.addf %add3A_348, %get3A_352 : vector<16xf32>
      %get3A_354 = arith.constant 66 : i32
      %get3A_355 = arith.index_cast %get3A_354 : i32 to index
      %get3A_356 = arith.constant 208 : index
      %get3A_357 = tpu.vector_load %arg4[%get3A_355, %get3A_356] {strides = array<i32>} : memref<72x512xf32, #tpu.memory_space<vmem>>, vector<16xf32>,
      %add3A_358 = arith.addf %add3A_353, %get3A_357 : vector<16xf32>
      %get3A_359 = arith.constant 66 : i32
      %get3A_360 = arith.index_cast %get3A_359 : i32 to index
      %get3A_361 = arith.constant 224 : index
      %get3A_362 = tpu.vector_load %arg4[%get3A_360, %get3A_361] {strides = array<i32>} : memref<72x512xf32, #tpu.memory_space<vmem>>, vector<16xf32>,
      %add3A_363 = arith.addf %add3A_358, %get3A_362 : vector<16xf32>
      %get3A_364 = arith.constant 66 : i32
      %get3A_365 = arith.index_cast %get3A_364 : i32 to index
      %get3A_366 = arith.constant 240 : index
      %get3A_367 = tpu.vector_load %arg4[%get3A_365, %get3A_366] {strides = array<i32>} : memref<72x512xf32, #tpu.memory_space<vmem>>, vector<16xf32>,
      %add3A_368 = arith.addf %add3A_363, %get3A_367 : vector<16xf32>
      %get3A_369 = arith.constant 66 : i32
      %get3A_370 = arith.index_cast %get3A_369 : i32 to index
      %get3A_371 = arith.constant 256 : index
      %get3A_372 = tpu.vector_load %arg4[%get3A_370, %get3A_371] {strides = array<i32>} : memref<72x512xf32, #tpu.memory_space<vmem>>, vector<16xf32>,
      %add3A_373 = arith.addf %add3A_368, %get3A_372 : vector<16xf32>
      %get3A_374 = arith.constant 66 : i32
      %get3A_375 = arith.index_cast %get3A_374 : i32 to index
      %get3A_376 = arith.constant 272 : index
      %get3A_377 = tpu.vector_load %arg4[%get3A_375, %get3A_376] {strides = array<i32>} : memref<72x512xf32, #tpu.memory_space<vmem>>, vector<16xf32>,
      %add3A_378 = arith.addf %add3A_373, %get3A_377 : vector<16xf32>
      %get3A_379 = arith.constant 66 : i32
      %get3A_380 = arith.index_cast %get3A_379 : i32 to index
      %get3A_381 = arith.constant 288 : index
      %get3A_382 = tpu.vector_load %arg4[%get3A_380, %get3A_381] {strides = array<i32>} : memref<72x512xf32, #tpu.memory_space<vmem>>, vector<16xf32>,
      %add3A_383 = arith.addf %add3A_378, %get3A_382 : vector<16xf32>
      %get3A_384 = arith.constant 66 : i32
      %get3A_385 = arith.index_cast %get3A_384 : i32 to index
      %get3A_386 = arith.constant 304 : index
      %get3A_387 = tpu.vector_load %arg4[%get3A_385, %get3A_386] {strides = array<i32>} : memref<72x512xf32, #tpu.memory_space<vmem>>, vector<16xf32>,
      %add3A_388 = arith.addf %add3A_383, %get3A_387 : vector<16xf32>
      %get3A_389 = arith.constant 66 : i32
      %get3A_390 = arith.index_cast %get3A_389 : i32 to index
      %get3A_391 = arith.constant 320 : index
      %get3A_392 = tpu.vector_load %arg4[%get3A_390, %get3A_391] {strides = array<i32>} : memref<72x512xf32, #tpu.memory_space<vmem>>, vector<16xf32>,
      %add3A_393 = arith.addf %add3A_388, %get3A_392 : vector<16xf32>
      %get3A_394 = arith.constant 66 : i32
      %get3A_395 = arith.index_cast %get3A_394 : i32 to index
      %get3A_396 = arith.constant 336 : index
      %get3A_397 = tpu.vector_load %arg4[%get3A_395, %get3A_396] {strides = array<i32>} : memref<72x512xf32, #tpu.memory_space<vmem>>, vector<16xf32>,
      %add3A_398 = arith.addf %add3A_393, %get3A_397 : vector<16xf32>
      %get3A_399 = arith.constant 66 : i32
      %get3A_400 = arith.index_cast %get3A_399 : i32 to index
      %get3A_401 = arith.constant 352 : index
      %get3A_402 = tpu.vector_load %arg4[%get3A_400, %get3A_401] {strides = array<i32>} : memref<72x512xf32, #tpu.memory_space<vmem>>, vector<16xf32>,
      %add3A_403 = arith.addf %add3A_398, %get3A_402 : vector<16xf32>
      %get3A_404 = arith.constant 66 : i32
      %get3A_405 = arith.index_cast %get3A_404 : i32 to index
      %get3A_406 = arith.constant 368 : index
      %get3A_407 = tpu.vector_load %arg4[%get3A_405, %get3A_406] {strides = array<i32>} : memref<72x512xf32, #tpu.memory_space<vmem>>, vector<16xf32>,
      %add3A_408 = arith.addf %add3A_403, %get3A_407 : vector<16xf32>
      %get3A_409 = arith.constant 66 : i32
      %get3A_410 = arith.index_cast %get3A_409 : i32 to index
      %get3A_411 = arith.constant 384 : index
      %get3A_412 = tpu.vector_load %arg4[%get3A_410, %get3A_411] {strides = array<i32>} : memref<72x512xf32, #tpu.memory_space<vmem>>, vector<16xf32>,
      %add3A_413 = arith.addf %add3A_408, %get3A_412 : vector<16xf32>
      %get3A_414 = arith.constant 66 : i32
      %get3A_415 = arith.index_cast %get3A_414 : i32 to index
      %get3A_416 = arith.constant 400 : index
      %get3A_417 = tpu.vector_load %arg4[%get3A_415, %get3A_416] {strides = array<i32>} : memref<72x512xf32, #tpu.memory_space<vmem>>, vector<16xf32>,
      %add3A_418 = arith.addf %add3A_413, %get3A_417 : vector<16xf32>
      %get3A_419 = arith.constant 66 : i32
      %get3A_420 = arith.index_cast %get3A_419 : i32 to index
      %get3A_421 = arith.constant 416 : index
      %get3A_422 = tpu.vector_load %arg4[%get3A_420, %get3A_421] {strides = array<i32>} : memref<72x512xf32, #tpu.memory_space<vmem>>, vector<16xf32>,
      %add3A_423 = arith.addf %add3A_418, %get3A_422 : vector<16xf32>
      %get3A_424 = arith.constant 66 : i32
      %get3A_425 = arith.index_cast %get3A_424 : i32 to index
      %get3A_426 = arith.constant 432 : index
      %get3A_427 = tpu.vector_load %arg4[%get3A_425, %get3A_426] {strides = array<i32>} : memref<72x512xf32, #tpu.memory_space<vmem>>, vector<16xf32>,
      %add3A_428 = arith.addf %add3A_423, %get3A_427 : vector<16xf32>
      %get3A_429 = arith.constant 66 : i32
      %get3A_430 = arith.index_cast %get3A_429 : i32 to index
      %get3A_431 = arith.constant 448 : index
      %get3A_432 = tpu.vector_load %arg4[%get3A_430, %get3A_431] {strides = array<i32>} : memref<72x512xf32, #tpu.memory_space<vmem>>, vector<16xf32>,
      %add3A_433 = arith.addf %add3A_428, %get3A_432 : vector<16xf32>
      %get3A_434 = arith.constant 66 : i32
      %get3A_435 = arith.index_cast %get3A_434 : i32 to index
      %get3A_436 = arith.constant 464 : index
      %get3A_437 = tpu.vector_load %arg4[%get3A_435, %get3A_436] {strides = array<i32>} : memref<72x512xf32, #tpu.memory_space<vmem>>, vector<16xf32>,
      %add3A_438 = arith.addf %add3A_433, %get3A_437 : vector<16xf32>
      %get3A_439 = arith.constant 66 : i32
      %get3A_440 = arith.index_cast %get3A_439 : i32 to index
      %get3A_441 = arith.constant 480 : index
      %get3A_442 = tpu.vector_load %arg4[%get3A_440, %get3A_441] {strides = array<i32>} : memref<72x512xf32, #tpu.memory_space<vmem>>, vector<16xf32>,
      %add3A_443 = arith.addf %add3A_438, %get3A_442 : vector<16xf32>
      %get3A_444 = arith.constant 66 : i32
      %get3A_445 = arith.index_cast %get3A_444 : i32 to index
      %get3A_446 = arith.constant 496 : index
      %get3A_447 = tpu.vector_load %arg4[%get3A_445, %get3A_446] {strides = array<i32>} : memref<72x512xf32, #tpu.memory_space<vmem>>, vector<16xf32>,
      %add3A_448 = arith.addf %add3A_443, %get3A_447 : vector<16xf32>
      %mul3A_449 = arith.constant 0.001953125 : f32
      %mul3A_450 = vector.broadcast %mul3A_449 : f32 to vector<16xf32>
      %mul3A_451 = arith.mulf %add3A_287, %mul3A_450 : vector<16xf32>
      %sub3A_452 = arith.subf %add3A_448, %add3A_288 : vector<16xf32>
      %mul3A_453 = arith.constant 2.79017859E-5 : f32
      %mul3A_454 = vector.broadcast %mul3A_453 : f32 to vector<16xf32>
      %mul3A_455 = arith.mulf %mul3A_454, %sub3A_452 : vector<16xf32>
      %add3A_456 = arith.addf %mul3A_451, %mul3A_455 : vector<16xf32>
      %swap3A_457 = arith.constant 0 : index
      %swap3A_458 = tpu.vector_load %arg8[%swap3A_457] {strides = array<i32>} : memref<16xf32, #tpu.memory_space<vmem>>, vector<16xf32>,
      tpu.vector_store %arg8[%swap3A_457], %add3A_456 {strides = array<i32>} : memref<16xf32, #tpu.memory_space<vmem>>, vector<16xf32>,
      "tpu.region"() ({
        %run_scoped3A = tpu.sem_alloc : memref<!tpu.dma_semaphore, #tpu.memory_space<semaphore_mem>>
        %dma_start3A = arith.constant 0 : i32
        %dma_start3A_459 = tpu.memref_slice %arg3[%add3A, %dma_start3A] : memref<4x16xf32, #tpu.memory_space<hbm>> -> memref<1x16xf32, #tpu.memory_space<hbm>>
        %dma_start3A_460 = tpu.memref_squeeze %dma_start3A_459 : memref<1x16xf32, #tpu.memory_space<hbm>> -> memref<16xf32, #tpu.memory_space<hbm>>
        %dma_start3A_461 = arith.constant 0 : i32
        %dma_start3A_462 = tpu.memref_slice %arg3[%add3A, %dma_start3A_461] : memref<4x16xf32, #tpu.memory_space<hbm>> -> memref<1x16xf32, #tpu.memory_space<hbm>>
        %dma_start3A_463 = tpu.memref_squeeze %dma_start3A_462 : memref<1x16xf32, #tpu.memory_space<hbm>> -> memref<16xf32, #tpu.memory_space<hbm>>
        tpu.enqueue_dma source(%arg8 : memref<16xf32, #tpu.memory_space<vmem>>) target(%dma_start3A_463 : memref<16xf32, #tpu.memory_space<hbm>>) target_semaphore(%run_scoped3A : memref<!tpu.dma_semaphore, #tpu.memory_space<semaphore_mem>>)
        %dma_wait3A = arith.constant 0 : i32
        %dma_wait3A_464 = tpu.memref_slice %arg3[%add3A, %dma_wait3A] : memref<4x16xf32, #tpu.memory_space<hbm>> -> memref<1x16xf32, #tpu.memory_space<hbm>>
        %dma_wait3A_465 = tpu.memref_squeeze %dma_wait3A_464 : memref<1x16xf32, #tpu.memory_space<hbm>> -> memref<16xf32, #tpu.memory_space<hbm>>
        %dma_wait3A_466 = arith.constant 0 : i32
        %dma_wait3A_467 = tpu.memref_slice %arg3[%add3A, %dma_wait3A_466] : memref<4x16xf32, #tpu.memory_space<hbm>> -> memref<1x16xf32, #tpu.memory_space<hbm>>
        %dma_wait3A_468 = tpu.memref_squeeze %dma_wait3A_467 : memref<1x16xf32, #tpu.memory_space<hbm>> -> memref<16xf32, #tpu.memory_space<hbm>>
        tpu.wait_dma2 semaphore(%run_scoped3A : memref<!tpu.dma_semaphore, #tpu.memory_space<semaphore_mem>>) src(%arg8 : memref<16xf32, #tpu.memory_space<vmem>>) dst(%dma_wait3A_468 : memref<16xf32, #tpu.memory_space<hbm>>)
        tpu.yield
      }) : () -> ()
    } else {
    }
    return
  }
}

module attributes {stable_mosaic.version = 14 : i64} {
  func.func @_dense_tc_body(%arg0: i32, %arg1: memref<1x1000x512xf32, #tpu.memory_space<vmem>>, %arg2: memref<1x1x64xi32, #tpu.memory_space<vmem>>, %arg3: memref<1x72x512xf32, #tpu.memory_space<vmem>>) attributes {dimension_semantics = [#tpu.dimension_semantics<arbitrary>], iteration_bounds = array<i64: 4>, scalar_prefetch = 0 : i64, scratch_operands = 0 : i64, tpu.core_type = #tpu.core_type<tc>, window_params = [{transform_indices = @transform_0, window_bounds = array<i64: 1, 1000, 512>}, {transform_indices = @transform_1, window_bounds = array<i64: 1, 1, 64>}, {transform_indices = @transform_2, window_bounds = array<i64: 1, 72, 512>}]} {
    %get3A = arith.constant 0 : index
    %get3A_0 = arith.constant 0 : index
    %get3A_1 = arith.constant 0 : index
    %get3A_2 = vector.load %arg1[%get3A, %get3A_0, %get3A_1] : memref<1x1000x512xf32, #tpu.memory_space<vmem>>, vector<1x1000x512xf32>
    %get3A_3 = vector.shape_cast %get3A_2 : vector<1x1000x512xf32> to vector<1000x512xf32>
    %get3A_4 = arith.constant 0 : index
    %get3A_5 = arith.constant 0 : index
    %get3A_6 = arith.constant 0 : index
    %get3A_7 = vector.load %arg2[%get3A_4, %get3A_5, %get3A_6] : memref<1x1x64xi32, #tpu.memory_space<vmem>>, vector<1x1x64xi32>
    %get3A_8 = vector.shape_cast %get3A_7 : vector<1x1x64xi32> to vector<64xi32>
    %exp3A = math.exp %get3A_3 : vector<1000x512xf32>
    %iota3A = tpu.iota {dimensions = array<i32: 1>} : vector<64x1000xi32>
    %broadcast_in_dim3A = vector.shape_cast %get3A_8 : vector<64xi32> to vector<64x1xi32>
    %eq3A = vector.broadcast %broadcast_in_dim3A : vector<64x1xi32> to vector<64x1000xi32>
    %eq3A_9 = arith.cmpi eq, %iota3A, %eq3A : vector<64x1000xi32>
    %convert_element_type3A = arith.extui %eq3A_9 : vector<64x1000xi1> to vector<64x1000xi32>
    %convert_element_type3A_10 = arith.sitofp %convert_element_type3A : vector<64x1000xi32> to vector<64x1000xf32>
    %broadcast_in_dim3A_11 = arith.constant 1.000000e+00 : f32
    %broadcast_in_dim3A_12 = vector.broadcast %broadcast_in_dim3A_11 : f32 to vector<1x1000xf32>
    %broadcast_in_dim3A_13 = arith.constant 0.000000e+00 : f32
    %broadcast_in_dim3A_14 = vector.broadcast %broadcast_in_dim3A_13 : f32 to vector<7x1000xf32>
    %concatenate3A = tpu.concatenate %convert_element_type3A_10, %broadcast_in_dim3A_12, %broadcast_in_dim3A_14 in 0 : vector<64x1000xf32>, vector<1x1000xf32>, vector<7x1000xf32> -> vector<72x1000xf32>
    %dot_general3A = arith.constant dense<0.000000e+00> : vector<72x512xf32>
    %dot_general3A_15 = tpu.matmul %concatenate3A, %get3A_3, %dot_general3A {dimension_numbers = #tpu.dot_dimension_numbers<[1], [0], [0], [1], [0, 0, 1, 1], [], []>, precision = #tpu.contract_precision<fp32>, transpose_lhs_hint = false} : vector<72x1000xf32>, vector<1000x512xf32>, vector<72x512xf32> -> vector<72x512xf32>
    %broadcast_in_dim3A_16 = arith.constant 1.000000e+00 : f32
    %broadcast_in_dim3A_17 = vector.broadcast %broadcast_in_dim3A_16 : f32 to vector<8x1000xf32>
    %dot_general3A_18 = arith.constant dense<0.000000e+00> : vector<8x512xf32>
    %dot_general3A_19 = tpu.matmul %broadcast_in_dim3A_17, %exp3A, %dot_general3A_18 {dimension_numbers = #tpu.dot_dimension_numbers<[1], [0], [0], [1], [0, 0, 1, 1], [], []>, transpose_lhs_hint = false} : vector<8x1000xf32>, vector<1000x512xf32>, vector<8x512xf32> -> vector<8x512xf32>
    %slice3A = vector.extract_strided_slice %dot_general3A_15 {offsets = [0, 0], sizes = [64, 512], strides = [1, 1]} : vector<72x512xf32> to vector<64x512xf32>
    %slice3A_20 = vector.extract_strided_slice %dot_general3A_15 {offsets = [64, 0], sizes = [1, 512], strides = [1, 1]} : vector<72x512xf32> to vector<1x512xf32>
    %slice3A_21 = vector.extract_strided_slice %get3A_3 {offsets = [0, 0], sizes = [1, 512], strides = [1, 1]} : vector<1000x512xf32> to vector<1x512xf32>
    %slice3A_22 = vector.extract_strided_slice %dot_general3A_19 {offsets = [0, 0], sizes = [1, 512], strides = [1, 1]} : vector<8x512xf32> to vector<1x512xf32>
    %log3A = math.log %slice3A_22 : vector<1x512xf32>
    %neg3A = arith.constant 0.000000e+00 : f32
    %neg3A_23 = vector.broadcast %neg3A : f32 to vector<1x512xf32>
    %neg3A_24 = arith.subf %neg3A_23, %log3A : vector<1x512xf32>
    %add3A = vector.broadcast %neg3A_24 : vector<1x512xf32> to vector<64x512xf32>
    %add3A_25 = arith.addf %slice3A, %add3A : vector<64x512xf32>
    %argmax3A = tpu.reduce_index %add3A_25 {axis = 1 : i32, kind = #tpu.reduction_kind<arg_max>} : vector<64x512xf32> -> vector<64xi32>
    %convert_element_type3A_26 = arith.sitofp %argmax3A : vector<64xi32> to vector<64xf32>
    %mul3A = arith.constant 9.99999974E-5 : f32
    %mul3A_27 = vector.broadcast %mul3A : f32 to vector<1x512xf32>
    %mul3A_28 = arith.mulf %slice3A_20, %mul3A_27 : vector<1x512xf32>
    %sub3A = arith.subf %log3A, %mul3A_28 : vector<1x512xf32>
    %sub3A_29 = arith.subf %log3A, %slice3A_21 : vector<1x512xf32>
    %broadcast_in_dim3A_30 = vector.shape_cast %convert_element_type3A_26 : vector<64xf32> to vector<1x64xf32>
    %broadcast_in_dim3A_31 = arith.constant 0.000000e+00 : f32
    %broadcast_in_dim3A_32 = vector.broadcast %broadcast_in_dim3A_31 : f32 to vector<1x448xf32>
    %concatenate3A_33 = tpu.concatenate %broadcast_in_dim3A_30, %broadcast_in_dim3A_32 in 1 : vector<1x64xf32>, vector<1x448xf32> -> vector<1x512xf32>
    %broadcast_in_dim3A_34 = arith.constant 0.000000e+00 : f32
    %broadcast_in_dim3A_35 = vector.broadcast %broadcast_in_dim3A_34 : f32 to vector<4x512xf32>
    %concatenate3A_36 = tpu.concatenate %neg3A_24, %sub3A, %sub3A_29, %concatenate3A_33, %broadcast_in_dim3A_35 in 0 : vector<1x512xf32>, vector<1x512xf32>, vector<1x512xf32>, vector<1x512xf32>, vector<4x512xf32> -> vector<8x512xf32>
    %concatenate3A_37 = tpu.concatenate %slice3A, %concatenate3A_36 in 0 : vector<64x512xf32>, vector<8x512xf32> -> vector<72x512xf32>
    %swap3A = arith.constant 0 : index
    %swap3A_38 = arith.constant 0 : index
    %swap3A_39 = arith.constant 0 : index
    %swap3A_40 = vector.load %arg3[%swap3A, %swap3A_38, %swap3A_39] : memref<1x72x512xf32, #tpu.memory_space<vmem>>, vector<1x72x512xf32>
    %swap3A_41 = vector.shape_cast %swap3A_40 : vector<1x72x512xf32> to vector<72x512xf32>
    %swap3A_42 = vector.shape_cast %concatenate3A_37 : vector<72x512xf32> to vector<1x72x512xf32>
    tpu.vector_store %arg3[%swap3A, %swap3A_38, %swap3A_39], %swap3A_42 {strides = array<i32>} : memref<1x72x512xf32, #tpu.memory_space<vmem>>, vector<1x72x512xf32>,
    return
  }
  func.func @transform_0(%arg0: i32) -> (i32, i32, i32) {
    %add3A = arith.constant 0 : i32
    %add3A_0 = arith.addi %arg0, %add3A : i32
    %c0_i32 = arith.constant 0 : i32
    %c0_i32_1 = arith.constant 0 : i32
    %c0_i32_2 = arith.constant 0 : i32
    return %add3A_0, %c0_i32, %c0_i32_1 : i32, i32, i32
  }
  func.func @transform_1(%arg0: i32) -> (i32, i32, i32) {
    %add3A = arith.constant 0 : i32
    %add3A_0 = arith.addi %arg0, %add3A : i32
    %c0_i32 = arith.constant 0 : i32
    %c0_i32_1 = arith.constant 0 : i32
    %c0_i32_2 = arith.constant 0 : i32
    return %add3A_0, %c0_i32, %c0_i32_1 : i32, i32, i32
  }
  func.func @transform_2(%arg0: i32) -> (i32, i32, i32) {
    %c0_i32 = arith.constant 0 : i32
    %c0_i32_0 = arith.constant 0 : i32
    %c0_i32_1 = arith.constant 0 : i32
    return %arg0, %c0_i32, %c0_i32_0 : i32, i32, i32
  }
}

module attributes {stable_mosaic.version = 14 : i64} {
  func.func @_dense_tc_body(%arg0: i32, %arg1: memref<1x1000x512xf32, #tpu.memory_space<vmem>>, %arg2: memref<1x1x64xi32, #tpu.memory_space<vmem>>, %arg3: memref<1x72x512xf32, #tpu.memory_space<vmem>>) attributes {dimension_semantics = [#tpu.dimension_semantics<arbitrary>], iteration_bounds = array<i64: 4>, scalar_prefetch = 0 : i64, scratch_operands = 0 : i64, tpu.core_type = #tpu.core_type<tc>, window_params = [{transform_indices = @transform_0, window_bounds = array<i64: 1, 1000, 512>}, {transform_indices = @transform_1, window_bounds = array<i64: 1, 1, 64>}, {transform_indices = @transform_2, window_bounds = array<i64: 1, 72, 512>}]} {
    %get3A = arith.constant 0 : index
    %get3A_0 = arith.constant 0 : index
    %get3A_1 = arith.constant 0 : index
    %get3A_2 = vector.load %arg1[%get3A, %get3A_0, %get3A_1] : memref<1x1000x512xf32, #tpu.memory_space<vmem>>, vector<1x1000x512xf32>
    %get3A_3 = vector.shape_cast %get3A_2 : vector<1x1000x512xf32> to vector<1000x512xf32>
    %get3A_4 = arith.constant 0 : index
    %get3A_5 = arith.constant 0 : index
    %get3A_6 = arith.constant 0 : index
    %get3A_7 = vector.load %arg2[%get3A_4, %get3A_5, %get3A_6] : memref<1x1x64xi32, #tpu.memory_space<vmem>>, vector<1x1x64xi32>
    %get3A_8 = vector.shape_cast %get3A_7 : vector<1x1x64xi32> to vector<64xi32>
    %exp3A = math.exp %get3A_3 : vector<1000x512xf32>
    %iota3A = tpu.iota {dimensions = array<i32: 1>} : vector<64x1000xi32>
    %broadcast_in_dim3A = vector.shape_cast %get3A_8 : vector<64xi32> to vector<64x1xi32>
    %eq3A = vector.broadcast %broadcast_in_dim3A : vector<64x1xi32> to vector<64x1000xi32>
    %eq3A_9 = arith.cmpi eq, %iota3A, %eq3A : vector<64x1000xi32>
    %convert_element_type3A = arith.extui %eq3A_9 : vector<64x1000xi1> to vector<64x1000xi32>
    %convert_element_type3A_10 = arith.sitofp %convert_element_type3A : vector<64x1000xi32> to vector<64x1000xf32>
    %broadcast_in_dim3A_11 = arith.constant 1.000000e+00 : f32
    %broadcast_in_dim3A_12 = vector.broadcast %broadcast_in_dim3A_11 : f32 to vector<1x1000xf32>
    %broadcast_in_dim3A_13 = arith.constant 0.000000e+00 : f32
    %broadcast_in_dim3A_14 = vector.broadcast %broadcast_in_dim3A_13 : f32 to vector<7x1000xf32>
    %concatenate3A = tpu.concatenate %convert_element_type3A_10, %broadcast_in_dim3A_12, %broadcast_in_dim3A_14 in 0 : vector<64x1000xf32>, vector<1x1000xf32>, vector<7x1000xf32> -> vector<72x1000xf32>
    %dot_general3A = arith.constant dense<0.000000e+00> : vector<72x512xf32>
    %dot_general3A_15 = tpu.matmul %concatenate3A, %get3A_3, %dot_general3A {dimension_numbers = #tpu.dot_dimension_numbers<[1], [0], [0], [1], [0, 0, 1, 1], [], []>, precision = #tpu.contract_precision<fp32>, transpose_lhs_hint = false} : vector<72x1000xf32>, vector<1000x512xf32>, vector<72x512xf32> -> vector<72x512xf32>
    %broadcast_in_dim3A_16 = arith.constant 1.000000e+00 : f32
    %broadcast_in_dim3A_17 = vector.broadcast %broadcast_in_dim3A_16 : f32 to vector<8x1000xf32>
    %dot_general3A_18 = arith.constant dense<0.000000e+00> : vector<8x512xf32>
    %dot_general3A_19 = tpu.matmul %broadcast_in_dim3A_17, %exp3A, %dot_general3A_18 {dimension_numbers = #tpu.dot_dimension_numbers<[1], [0], [0], [1], [0, 0, 1, 1], [], []>, transpose_lhs_hint = false} : vector<8x1000xf32>, vector<1000x512xf32>, vector<8x512xf32> -> vector<8x512xf32>
    %slice3A = vector.extract_strided_slice %dot_general3A_15 {offsets = [0, 0], sizes = [64, 512], strides = [1, 1]} : vector<72x512xf32> to vector<64x512xf32>
    %slice3A_20 = vector.extract_strided_slice %dot_general3A_15 {offsets = [64, 0], sizes = [1, 512], strides = [1, 1]} : vector<72x512xf32> to vector<1x512xf32>
    %slice3A_21 = vector.extract_strided_slice %get3A_3 {offsets = [0, 0], sizes = [1, 512], strides = [1, 1]} : vector<1000x512xf32> to vector<1x512xf32>
    %slice3A_22 = vector.extract_strided_slice %dot_general3A_19 {offsets = [0, 0], sizes = [1, 512], strides = [1, 1]} : vector<8x512xf32> to vector<1x512xf32>
    %log3A = math.log %slice3A_22 : vector<1x512xf32>
    %neg3A = arith.constant 0.000000e+00 : f32
    %neg3A_23 = vector.broadcast %neg3A : f32 to vector<1x512xf32>
    %neg3A_24 = arith.subf %neg3A_23, %log3A : vector<1x512xf32>
    %add3A = vector.broadcast %neg3A_24 : vector<1x512xf32> to vector<64x512xf32>
    %add3A_25 = arith.addf %slice3A, %add3A : vector<64x512xf32>
    %argmax3A = tpu.reduce_index %add3A_25 {axis = 1 : i32, kind = #tpu.reduction_kind<arg_max>} : vector<64x512xf32> -> vector<64xi32>
    %convert_element_type3A_26 = arith.sitofp %argmax3A : vector<64xi32> to vector<64xf32>
    %mul3A = arith.constant 9.99999974E-5 : f32
    %mul3A_27 = vector.broadcast %mul3A : f32 to vector<1x512xf32>
    %mul3A_28 = arith.mulf %slice3A_20, %mul3A_27 : vector<1x512xf32>
    %sub3A = arith.subf %log3A, %mul3A_28 : vector<1x512xf32>
    %sub3A_29 = arith.subf %log3A, %slice3A_21 : vector<1x512xf32>
    %broadcast_in_dim3A_30 = vector.shape_cast %convert_element_type3A_26 : vector<64xf32> to vector<1x64xf32>
    %broadcast_in_dim3A_31 = arith.constant 0.000000e+00 : f32
    %broadcast_in_dim3A_32 = vector.broadcast %broadcast_in_dim3A_31 : f32 to vector<1x448xf32>
    %concatenate3A_33 = tpu.concatenate %broadcast_in_dim3A_30, %broadcast_in_dim3A_32 in 1 : vector<1x64xf32>, vector<1x448xf32> -> vector<1x512xf32>
    %broadcast_in_dim3A_34 = arith.constant 0.000000e+00 : f32
    %broadcast_in_dim3A_35 = vector.broadcast %broadcast_in_dim3A_34 : f32 to vector<4x512xf32>
    %concatenate3A_36 = tpu.concatenate %neg3A_24, %sub3A, %sub3A_29, %concatenate3A_33, %broadcast_in_dim3A_35 in 0 : vector<1x512xf32>, vector<1x512xf32>, vector<1x512xf32>, vector<1x512xf32>, vector<4x512xf32> -> vector<8x512xf32>
    %concatenate3A_37 = tpu.concatenate %slice3A, %concatenate3A_36 in 0 : vector<64x512xf32>, vector<8x512xf32> -> vector<72x512xf32>
    %swap3A = arith.constant 0 : index
    %swap3A_38 = arith.constant 0 : index
    %swap3A_39 = arith.constant 0 : index
    %swap3A_40 = vector.load %arg3[%swap3A, %swap3A_38, %swap3A_39] : memref<1x72x512xf32, #tpu.memory_space<vmem>>, vector<1x72x512xf32>
    %swap3A_41 = vector.shape_cast %swap3A_40 : vector<1x72x512xf32> to vector<72x512xf32>
    %swap3A_42 = vector.shape_cast %concatenate3A_37 : vector<72x512xf32> to vector<1x72x512xf32>
    tpu.vector_store %arg3[%swap3A, %swap3A_38, %swap3A_39], %swap3A_42 {strides = array<i32>} : memref<1x72x512xf32, #tpu.memory_space<vmem>>, vector<1x72x512xf32>,
    return
  }
  func.func @transform_0(%arg0: i32) -> (i32, i32, i32) {
    %add3A = arith.constant 4 : i32
    %add3A_0 = arith.addi %arg0, %add3A : i32
    %c0_i32 = arith.constant 0 : i32
    %c0_i32_1 = arith.constant 0 : i32
    %c0_i32_2 = arith.constant 0 : i32
    return %add3A_0, %c0_i32, %c0_i32_1 : i32, i32, i32
  }
  func.func @transform_1(%arg0: i32) -> (i32, i32, i32) {
    %add3A = arith.constant 4 : i32
    %add3A_0 = arith.addi %arg0, %add3A : i32
    %c0_i32 = arith.constant 0 : i32
    %c0_i32_1 = arith.constant 0 : i32
    %c0_i32_2 = arith.constant 0 : i32
    return %add3A_0, %c0_i32, %c0_i32_1 : i32, i32, i32
  }
  func.func @transform_2(%arg0: i32) -> (i32, i32, i32) {
    %c0_i32 = arith.constant 0 : i32
    %c0_i32_0 = arith.constant 0 : i32
    %c0_i32_1 = arith.constant 0 : i32
    return %arg0, %c0_i32, %c0_i32_0 : i32, i32, i32
  }
}

</mosaic_0001>

<sc_bundles>
// kernel: kernel.6.cloned.1.call-start
scs
__scs_entry_jumppad:
0x0: {  	(pc) =	sbr.rel $0x88, $3  }
0x1: {  	(tag) =	ssettag $0x0;
	lr =	simm.s32 $0x1  }
0x2: {  	[smem:$0x3F9F] =	sst lr;
	_ =	strace $0xD0000000  }
0x3: {  	_ = 	snop  }
0x4: {  	_ = 	snop  }
0x5: {  	_ = 	snop  }
0x6: {  	_ = 	snop  }
0x7: {  	_ = 	snop  }
__scs_overlays_trampoline_lowered:
0x8: {  	[smem:$0x3FAE] =	sst s0  }
0x9: {  	[smem:$0x3FAF] =	sst s1  }
0xa: {  	[smem:$0x3FB0] =	sst s2  }
0xb: {  	[smem:$0x3FB1] =	sst s3  }
0xc: {  	[smem:$0x3FB2] =	sst s4  }
0xd: {  	[smem:$0x3FB3] =	sst s5  }
0xe: {  	[smem:$0x3FB4] =	sst s6  }
0xf: {  	[smem:$0x3FB5] =	sst s7  }
0x10: {  	[smem:$0x3FB6] =	sst s8  }
0x11: {  	[smem:$0x3FB7] =	sst s9;
	s0 =	simm.s32 @!p0 $0x0  }
0x12: {  	s1 =	sld [smem:$0x3F9D];
	s0 =	simm.s32 @p0 $0x1  }
0x13: {  	[smem:$0x3FB8] =	sst s0;
	s0 =	simm.s32 @!p1 $0x0  }
0x14: {  	s2 =	sld [smem:$0x3F9C];
	s0 =	simm.s32 @p1 $0x1  }
0x15: {  	[smem:$0x3FB9] =	sst s0;
	s0 =	simm.s32 @!p2 $0x0  }
0x16: {  	s3 =	sld [smem:$0x3FDB];
	s0 =	simm.s32 @p2 $0x1  }
0x17: {  	s4 =	simm.s32 $0x1BF5;
	[smem:$0x3FBB] =	sst s0  }
0x18: {  	s0 =	sld [smem:$0x3F9E];
	_ =	swait.ge [sflag:s4], $0x0  }
0x19: {  	s7 =	sld [smem:$0x3F9F]  }
0x1a: {  	s8 =	sadd.s32 $0xFFFFE003, lr  }
0x1b: {  	s9 =	sadd.s32 $0xFFFFFEF7, lr;
	s5 =	simm.s32 $0xFFFFFFFF;
	p2 =	slt.u32 s8, $0xFFFFF086  }
0x1c: {  	p1 =	slt.u32 s9, $0xF7A;
	s5 =	simm.s32 @!p2 $0x0  }
0x1d: {  	s5 =	simm.s32 @p1 $0x1;
	p0 =	seq.s32 s7, s2  }
0x1e: {  	s7 =	smul.u32 @!p0 $0xF7A, s2;
	p2 =	seq.s32 @!p0 s5, $0x0  }
0x1f: {  	s9 =	smul.u32 $0xF7A, s1;
	s8 =	simm.s32 @!p0 $0x1BF5;
	p2 =	por !p2, p0  }
0x20: {  	[sflag:s8] =	ssyncset.s32 @!p0 $0xFFFFF086;
	s6 =	sadd.s32 @!p0 s3, s7;
	s7 =	simm.s32 @!p0 $0x108  }
0x21: {  	s3 =	sadd.s32 s3, s9;
	s6 =	sadd.s32 @!p0 $0x88, s6;
	s7 =	simm.s32 @p2 $0x1082  }
0x22: {  	[simem:s7], [sflag:s8] =	dma.local @!p0 [hbm:s6], $0xF7A  }
0x23: {  	s9 =	sor.u32 $0xD0000000, s2;
	s6 =	simm.s32 $0x108;
	_ =	swait.ge @!p0 [sflag:s8], $0x0  }
0x24: {  	s3 =	sadd.s32 $0x88, s3;
	s6 =	simm.s32 @!p1 $0x1082;
	[sflag:s4] =	ssyncset.s32 $0xFFFFF086  }
0x25: {  	[simem:s6], [sflag:s4] =	dma.local [hbm:s3], $0xF7A  }
0x26: {  	[smem:$0x3F9F] =	sst s1;
	(tag) =	ssettag s2;
	_ =	strace s9  }
0x27: {  	s1 =	sld [smem:$0x3FAF]  }
0x28: {  	s2 =	sld [smem:$0x3FB0]  }
0x29: {  	s4 =	sld [smem:$0x3FB2]  }
0x2a: {  	p0 =	seq.s32 s5, $0x0;
	s5 =	sld [smem:$0x3FB3]  }
0x2b: {  	s6 =	sld [smem:$0x3FB4]  }
0x2c: {  	s7 =	sld [smem:$0x3FB5]  }
0x2d: {  	s3 =	simm.s32 $0x108;
	s8 =	sld [smem:$0x3FB6]  }
0x2e: {  	s3 =	simm.s32 @!p0 $0x1082;
	s9 =	sld [smem:$0x3FB7]  }
0x2f: {  	lr =	sadd.s32 s0, s3;
	s0 =	sld [smem:$0x3FAE]  }
0x30: {  	s3 =	sld [smem:$0x3FB1]  }
0x31: {  	[smem:$0x3FBA] =	sst s10  }
0x32: {  	s10 =	sld [smem:$0x3FB8];
	_ =	sdelay $0x3  }
0x33: {  	p0 =	seq.s32 s10, $0x1;
	s10 =	sld [smem:$0x3FBA];
	_ =	sdelay $0x3  }
0x34: {  	[smem:$0x3FBA] =	sst s10  }
0x35: {  	s10 =	sld [smem:$0x3FB9];
	_ =	sdelay $0x3  }
0x36: {  	p1 =	seq.s32 s10, $0x1;
	s10 =	sld [smem:$0x3FBA];
	_ =	sdelay $0x3  }
0x37: {  	[smem:$0x3FBA] =	sst s10  }
0x38: {  	s10 =	sld [smem:$0x3FBB]  }
0x39: {  	_ = 	snop;
	(pc) =	sbr.ind lr, $3  }
0x3a: {  	_ = 	snop  }
0x3b: {  	_ = 	snop  }
0x3c: {  	p2 =	seq.s32 s10, $0x1;
	s10 =	sld [smem:$0x3FBA]  }
0x3d: {  	_ =	shalt  }
0x3e: {  	_ =	shalt  }
0x3f: {  	_ =	shalt  }
0x40: {  	_ =	shalt  }
0x41: {  	_ =	shalt  }
0x42: {  	_ =	shalt  }
0x43: {  	_ =	shalt  }
0x44: {  	_ =	shalt  }
0x45: {  	_ =	shalt  }
0x46: {  	_ =	shalt  }
0x47: {  	_ =	shalt  }
0x48: {  	_ =	shalt  }
0x49: {  	_ =	shalt  }
0x4a: {  	_ =	shalt  }
0x4b: {  	_ =	shalt  }
0x4c: {  	_ =	shalt  }
0x4d: {  	_ =	shalt  }
0x4e: {  	_ =	shalt  }
0x4f: {  	_ =	shalt  }
0x50: {  	_ =	shalt  }
0x51: {  	_ =	shalt  }
0x52: {  	_ =	shalt  }
0x53: {  	_ =	shalt  }
0x54: {  	_ =	shalt  }
0x55: {  	_ =	shalt  }
0x56: {  	_ =	shalt  }
0x57: {  	_ =	shalt  }
0x58: {  	_ =	shalt  }
0x59: {  	_ =	shalt  }
0x5a: {  	_ =	shalt  }
0x5b: {  	_ =	shalt  }
0x5c: {  	_ =	shalt  }
0x5d: {  	_ =	shalt  }
0x5e: {  	_ =	shalt  }
0x5f: {  	_ =	shalt  }
0x60: {  	_ =	shalt  }
0x61: {  	_ =	shalt  }
0x62: {  	_ =	shalt  }
0x63: {  	_ =	shalt  }
0x64: {  	_ =	shalt  }
0x65: {  	_ =	shalt  }
0x66: {  	_ =	shalt  }
0x67: {  	_ =	shalt  }
0x68: {  	_ =	shalt  }
0x69: {  	_ =	shalt  }
0x6a: {  	_ =	shalt  }
0x6b: {  	_ =	shalt  }
0x6c: {  	_ =	shalt  }
0x6d: {  	_ =	shalt  }
0x6e: {  	_ =	shalt  }
0x6f: {  	_ =	shalt  }
0x70: {  	_ =	shalt  }
0x71: {  	_ =	shalt  }
0x72: {  	_ =	shalt  }
0x73: {  	_ =	shalt  }
0x74: {  	_ =	shalt  }
0x75: {  	_ =	shalt  }
0x76: {  	_ =	shalt  }
0x77: {  	_ =	shalt  }
0x78: {  	_ =	shalt  }
0x79: {  	_ =	shalt  }
0x7a: {  	_ =	shalt  }
0x7b: {  	_ =	shalt  }
0x7c: {  	_ =	shalt  }
0x7d: {  	_ =	shalt  }
0x7e: {  	_ =	shalt  }
0x7f: {  	_ =	shalt  }
0x80: {  	_ =	shalt  }
0x81: {  	_ =	shalt  }
0x82: {  	_ =	shalt  }
0x83: {  	_ =	shalt  }
0x84: {  	_ =	shalt  }
0x85: {  	_ =	shalt  }
0x86: {  	_ =	shalt  }
0x87: {  	_ =	shalt  }
.Lfunc_end0:
.L_simem_size_0:
called_computation_lowered:
.L_overlay_start_0:
0x88: {  	s2 =	sld [smem:$0x3FD9]  }
0x89: {  	s3 =	sld [smem:$0x3FFE];
	_ =	sdelay $0x1  }
0x8a: {  	s1 =	srdreg.scid  }
0x8b: {  	s0 =	sand.u32 $0x1, s1  }
0x8c: {  	s17 =	sshll.u32 s0, $0xA;
	s2 =	sadd.s32 s3, s2  }
0x8d: {  	s2 =	sadd.s32 s2, s17  }
0x8e: {  	[smem:$0x3FC6] =	sst s2  }
0x8f: {  	_ = 	snop  }
0x90: {  	(tm) =	ssettm $0x1  }
0x91: {  	s18 =	sld [smem:$0x3FFB];
	_ =	sdelay $0x3  }
0x92: {  	_ =	strace s18  }
0x93: {  	s2 =	sld [smem:$0x3FFC];
	_ =	sdelay $0x3  }
0x94: {  	_ =	strace s2  }
0x95: {  	s2 =	sld [smem:$0x3FFD];
	_ =	sdelay $0x3  }
0x96: {  	_ =	strace s2  }
0x97: {  	_ =	strace $0x8FFFFFFF  }
0x98: {  	s19 =	sld [smem:$0x3FDB];
	_ =	sdelay $0x1  }
0x99: {  	s20 =	simm.s32 $_scs_section_size  }
0x9a: {  	s4 =	simm.s32 $_size__tile_overlayer_lowered;
	s5 =	simm.s32 $_tile_overlayer_lowered  }
0x9b: {  	s6 =	simm.s32 $0x1BFF;
	s21 =	sshll.u32 s5, $0x1;
	s3 =	sadd.s32 s20, s19  }
0x9c: {  	s22 =	simm.s32 $0x0;
	s4 =	sshll.u32 s4, $0x1;
	s5 =	sadd.s32 s21, s3  }
0x9d: {  	[timem:s22], [sflag:s6] =	dma.local [hbm:s5], s4  }
0x9e: {  	_ =	swait.ge [sflag:s6], s4  }
0x9f: {  	s4 =	ssub.s32 $0x0, s4;
	[sflag:s6] =	ssyncset.done $0x0  }
0xa0: {  	[sflag:s6] =	ssyncadd.s32 s4;
	_ =	sdelay $0x1  }
0xa1: {  	s23 =	simm.s32 $0x1B8B  }
0xa2: {  	_ =	swait.ge [sflag:s23], $0x1  }
0xa3: {  	[sflag:s23] =	ssyncset.done $0x0  }
0xa4: {  	[sflag:s23] =	ssyncadd.s32 $0xFFFFFFFF  }
0xa5: {  	s4 =	sld [smem:$0x0]  }
0xa6: {  	s5 =	sand.u32 $0xFFFFFFFE, s1  }
0xa7: {  	p0 =	sne.s32 s1, s5  }
0xa8: {  	s5 =	sshll.u32 @p0 s5, $0xE  }
0xa9: {  	s5 =	sadd.s32 @p0 $0x11B8D, s5;
	s6 =	sshll.u32 @p0 s4, $0x11  }
0xaa: {  	s5 =	sor.u32 @p0 s6, s5  }
0xab: {  	[sflag:s5] =	ssyncadd.remote.s32 @p0 $0x1;
	_ =	sdelay $0x1  }
0xac: {  	s5 =	simm.s32 @p0 $0x1B8D  }
0xad: {  	_ =	swait.eq @p0 [sflag:s5], $0x1  }
0xae: {  	[sflag:s5] =	ssyncadd.s32 @p0 $0xFFFFFFFF  }
0xaf: {  	s6 =	sshll.u32 @!p0 s1, $0xE  }
0xb0: {  	s6 =	sor.u32 @!p0 $0x4000, s6;
	s5 =	simm.s32 @!p0 $0x1B8D  }
0xb1: {  	s4 =	sshll.u32 @!p0 s4, $0x11;
	s6 =	sadd.s32 @!p0 $0x11B8D, s6;
	_ =	swait.eq @!p0 [sflag:s5], $0x1  }
0xb2: {  	s4 =	sor.u32 @!p0 s4, s6;
	[sflag:s5] =	ssyncadd.s32 @!p0 $0xFFFFFFFF  }
0xb3: {  	s25 =	simm.s32 $0x1B8E;
	s24 =	sld [smem:$0x3FFE];
	[sflag:s4] =	ssyncadd.remote.s32 @!p0 $0x1  }
0xb4: {  	s26 =	simm.s32 $execute0_lowered;
	[smem:$0x3FD2] =	sst s25  }
0xb5: {  	s5 =	sshll.u32 s26, $0x1;
	_ =	strace $0x80000049;
	[dreg:$0x1] =	wrdreg $0xFFFFFFFF  }
0xb6: {  	s28 =	simm.s32 $_size_execute0_lowered;
	s3 =	sadd.s32 s3, s5;
	[dreg:$0x0] =	wrdreg $0x0  }
0xb7: {  	s5 =	sshll.u32 s28, $0x1;
	[dreg:$0x2] =	wrdreg s3  }
0xb8: {  	[dreg:$0x3] =	wrdreg s5  }
0xb9: {  	[dreg:$0x4] =	wrdreg $0xC0  }
0xba: {  	_ =	task [dreg:s22], $0x5FFFF  }
0xbb: {  	[dreg:$0x1] =	wrdreg $0xFFFFFFFF  }
0xbc: {  	[dreg:$0x0] =	wrdreg $0x60  }
0xbd: {  	[dreg:$0x2] =	wrdreg s24  }
0xbe: {  	[dreg:$0x3] =	wrdreg $0x9  }
0xbf: {  	_ =	task.clear_ibuf [dreg:s22], $0x4FFFF;
	_ =	strace $0x90000049  }
0xc0: {  	s29 =	simm.s32 $0x9;
	_ =	strace $0x8000004B  }
0xc1: {  	_ =	swait.ge [sflag:s29], $0x1  }
0xc2: {  	[sflag:s29] =	ssyncadd.s32 $0xFFFFFFFF  }
0xc3: {  	_ =	strace $0x9000004B  }
0xc4: {  	_ =	sfence  }
0xc5: {  	s30 =	sld [smem:$0x0];
	_ =	sdelay $0x2  }
0xc6: {  	s31 =	sshll.u32 s1, $0xD;
	s1 =	sshrl.u32 s1, $0x2  }
0xc7: {  	s4 =	sand.u32 $0x4000, s31;
	s1 =	sadd.s32 s1, s30  }
0xc8: {  	s0 =	sor.u32 s4, s0;
	s1 =	sshll.u32 s1, $0x11  }
0xc9: {  	s0 =	sor.u32 s1, s0  }
0xca: {  	s0 =	sadd.s32 $0x8F2B, s0  }
0xcb: {  	[sflag:s0] =	ssyncadd.remote.s32 $0x1  }
0xcc: {  	_ =	sfence.sel $0xFFFF  }
0xcd: {  	[dreg:$0x0] =	wrdreg $0xFFFFFFFF;
	(pc) =	sbr.abs _section_cstart, $3  }
0xce: {  	[dreg:$0x1] =	wrdreg $0xFFFFFFFF  }
0xcf: {  	_ =	task.clear_ibuf [dreg:s22], $0x2FFFF;
	_ =	strace $0x9FFFFFFF  }
0xd0: {  	(tm) =	ssettm $0x7FFFFFFF  }
0xd1: {  	_ =	shalt  }
tec
execute0_lowered:
.L_overlay_start_1:
0x0: {  	(tag) =	ssettag $0x1  }
0x1: {  	s1 =	stileid.u32  }
0x2: {  	p0 =	sgt.u32 s1, $0x1  }
.Ltmp0:
0x3: {  	_ = 	snop;
	(pc) =	sbr.rel @p0 .LBB2_7-.Ltmp0, $4  }
0x4: {  	_ = 	snop  }
0x5: {  	s3 =	rddreg [dreg:$0x0];
	s2 =	simm.s32 $0x0  }
0x6: {  	[smem:$0x7FF] =	sst s2  }
0x7: {  	s0 =	rddreg [dreg:$0x1];
	_ =	strace $0x8000004A  }
0x8: {  	v0 =	vimm.s32 $0x1380  }
0x9: {  	vm14 =	vcmask $0x300;
	vm13 =	vcmask $0x704;
	vm12 =	vcmask $0xB08  }
0xa: {  	vm11 =	vcmask $0xF0C;
	vm10 =	vcmask $0x1310;
	vm9 =	vcmask $0x1714  }
0xb: {  	vm8 =	vcmask $0x1B18;
	vm7 =	vcmask $0x1F1C;
	vm6 =	vcmask $0x2320  }
0xc: {  	vm5 =	vcmask $0x2724;
	vm4 =	vcmask $0x2B28;
	vm3 =	vcmask $0x2F2C  }
0xd: {  	vm1 =	vcmask $0x3330;
	vm2 =	vcmask $0x3734;
	vm0 =	vcmask $0x3B38  }
0xe: {  	v2 =	vimm.s32 $0x3380;
	v16 =	vimm.f32 $-Inf;
	v3 =	vimm.s32 $0x5380  }
0xf: {  	v4 =	vimm.s32 $0x7380;
	v41 =	vlaneseq.u32;
	v0 =	vsel vm14, $0x0, v0  }
0x10: {  	v2 =	vsel vm14, $0x2000, v2;
	v3 =	vsel vm14, $0x4000, v3;
	v4 =	vsel vm14, $0x6000, v4  }
0x11: {  	v44 =	vor.u32 $0x10, v41;
	v45 =	vor.u32 $0x30, v41;
	v46 =	vor.u32 $0x20, v41  }
0x12: {  	v47 =	vor.u32 $0x50, v41;
	v48 =	vor.u32 $0x40, v41;
	v49 =	vor.u32 $0x70, v41  }
0x13: {  	v50 =	vor.u32 $0x60, v41;
	v51 =	vor.u32 $0x90, v41;
	v52 =	vor.u32 $0x80, v41  }
0x14: {  	v53 =	vor.u32 $0xB0, v41;
	v54 =	vor.u32 $0xA0, v41;
	v55 =	vor.u32 $0xD0, v41  }
0x15: {  	v56 =	vor.u32 $0xC0, v41;
	v57 =	vor.u32 $0xF0, v41;
	v58 =	vor.u32 $0xE0, v41  }
0x16: {  	v59 =	vor.u32 $0x110, v41;
	v60 =	vor.u32 $0x100, v41;
	v61 =	vor.u32 $0x130, v41;
	[tilespmem:$0x1FEC0] =	vst v44  }
0x17: {  	v62 =	vor.u32 $0x120, v41;
	v63 =	vor.u32 $0x150, v41;
	v26 =	vor.u32 $0x140, v41;
	[tilespmem:$0x1FED0] =	vst v45  }
0x18: {  	v27 =	vor.u32 $0x170, v41;
	v28 =	vor.u32 $0x160, v41;
	v29 =	vor.u32 $0x190, v41;
	[tilespmem:$0x1FEE0] =	vst v46  }
0x19: {  	v30 =	vor.u32 $0x180, v41;
	v0 =	vsel vm13, $0x80, v0;
	v2 =	vsel vm13, $0x2080, v2;
	[tilespmem:$0x1FEF0] =	vst v47  }
0x1a: {  	v3 =	vsel vm13, $0x4080, v3;
	v4 =	vsel vm13, $0x6080, v4;
	[tilespmem:$0x1FF00] =	vst v48;
	v0 =	vsel vm12, $0x100, v0  }
0x1b: {  	[tilespmem:$0x1FF10] =	vst v49;
	v2 =	vsel vm12, $0x2100, v2;
	v3 =	vsel vm12, $0x4100, v3;
	v4 =	vsel vm12, $0x6100, v4  }
0x1c: {  	[tilespmem:$0x1FF20] =	vst v50;
	v0 =	vsel vm11, $0x180, v0;
	v2 =	vsel vm11, $0x2180, v2;
	v3 =	vsel vm11, $0x4180, v3  }
0x1d: {  	[tilespmem:$0x1FF30] =	vst v51;
	v4 =	vsel vm11, $0x6180, v4;
	v0 =	vsel vm10, $0x200, v0;
	v2 =	vsel vm10, $0x2200, v2  }
0x1e: {  	[tilespmem:$0x1FF40] =	vst v52;
	v3 =	vsel vm10, $0x4200, v3;
	v4 =	vsel vm10, $0x6200, v4;
	v0 =	vsel vm9, $0x280, v0  }
0x1f: {  	[tilespmem:$0x1FF50] =	vst v53;
	v2 =	vsel vm9, $0x2280, v2;
	v3 =	vsel vm9, $0x4280, v3;
	v4 =	vsel vm9, $0x6280, v4  }
0x20: {  	[tilespmem:$0x1FF60] =	vst v54;
	v0 =	vsel vm8, $0x300, v0;
	v2 =	vsel vm8, $0x2300, v2;
	v3 =	vsel vm8, $0x4300, v3  }
0x21: {  	[tilespmem:$0x1FF70] =	vst v55;
	v4 =	vsel vm8, $0x6300, v4;
	v0 =	vsel vm7, $0x380, v0;
	v2 =	vsel vm7, $0x2380, v2  }
0x22: {  	[tilespmem:$0x1FF80] =	vst v56;
	v3 =	vsel vm7, $0x4380, v3;
	v4 =	vsel vm7, $0x6380, v4;
	v0 =	vsel vm6, $0x1000, v0  }
0x23: {  	[tilespmem:$0x1FF90] =	vst v57;
	v2 =	vsel vm6, $0x3000, v2;
	v3 =	vsel vm6, $0x5000, v3;
	v4 =	vsel vm6, $0x7000, v4  }
0x24: {  	[tilespmem:$0x1FFA0] =	vst v58;
	v0 =	vsel vm5, $0x1080, v0;
	v2 =	vsel vm5, $0x3080, v2;
	v3 =	vsel vm5, $0x5080, v3  }
0x25: {  	[tilespmem:$0x1FFB0] =	vst v59;
	v4 =	vsel vm5, $0x7080, v4;
	v0 =	vsel vm4, $0x1100, v0;
	v2 =	vsel vm4, $0x3100, v2  }
0x26: {  	[tilespmem:$0x1FFC0] =	vst v60;
	v3 =	vsel vm4, $0x5100, v3;
	v4 =	vsel vm4, $0x7100, v4;
	v0 =	vsel vm3, $0x1180, v0  }
0x27: {  	s4 =	srdreg.scid;
	s5 =	sshll.u32 s1, $0x1;
	s8 =	sadd.s32 $0x5000, s3;
	[tilespmem:$0x1FFD0] =	vst v61;
	v2 =	vsel vm3, $0x3180, v2;
	v3 =	vsel vm3, $0x5180, v3;
	v0 =	vsel vm1, $0x1200, v0  }
0x28: {  	s9 =	simm.s32 $0x9200;
	s10 =	simm.s32 $0x9300;
	s4 =	sand.u32 $0x1, s4;
	[tilespmem:$0x1FFE0] =	vst v62;
	v4 =	vsel vm3, $0x7180, v4;
	v2 =	vsel vm1, $0x3200, v2;
	v1 =	vsel vm2, $0x1280, v0  }
.Ltmp1:
0x29: {  	s5 =	sor.u32 s4, s5;
	s4 =	ssub.s32 $0x2, s4;
	[tilespmem:$0x1FFF0] =	vst v63;
	v3 =	vsel vm1, $0x5200, v3;
	v2 =	vsel vm2, $0x3280, v2;
	v0 =	vsel vm0, $0x1300, v1;
	(pc) =	sbr.rel .LBB2_2-.Ltmp1, $4  }
0x2a: {  	s11 =	simm.s32 $0x0;
	s6 =	sshll.u32 s5, $0x4;
	s7 =	sshrl.u32 s4, $0x1;
	v4 =	vsel vm1, $0x7200, v4;
	v5 =	vsel vm2, $0x5280, v3;
	v40 =	vsel vm0, $0x3300, v2;
	[tilespmem:$0x1FE80] =	vst v0  }
0x2b: {  	v31 =	vor.u32 $0x1B0, v41;
	s5 =	smul.u32 $0x1200, s5;
	s30 =	sadd.s32 s6, s3;
	s31 =	ssub.s32 s4, s7;
	v6 =	vsel vm2, $0x7280, v4;
	v42 =	vsel vm0, $0x5300, v5;
	[tilespmem:$0x1FE90] =	vst v40  }
0x2c: {  	v32 =	vor.u32 $0x1A0, v41;
	v33 =	vor.u32 $0x1D0, v41;
	s6 =	simm.s32 $0x1;
	s7 =	simm.s32 $0x9280;
	s3 =	sadd.s32 $0x9800, s30;
	v43 =	vsel vm0, $0x7300, v6;
	[tilespmem:$0x1FEA0] =	vst v42  }
0x2d: {  	v34 =	vor.u32 $0x1C0, v41;
	v35 =	vor.u32 $0x1F0, v41;
	v36 =	vor.u32 $0x1E0, v41;
	s4 =	sadd.s32 s8, s5;
	s5 =	smax.u32 s31, $0x1;
	s8 =	simm.s32 $0x9000;
	[tilespmem:$0x1FEB0] =	vst v43  }
.LBB2_6:
0x2e: {  	v0 =	vld [tilespmem:$0x8100];
	_ =	sdelay $0x1  }
0x2f: {  	v1 =	vld [tilespmem:$0x8110];
	_ =	sdelay $0x1  }
0x30: {  	v2 =	vld [tilespmem:$0x8120]  }
0x31: {  	v0 =	vadd.f32 $0.0e+00, v0  }
0x32: {  	v3 =	vld [tilespmem:$0x8130]  }
0x33: {  	v0 =	vadd.f32 v1, v0  }
0x34: {  	v54 =	vld [tilespmem:$0x8140]  }
0x35: {  	v0 =	vadd.f32 v2, v0  }
0x36: {  	v55 =	vld [tilespmem:$0x8150]  }
0x37: {  	v0 =	vadd.f32 v3, v0  }
0x38: {  	v56 =	vld [tilespmem:$0x8160]  }
0x39: {  	v0 =	vadd.f32 v54, v0  }
0x3a: {  	v57 =	vld [tilespmem:$0x8170]  }
0x3b: {  	v0 =	vadd.f32 v55, v0  }
0x3c: {  	v58 =	vld [tilespmem:$0x8500]  }
0x3d: {  	v0 =	vadd.f32 v56, v0  }
0x3e: {  	v59 =	vld [tilespmem:$0x8510]  }
0x3f: {  	v0 =	vadd.f32 v57, v0  }
0x40: {  	v60 =	vld [tilespmem:$0x8520]  }
0x41: {  	v0 =	vadd.f32 v58, v0  }
0x42: {  	v61 =	vld [tilespmem:$0x8530]  }
0x43: {  	v4 =	vld [tilespmem:$0x9200];
	v0 =	vadd.f32 v59, v0  }
0x44: {  	v62 =	vld [tilespmem:$0x8540]  }
0x45: {  	v63 =	vld [tilespmem:$0x8550];
	v0 =	vadd.f32 v60, v0  }
0x46: {  	v11 =	vld [tilespmem:$0x8560]  }
0x47: {  	v12 =	vld [tilespmem:$0x1FE80];
	v0 =	vadd.f32 v61, v0  }
0x48: {  	v13 =	vld [tilespmem:$0x8570]  }
0x49: {  	v6 =	vld [tilespmem:$0x9210];
	v0 =	vadd.f32 v62, v0  }
0x4a: {  	v14 =	vld [tilespmem:$0x8900]  }
0x4b: {  	v7 =	vld [tilespmem:$0x8910];
	v0 =	vadd.f32 v63, v0  }
0x4c: {  	v21 =	vld [tilespmem:$0x8920]  }
0x4d: {  	v37 =	vld [tilespmem:$0x8930];
	v0 =	vadd.f32 v11, v0  }
0x4e: {  	v38 =	vld [tilespmem:$0x1FE90]  }
0x4f: {  	v39 =	vld [tilespmem:$0x8940];
	v0 =	vadd.f32 v13, v0  }
0x50: {  	v43 =	vld [tilespmem:$0x8960]  }
0x51: {  	v44 =	vld [tilespmem:$0x1FEA0];
	v0 =	vadd.f32 v14, v0  }
0x52: {  	v45 =	vld [tilespmem:$0x8970]  }
0x53: {  	v49 =	vld [tilespmem:$0x8D10];
	v5 =	vshll.u32 v4, $0x3;
	v8 =	vshll.u32 v6, $0x3;
	v0 =	vadd.f32 v7, v0  }
0x54: {  	v50 =	vld [tilespmem:$0x1FEB0];
	v9 =	vand.u32 $0x7F, v4;
	v22 =	vand.u32 $0x7F, v6;
	v23 =	vand.u32 $0xFFFFFC00, v8  }
0x55: {  	v51 =	vld [tilespmem:$0x8D20];
	v10 =	vand.u32 $0xFFFFFC00, v5;
	v1 =	vor.u32 v22, v23;
	v0 =	vadd.f32 v21, v0  }
0x56: {  	v6 =	vadd.s32 v38, v1;
	v2 =	vor.u32 v9, v10;
	v10 =	vld [tilespmem:$0x8950]  }
0x57: {  	v15 =	vld [tilespmem:$0x8D30];
	v0 =	vadd.f32 v37, v0  }
0x58: {  	v40 =	vadd.s32 $0x8080, v1;
	v9 =	vld [tilespmem:$0x9220]  }
0x59: {  	v53 =	vld [tilespmem:$0x8D40];
	v1 =	vadd.s32 $0x8100, v1;
	v0 =	vadd.f32 v39, v0  }
0x5a: {  	v3 =	vadd.s32 v12, v2;
	v12 =	vld [tilespmem:$0x9230]  }
0x5b: {  	v6 =	vld.idx.msk [tilespmem:v6+s2+$0x0], $0xffff;
	v0 =	vadd.f32 v10, v0  }
0x5c: {  	v20 =	vadd.s32 $0x8080, v2;
	v13 =	vld [tilespmem:$0x8D00]  }
0x5d: {  	v2 =	vadd.s32 $0x8100, v2;
	v4 =	vld.idx.msk [tilespmem:v40+s2+$0x0], $0xffff;
	v11 =	vshll.u32 v9, $0x3;
	v0 =	vadd.f32 v43, v0  }
0x5e: {  	v1 =	vld.idx.msk [tilespmem:v1+s2+$0x0], $0xffff;
	v41 =	vand.u32 $0x7F, v9;
	v42 =	vand.u32 $0xFFFFFC00, v11  }
0x5f: {  	v54 =	vld [tilespmem:$0x8D50];
	v47 =	vand.u32 $0x7F, v12;
	v8 =	vor.u32 v41, v42;
	v0 =	vadd.f32 v45, v0  }
0x60: {  	v3 =	vld.idx.msk [tilespmem:v3+s2+$0x0], $0xffff;
	v46 =	vadd.s32 $0x8080, v8;
	v14 =	vshll.u32 v12, $0x3;
	v7 =	vadd.s32 v44, v8  }
0x61: {  	v5 =	vld.idx.msk [tilespmem:v20+s2+$0x0], $0xffff;
	v48 =	vand.u32 $0xFFFFFC00, v14;
	v8 =	vadd.s32 $0x8100, v8;
	v0 =	vadd.f32 v13, v0  }
0x62: {  	v2 =	vld.idx.msk [tilespmem:v2+s2+$0x0], $0xffff;
	v11 =	vor.u32 v47, v48  }
0x63: {  	v56 =	vld [tilespmem:$0x8D60];
	v9 =	vadd.s32 v50, v11;
	v0 =	vadd.f32 v49, v0  }
0x64: {  	v58 =	vld [tilespmem:$0x8D70];
	v52 =	vadd.s32 $0x8080, v11;
	v11 =	vadd.s32 $0x8100, v11  }
0x65: {  	v3 =	vmul.f32 $8.999999760e-01, v3;
	v7 =	vld.idx.msk [tilespmem:v7+s2+$0x0], $0xffff;
	v0 =	vadd.f32 v51, v0  }
0x66: {  	v55 =	vmul.f32 $8.999999760e-01, v6;
	v8 =	vld.idx.msk [tilespmem:v8+s2+$0x0], $0xffff  }
0x67: {  	v3 =	vsub.f32 v5, v3;
	v10 =	vld.idx.msk [tilespmem:v46+s2+$0x0], $0xffff;
	v0 =	vadd.f32 v15, v0  }
0x68: {  	v4 =	vsub.f32 v4, v55;
	v2 =	vadd.f32 $0.0e+00, v2;
	v9 =	vld.idx.msk [tilespmem:v9+s2+$0x0], $0xffff  }
0x69: {  	v3 =	vadd.f32 $0.0e+00, v3;
	v11 =	vld.idx.msk [tilespmem:v11+s2+$0x0], $0xffff;
	v0 =	vadd.f32 v53, v0  }
0x6a: {  	v1 =	vadd.f32 v1, v2;
	v57 =	vmul.f32 $8.999999760e-01, v7;
	v13 =	vld.idx.msk [tilespmem:v52+s2+$0x0], $0xffff  }
0x6b: {  	v59 =	vadd.f32 v4, v3;
	v0 =	vadd.f32 v54, v0  }
0x6c: {  	v1 =	vadd.f32 v8, v1;
	v60 =	vsub.f32 v10, v57  }
0x6d: {  	v61 =	vmul.f32 $8.999999760e-01, v9;
	v0 =	vadd.f32 v56, v0  }
0x6e: {  	v1 =	vadd.f32 v11, v1;
	v2 =	vadd.f32 v60, v59  }
0x6f: {  	v62 =	vsub.f32 v13, v61;
	v0 =	vadd.f32 v58, v0;
	_ =	sdelay $0x1  }
0x70: {  	v2 =	vadd.f32 v62, v2;
	v0 =	vsub.f32 v0, v1;
	_ =	sdelay $0x1  }
0x71: {  	v63 =	vmul.f32 $1.953125000e-03, v2;
	v0 =	vmul.f32 $2.790178590e-05, v0;
	_ =	sdelay $0x1  }
0x72: {  	s11 =	sadd.s32 $0x1, s11;
	v0 =	vadd.f32 v0, v63  }
0x73: {  	p0 =	sne.s32 s11, s5  }
.Ltmp2:
0x74: {  	[tilespmem:$0x9300] =	vst v0;
	(pc) =	sbr.rel @!p0 .LBB2_7-.Ltmp2, $4  }
0x75: {  	[hbm4b:s3+s2] =	stream.linear.scatter [tilespmem:s10], [sflag:$0x1], $0x80, $0x38;
	[tilespmem:$0x9380] =	vst v63  }
0x76: {  	_ =	swait.ge [sflag:s6], $0x80  }
0x77: {  	[sflag:s6] =	ssyncset.done $0x0  }
0x78: {  	[sflag:s6] =	ssyncadd.s32 $0xFFFFFF80  }
.LBB2_2:
0x79: {  	s12 =	simm.s32 $0x0  }
0x7a: {  	[tilespmem:s12], [sflag:$0x1] =	stream.linear.gather [hbm4b:s4+s12], $0x9000, $0x38;
	[tilespmem:$0x9380] =	vst v63  }
0x7b: {  	_ =	swait.ge [sflag:s6], $0x9000  }
0x7c: {  	[sflag:s6] =	ssyncset.done $0x0  }
0x7d: {  	[sflag:s6] =	ssyncadd.s32 $0xFFFF7000  }
0x7e: {  	v37 =	vld [tilespmem:$0x8000]  }
0x7f: {  	v38 =	vld [tilespmem:$0x8010]  }
0x80: {  	v39 =	vld [tilespmem:$0x8020]  }
0x81: {  	v40 =	vld [tilespmem:$0x8030]  }
0x82: {  	v41 =	vld [tilespmem:$0x8040]  }
0x83: {  	v42 =	vld [tilespmem:$0x8050]  }
0x84: {  	v43 =	vld [tilespmem:$0x8060]  }
0x85: {  	v44 =	vld [tilespmem:$0x8070]  }
0x86: {  	v4 =	vld [tilespmem:$0x8400];
	[tilespmem:$0x9000] =	vst v37  }
0x87: {  	v5 =	vld [tilespmem:$0x8410];
	[tilespmem:$0x9010] =	vst v38  }
0x88: {  	v6 =	vld [tilespmem:$0x8420];
	[tilespmem:$0x9020] =	vst v39  }
0x89: {  	v7 =	vld [tilespmem:$0x8430];
	[tilespmem:$0x9030] =	vst v40  }
0x8a: {  	v8 =	vld [tilespmem:$0x8440];
	[tilespmem:$0x9040] =	vst v41  }
0x8b: {  	v9 =	vld [tilespmem:$0x8450];
	[tilespmem:$0x9050] =	vst v42  }
0x8c: {  	v10 =	vld [tilespmem:$0x8460];
	[tilespmem:$0x9060] =	vst v43  }
0x8d: {  	v11 =	vld [tilespmem:$0x8470];
	[tilespmem:$0x9070] =	vst v44  }
0x8e: {  	v12 =	vld [tilespmem:$0x8800];
	[tilespmem:$0x9080] =	vst v4  }
0x8f: {  	v13 =	vld [tilespmem:$0x8810];
	[tilespmem:$0x9090] =	vst v5  }
0x90: {  	v14 =	vld [tilespmem:$0x8820];
	[tilespmem:$0x90A0] =	vst v6  }
0x91: {  	v20 =	vld [tilespmem:$0x8830];
	[tilespmem:$0x90B0] =	vst v7  }
0x92: {  	v21 =	vld [tilespmem:$0x8840];
	[tilespmem:$0x90C0] =	vst v8  }
0x93: {  	v22 =	vld [tilespmem:$0x8850];
	[tilespmem:$0x90D0] =	vst v9  }
0x94: {  	v23 =	vld [tilespmem:$0x8860];
	[tilespmem:$0x90E0] =	vst v10  }
0x95: {  	v48 =	vld [tilespmem:$0x8870];
	[tilespmem:$0x90F0] =	vst v11  }
0x96: {  	v49 =	vld [tilespmem:$0x8C00];
	[tilespmem:$0x9100] =	vst v12  }
0x97: {  	v50 =	vld [tilespmem:$0x8C10];
	[tilespmem:$0x9110] =	vst v13  }
0x98: {  	v51 =	vld [tilespmem:$0x8C20];
	[tilespmem:$0x9120] =	vst v14  }
0x99: {  	v52 =	vld [tilespmem:$0x8C30];
	[tilespmem:$0x9130] =	vst v20  }
0x9a: {  	v53 =	vld [tilespmem:$0x8C40];
	[tilespmem:$0x9140] =	vst v21  }
0x9b: {  	v54 =	vld [tilespmem:$0x8C50];
	[tilespmem:$0x9150] =	vst v22  }
0x9c: {  	v55 =	vld [tilespmem:$0x8C60];
	[tilespmem:$0x9160] =	vst v23  }
0x9d: {  	v56 =	vld [tilespmem:$0x8C70];
	[tilespmem:$0x9170] =	vst v48  }
0x9e: {  	v57 =	vld [tilespmem:$0x8180];
	[tilespmem:$0x9180] =	vst v49  }
0x9f: {  	v58 =	vld [tilespmem:$0x8190];
	[tilespmem:$0x9190] =	vst v50  }
0xa0: {  	v59 =	vld [tilespmem:$0x81A0];
	[tilespmem:$0x91A0] =	vst v51  }
0xa1: {  	v60 =	vld [tilespmem:$0x81B0];
	[tilespmem:$0x91B0] =	vst v52  }
0xa2: {  	[tilespmem:$0x91C0] =	vst v53  }
0xa3: {  	[tilespmem:$0x91D0] =	vst v54;
	v37 =	vtrunc.f32 v57  }
0xa4: {  	[tilespmem:$0x91E0] =	vst v55;
	v38 =	vtrunc.f32 v58;
	v37 =	vcvt.f32.s32 v37  }
.Ltmp3:
0xa5: {  	[tilespmem:$0x91F0] =	vst v56;
	v39 =	vtrunc.f32 v59;
	v38 =	vcvt.f32.s32 v38;
	(pc) =	sbr.rel .LBB2_3-.Ltmp3, $4  }
0xa6: {  	v62 =	vtrunc.f32 v60;
	v61 =	vcvt.f32.s32 v39;
	[tilespmem:$0x9280] =	vst v37  }
0xa7: {  	v63 =	vcvt.f32.s32 v62;
	[tilespmem:$0x9290] =	vst v38  }
0xa8: {  	[tilespmem:$0x92A0] =	vst v61  }
0xa9: {  	s13 =	simm.s32 $0x0;
	s14 =	simm.s32 $0x0;
	[tilespmem:$0x92B0] =	vst v63  }
.LBB2_5:
0xaa: {  	s13 =	sadd.s32 $0x80, s13  }
0xab: {  	p0 =	sne.s32 s13, $0x2000  }
.Ltmp4:
0xac: {  	_ = 	snop;
	(pc) =	sbr.rel @!p0 .LBB2_6-.Ltmp4, $3  }
0xad: {  	_ =	sdelay $0x1  }
0xae: {  	[tilespmem:v38+s8+$0x0] =	vst.idx.msk $0x1, v16  }
0xaf: {  	s14 =	sadd.s32 $0x1, s14;
	s12 =	sadd.s32 $0x200, s12;
	[tilespmem:v37+s9+$0x0] =	vst.idx.msk $0x1, v38  }
.LBB2_3:
0xb0: {  	v37 =	vmov s14;
	_ =	sdelay $0x4  }
0xb1: {  	v38 =	vld.idx.msk [tilespmem:v37+s7+$0x0], $0xffff;
	_ =	sdelay $0x7  }
0xb2: {  	v39 =	vld.idx.msk [tilespmem:v38+s8+$0x0], $0xffff;
	_ =	sdelay $0x4  }
0xb3: {  	(v2sf) =	vpush v39, $0x0;
	_ =	sdelay $0xe  }
0xb4: {  	s15 =	spop (v2sf)  }
0xb5: {  	p0 =	sgt.f32 s15, $-3.000000010e+38  }
.Ltmp5:
0xb6: {  	_ = 	snop;
	(pc) =	sbr.rel @p0 .LBB2_5-.Ltmp5, $1  }
0xb7: {  	_ =	sdelay $0x3  }
0xb8: {  	v39 =	vld [tilespmem:$0x9000]  }
0xb9: {  	v41 =	vld [tilespmem:$0x9010]  }
0xba: {  	v43 =	vld [tilespmem:$0x9020]  }
0xbb: {  	v45 =	vld [tilespmem:$0x9030]  }
0xbc: {  	v47 =	vld [tilespmem:$0x9040]  }
0xbd: {  	v49 =	vld [tilespmem:$0x9050]  }
0xbe: {  	v51 =	vld [tilespmem:$0x9060]  }
0xbf: {  	v53 =	vld [tilespmem:$0x9070]  }
0xc0: {  	v55 =	vld [tilespmem:$0x9080]  }
0xc1: {  	v57 =	vld [tilespmem:$0x9090]  }
0xc2: {  	v59 =	vld [tilespmem:$0x90A0]  }
0xc3: {  	v61 =	vld [tilespmem:$0x90B0]  }
0xc4: {  	v63 =	vld [tilespmem:$0x90C0]  }
0xc5: {  	v2 =	vld [tilespmem:$0x90D0]  }
0xc6: {  	v5 =	vld [tilespmem:$0x90E0]  }
0xc7: {  	v0 =	vld [tilespmem:$0x90F0]  }
0xc8: {  	v7 =	vld [tilespmem:$0x9100]  }
0xc9: {  	v9 =	vld [tilespmem:$0x9110]  }
0xca: {  	v11 =	vld [tilespmem:$0x9120]  }
0xcb: {  	v13 =	vld [tilespmem:$0x9130]  }
0xcc: {  	v15 =	vld [tilespmem:$0x9140]  }
0xcd: {  	v17 =	vld [tilespmem:$0x9150]  }
0xce: {  	v19 =	vld [tilespmem:$0x9160]  }
0xcf: {  	v21 =	vld [tilespmem:$0x9170]  }
0xd0: {  	s15 =	sand.u32 $0x7000, s12;
	s16 =	sand.u32 $0x380, s13;
	v23 =	vld [tilespmem:$0x9180]  }
0xd1: {  	v25 =	vld [tilespmem:$0x9190];
	s15 =	sor.u32 s16, s15  }
0xd2: {  	v38 =	vld [tilespmem:s15+$0x0]  }
0xd3: {  	v40 =	vld [tilespmem:s15+$0x10]  }
0xd4: {  	v42 =	vld [tilespmem:s15+$0x20]  }
0xd5: {  	v44 =	vld [tilespmem:s15+$0x30]  }
0xd6: {  	v46 =	vld [tilespmem:s15+$0x40]  }
0xd7: {  	v48 =	vld [tilespmem:s15+$0x50]  }
0xd8: {  	v50 =	vld [tilespmem:s15+$0x60]  }
0xd9: {  	v52 =	vld [tilespmem:s15+$0x70]  }
0xda: {  	v54 =	vld [tilespmem:s15+$0x400]  }
0xdb: {  	v56 =	vld [tilespmem:s15+$0x410]  }
0xdc: {  	v58 =	vld [tilespmem:s15+$0x420]  }
0xdd: {  	v60 =	vld [tilespmem:s15+$0x430]  }
0xde: {  	v62 =	vld [tilespmem:s15+$0x440]  }
0xdf: {  	v1 =	vld [tilespmem:s15+$0x450]  }
0xe0: {  	v4 =	vld [tilespmem:s15+$0x460]  }
0xe1: {  	v3 =	vld [tilespmem:s15+$0x470]  }
0xe2: {  	v6 =	vld [tilespmem:s15+$0x800]  }
0xe3: {  	v8 =	vld [tilespmem:s15+$0x810]  }
0xe4: {  	v10 =	vld [tilespmem:s15+$0x820]  }
0xe5: {  	v12 =	vld [tilespmem:s15+$0x830]  }
0xe6: {  	v14 =	vld [tilespmem:s15+$0x840];
	v38 =	vadd.f32 v39, v38;
	v40 =	vadd.f32 v41, v40  }
0xe7: {  	v16 =	vld [tilespmem:s15+$0x850];
	v41 =	vadd.f32 v43, v42;
	v43 =	vadd.f32 v45, v44  }
0xe8: {  	v18 =	vld [tilespmem:s15+$0x860];
	v44 =	vadd.f32 v47, v46;
	v46 =	vadd.f32 v49, v48  }
0xe9: {  	v20 =	vld [tilespmem:s15+$0x870];
	v47 =	vadd.f32 v51, v50;
	v49 =	vadd.f32 v53, v52  }
0xea: {  	v22 =	vld [tilespmem:s15+$0xC00];
	v50 =	vadd.f32 v55, v54;
	v52 =	vadd.f32 v57, v56  }
0xeb: {  	v24 =	vld [tilespmem:s15+$0xC10];
	v53 =	vadd.f32 v59, v58;
	v55 =	vadd.f32 v61, v60  }
0xec: {  	v39 =	vld [tilespmem:s15+$0xC20];
	v56 =	vadd.f32 v63, v62;
	v1 =	vadd.f32 v2, v1  }
0xed: {  	v42 =	vld [tilespmem:$0x91A0];
	v2 =	vadd.f32 v5, v4;
	v0 =	vadd.f32 v0, v3  }
0xee: {  	v51 =	vld [tilespmem:s15+$0xC40];
	v3 =	vadd.f32 v7, v6;
	v6 =	vadd.f32 v9, v8  }
0xef: {  	v54 =	vld [tilespmem:$0x91C0];
	v7 =	vadd.f32 v11, v10;
	v9 =	vadd.f32 v13, v12  }
0xf0: {  	v57 =	vld [tilespmem:s15+$0xC50];
	v10 =	vadd.f32 v15, v14;
	v12 =	vadd.f32 v17, v16  }
0xf1: {  	v59 =	vld [tilespmem:$0x91D0];
	v13 =	vadd.f32 v19, v18;
	v15 =	vadd.f32 v21, v20  }
0xf2: {  	v60 =	vld [tilespmem:s15+$0xC60];
	v16 =	vadd.f32 v23, v22;
	v17 =	vadd.f32 v25, v24;
	v58 =	vimm.s32 $0x0  }
0xf3: {  	v61 =	vld [tilespmem:$0x91E0];
	v24 =	vimm.s32 $0x0;
	v25 =	vimm.s32 $0x0;
	vm0 =	vge.f32 v38, v40  }
0xf4: {  	v62 =	vld [tilespmem:s15+$0xC70];
	vm1 =	vge.f32 v41, v43;
	vm2 =	vge.f32 v44, v46;
	vm14 =	vge.f32 v47, v49  }
0xf5: {  	v63 =	vld [tilespmem:$0x91F0];
	vm15 =	vge.f32 v53, v55;
	vm5 =	vge.f32 v2, v0;
	vm6 =	vge.f32 v3, v6  }
0xf6: {  	vm7 =	vge.f32 v7, v9;
	vm8 =	vge.f32 v10, v12;
	vm9 =	vge.f32 v13, v15  }
0xf7: {  	v45 =	vld [tilespmem:s15+$0xC30];
	v11 =	vsel vm0, v38, v40;
	v21 =	vsel vm2, $0xFFFFFFFF, v58;
	v24 =	vsel vm15, $0xFFFFFFFF, v24  }
0xf8: {  	v48 =	vld [tilespmem:$0x91B0];
	v25 =	vsel vm5, $0xFFFFFFFF, v25;
	v0 =	vsel vm5, v2, v0;
	v18 =	vadd.f32 v42, v39  }
0xf9: {  	v22 =	vld [tilespmem:$0x1FF60];
	v40 =	vsel vm7, v7, v9;
	v20 =	vadd.f32 v54, v51;
	v4 =	vadd.f32 v59, v57  }
0xfa: {  	v9 =	vld [tilespmem:$0x1FF00];
	[tilespmem:$0x1FDD0] =	vst v24;
	v5 =	vadd.f32 v61, v60;
	v51 =	vadd.f32 v63, v62;
	v54 =	vimm.s32 $0x0  }
0xfb: {  	v57 =	vsel vm1, v41, v43;
	v59 =	vimm.s32 $0x0;
	v63 =	vimm.s32 $0x0;
	v23 =	vld [tilespmem:$0x1FDD0]  }
0xfc: {  	v61 =	vsel vm14, v47, v49;
	v41 =	vimm.s32 $0x0;
	v2 =	vsel vm6, $0xFFFFFFFF, v63;
	v63 =	vld [tilespmem:$0x1FEF0]  }
0xfd: {  	[tilespmem:$0x1FDF0] =	vst v25;
	v39 =	vsel vm6, v3, v6;
	v43 =	vimm.s32 $0x0;
	v6 =	vsel vm8, $0xFFFFFFFF, v41;
	v41 =	vld [tilespmem:$0x1FF90]  }
0xfe: {  	[tilespmem:$0x1FDB0] =	vst v21;
	v21 =	vsel vm14, $0xFFFFFFFF, v59;
	vm14 =	vge.f32 v50, v52;
	v7 =	vsel vm9, $0xFFFFFFFF, v43;
	v43 =	vld [tilespmem:$0x1FDF0]  }
0xff: {  	v14 =	vsel vm1, $0xFFFFFFFF, v54;
	v62 =	vsel vm14, v50, v52;
	v52 =	vld [tilespmem:$0x1FEC0]  }
0x100: {  	vm4 =	vge.f32 v56, v1;
	vm10 =	vge.f32 v16, v17;
	[tilespmem:$0x1FDA0] =	vst v14;
	v14 =	vld [tilespmem:$0x1FF30]  }
0x101: {  	v38 =	vimm.s32 $0x0;
	v24 =	vimm.s32 $0x0;
	v19 =	vadd.f32 v48, v45;
	[tilespmem:$0x1FDC0] =	vst v21;
	v21 =	vld [tilespmem:$0x1FF50]  }
0x102: {  	v60 =	vsel vm2, v44, v46;
	v44 =	vimm.s32 $0x0;
	[tilespmem:$0x1FE00] =	vst v2;
	v2 =	vsel vm7, $0xFFFFFFFF, v38;
	v38 =	vld [tilespmem:$0x1FF70]  }
0x103: {  	v24 =	vsel vm4, $0xFFFFFFFF, v24;
	v42 =	vsel vm8, v10, v12;
	[tilespmem:$0x1FE30] =	vst v7;
	v7 =	vsel vm10, $0xFFFFFFFF, v44;
	v44 =	vld [tilespmem:$0x1FFB0]  }
0x104: {  	v45 =	vsel vm9, v13, v15;
	v47 =	vimm.s32 $0x0;
	vm12 =	vge.f32 v20, v4;
	v13 =	vld [tilespmem:$0x1FDC0]  }
0x105: {  	v49 =	vimm.s32 $0x0;
	vm11 =	vge.f32 v18, v19;
	v4 =	vsel vm12, v20, v4;
	v20 =	vld [tilespmem:$0x1FF40]  }
0x106: {  	v10 =	vsel vm11, $0xFFFFFFFF, v47;
	v12 =	vsel vm12, $0xFFFFFFFF, v49;
	vm12 =	vge.f32 v60, v61;
	v47 =	vld [tilespmem:$0x1FFD0]  }
0x107: {  	[tilespmem:$0x1FDE0] =	vst v24;
	v24 =	vsel vm15, v53, v55;
	v53 =	vsel vm12, v60, v61;
	v60 =	vld [tilespmem:$0x1FED0]  }
0x108: {  	vm15 =	vge.f32 v62, v24;
	v61 =	vld [tilespmem:$0x1FEE0]  }
0x109: {  	v1 =	vsel vm4, v56, v1;
	v54 =	vsel vm15, v62, v24;
	v62 =	vld [tilespmem:$0x1FDA0]  }
0x10a: {  	v46 =	vsel vm10, v16, v17;
	v48 =	vsel vm11, v18, v19;
	vm11 =	vge.f32 v39, v40;
	[tilespmem:$0x1FE50] =	vst v10;
	v10 =	vld [tilespmem:$0x1FDB0]  }
0x10b: {  	vm6 =	vge.f32 v1, v0;
	vm13 =	vge.f32 v5, v51;
	v55 =	vsel vm11, v39, v40;
	v39 =	vld [tilespmem:$0x1FF80]  }
0x10c: {  	v50 =	vimm.s32 $0x0;
	vm10 =	vge.f32 v11, v57;
	v0 =	vsel vm6, v1, v0;
	[tilespmem:$0x1FE10] =	vst v2;
	v40 =	vld [tilespmem:$0x1FDE0]  }
0x10d: {  	v5 =	vsel vm13, v5, v51;
	v51 =	vlaneseq.u32;
	v11 =	vsel vm10, v11, v57;
	v49 =	vld [tilespmem:$0x1FE10]  }
0x10e: {  	[tilespmem:$0x1FE60] =	vst v12;
	v12 =	vsel vm13, $0xFFFFFFFF, v50;
	vm13 =	vge.f32 v42, v45;
	vm7 =	vge.f32 v46, v48;
	v50 =	vld [tilespmem:$0x1FFF0]  }
0x10f: {  	vm8 =	vge.f32 v4, v5;
	[tilespmem:$0x1FE70] =	vst v12;
	v56 =	vsel vm13, v42, v45;
	vm9 =	vge.f32 v11, v53;
	v12 =	vld [tilespmem:$0x1FF20]  }
0x110: {  	v57 =	vsel vm7, v46, v48;
	v4 =	vsel vm8, v4, v5;
	vm3 =	vge.f32 v54, v0;
	v42 =	vld [tilespmem:$0x1FFA0]  }
0x111: {  	v45 =	vld [tilespmem:$0x1FFC0];
	v58 =	vsel vm9, v11, v53;
	vm4 =	vge.f32 v55, v56;
	vm5 =	vge.f32 v57, v4  }
0x112: {  	v46 =	vld [tilespmem:$0x1FE00];
	v0 =	vsel vm3, v54, v0;
	v1 =	vsel vm4, v55, v56;
	v59 =	vsel vm5, v57, v4  }
0x113: {  	[tilespmem:$0x1FE40] =	vst v7;
	v11 =	vld [tilespmem:$0x1FF10];
	v8 =	vsel vm0, v51, v52;
	vm2 =	vge.f32 v58, v0;
	vm1 =	vge.f32 v1, v59  }
0x114: {  	v53 =	vld [tilespmem:$0x1FE40];
	v0 =	vsel vm2, v58, v0;
	v5 =	vsel vm14, v20, v14;
	vm14 =	vnez.u8 v23  }
0x115: {  	[tilespmem:$0x1FE20] =	vst v6;
	v54 =	vld [tilespmem:$0x1FE50];
	vm0 =	vnez.u8 v62;
	v1 =	vsel vm1, v1, v59;
	v6 =	vsel vm14, v22, v21  }
0x116: {  	v48 =	vld [tilespmem:$0x1FFE0];
	vm14 =	vnez.u8 v40;
	v3 =	vsel vm0, v61, v60;
	vm0 =	vnez.u8 v10  }
0x117: {  	v55 =	vld [tilespmem:$0x1FE60];
	v7 =	vsel vm14, v39, v38;
	vm14 =	vnez.u8 v43;
	v5 =	vsel vm15, v5, v6  }
0x118: {  	v51 =	vld [tilespmem:$0x1FE20];
	v4 =	vsel vm0, v9, v63;
	vm0 =	vnez.u8 v13;
	v3 =	vsel vm10, v8, v3  }
0x119: {  	v52 =	vld [tilespmem:$0x1FE30];
	vm15 =	vnez.u8 v53;
	v2 =	vsel vm0, v12, v11;
	vm0 =	vge.f32 v0, v1  }
0x11a: {  	v56 =	vld [tilespmem:$0x1FE70];
	vm10 =	vnez.u8 v54;
	v6 =	vsel vm15, v30, v29;
	v0 =	vsel vm0, v0, v1  }
0x11b: {  	v1 =	vsel vm14, v42, v41;
	vm14 =	vnez.u8 v46;
	v2 =	vsel vm12, v4, v2  }
0x11c: {  	vm12 =	vnez.u8 v55;
	v9 =	vsel vm14, v45, v44;
	vm14 =	vnez.u8 v49;
	(xrf0) =	vmax.scan.msk.f32 $0xffff, v0  }
0x11d: {  	v1 =	vsel vm6, v7, v1;
	v10 =	vsel vm14, v48, v47;
	vm14 =	vnez.u8 v51  }
0x11e: {  	v7 =	vsel vm10, v32, v31;
	v8 =	vsel vm14, v26, v50;
	vm14 =	vnez.u8 v52  }
0x11f: {  	v9 =	vsel vm11, v9, v10;
	v4 =	vsel vm14, v28, v27;
	vm14 =	vnez.u8 v56  }
0x120: {  	v10 =	vsel vm12, v34, v33;
	v4 =	vsel vm13, v8, v4;
	v8 =	vsel vm14, v36, v35  }
0x121: {  	v2 =	vsel vm9, v3, v2;
	v6 =	vsel vm7, v6, v7;
	v57 =	vsel vm8, v10, v8  }
0x122: {  	v1 =	vsel vm3, v5, v1;
	v58 =	vsel vm4, v9, v4;
	v59 =	vsel vm5, v6, v57;
	v60, _, _ =	vpop (xrf0)  }
0x123: {  	v1 =	vsel vm2, v2, v1;
	v61 =	vsel vm1, v58, v59;
	v62 =	vbroadcast v60, $0xF  }
0x124: {  	v1 =	vsel vm0, v1, v61  }
0x125: {  	vm15 =	veq.f32 v0, v62;
	v63 =	vor.u32 $0x80000000, v1  }
0x126: {  	v0 =	vnsel vm15, $0xC0000000, v63  }
0x127: {  	(xrf0) =	vmin.scan.msk.u32 $0xffff, v0;
	_ =	sdelay $0x5  }
0x128: {  	v0, _, _ =	vpop (xrf0)  }
0x129: {  	(v2sf) =	vpush v0, $0xF;
	_ =	sdelay $0xc  }
.Ltmp6:
0x12a: {  	_ = 	snop;
	(pc) =	sbr.rel .LBB2_5-.Ltmp6, $4  }
0x12b: {  	_ = 	snop  }
0x12c: {  	s31 =	spop (v2sf)  }
0x12d: {  	s15 =	sxor.u32 $0x80000000, s31  }
0x12e: {  	v16 =	vimm.f32 $-Inf;
	v38 =	vmov s15  }
.LBB2_7:
0x12f: {  	_ =	sfence.sel $0x180000  }
0x130: {  	[bflag:$0x0] =	sbarrier.arrive $0xFFFF  }
0x131: {  	p0 =	sne.s32 s1, $0x0;
	_ =	strace $0x9000004A  }
0x132: {  	s0 =	sadd.s32 @!p0 $0x100000, s0;
	[bflag:$0x2] =	sbarrier.arrive $0xFFFF  }
0x133: {  	[sflag:s0] =	ssyncadd.tile.s32 @!p0 $0x1;
	_ =	shalt  }
.Lfunc_end2:
_tile_overlayer_lowered:
.L_overlay_start_2:
0x134: {  	(tag) =	ssettag $0x2  }
0x135: {  	s0 =	rddreg [dreg:$0x0];
	s2 =	stileid.u32  }
0x136: {  	s1 =	rddreg [dreg:$0x1];
	p0 =	sne.s32 s2, $0x0  }
0x137: {  	s3 =	rddreg [dreg:$0x2];
	[bflag:$0x3] =	sbarrier.arrive $0xFFFF;
	s2 =	simm.s32 @!p0 $0x1C01  }
0x138: {  	[timem:s3], [sflag:s2] =	dma.local @!p0 [hbm:s0], s1  }
0x139: {  	s0 =	simm.s32 @!p0 $0x1  }
0x13a: {  	_ =	swait.ge @!p0 [sflag:s0], s1  }
0x13b: {  	s1 =	ssub.s32 @!p0 $0x0, s1;
	[sflag:s0] =	ssyncset.done @!p0 $0x0  }
0x13c: {  	[sflag:s0] =	ssyncadd.s32 @!p0 s1  }
0x13d: {  	[bflag:$0x3] =	sbarrier.arrive $0xFFFF  }
0x13e: {  	_ =	shalt  }

// kernel: kernel.9.cloned.1.call-start
scs
__scs_entry_jumppad:
0x0: {  	(pc) =	sbr.rel $0x88, $3  }
0x1: {  	(tag) =	ssettag $0x0;
	lr =	simm.s32 $0x1  }
0x2: {  	[smem:$0x3F9F] =	sst lr;
	_ =	strace $0xD0000000  }
0x3: {  	_ = 	snop  }
0x4: {  	_ = 	snop  }
0x5: {  	_ = 	snop  }
0x6: {  	_ = 	snop  }
0x7: {  	_ = 	snop  }
__scs_overlays_trampoline_lowered:
0x8: {  	[smem:$0x3FAE] =	sst s0  }
0x9: {  	[smem:$0x3FAF] =	sst s1  }
0xa: {  	[smem:$0x3FB0] =	sst s2  }
0xb: {  	[smem:$0x3FB1] =	sst s3  }
0xc: {  	[smem:$0x3FB2] =	sst s4  }
0xd: {  	[smem:$0x3FB3] =	sst s5  }
0xe: {  	[smem:$0x3FB4] =	sst s6  }
0xf: {  	[smem:$0x3FB5] =	sst s7  }
0x10: {  	[smem:$0x3FB6] =	sst s8  }
0x11: {  	[smem:$0x3FB7] =	sst s9;
	s0 =	simm.s32 @!p0 $0x0  }
0x12: {  	s1 =	sld [smem:$0x3F9D];
	s0 =	simm.s32 @p0 $0x1  }
0x13: {  	[smem:$0x3FB8] =	sst s0;
	s0 =	simm.s32 @!p1 $0x0  }
0x14: {  	s2 =	sld [smem:$0x3F9C];
	s0 =	simm.s32 @p1 $0x1  }
0x15: {  	[smem:$0x3FB9] =	sst s0;
	s0 =	simm.s32 @!p2 $0x0  }
0x16: {  	s3 =	sld [smem:$0x3FDB];
	s0 =	simm.s32 @p2 $0x1  }
0x17: {  	s4 =	simm.s32 $0x1BF5;
	[smem:$0x3FBB] =	sst s0  }
0x18: {  	s0 =	sld [smem:$0x3F9E];
	_ =	swait.ge [sflag:s4], $0x0  }
0x19: {  	s7 =	sld [smem:$0x3F9F]  }
0x1a: {  	s8 =	sadd.s32 $0xFFFFE003, lr  }
0x1b: {  	s9 =	sadd.s32 $0xFFFFFEF7, lr;
	s5 =	simm.s32 $0xFFFFFFFF;
	p2 =	slt.u32 s8, $0xFFFFF086  }
0x1c: {  	p1 =	slt.u32 s9, $0xF7A;
	s5 =	simm.s32 @!p2 $0x0  }
0x1d: {  	s5 =	simm.s32 @p1 $0x1;
	p0 =	seq.s32 s7, s2  }
0x1e: {  	s7 =	smul.u32 @!p0 $0xF7A, s2;
	p2 =	seq.s32 @!p0 s5, $0x0  }
0x1f: {  	s9 =	smul.u32 $0xF7A, s1;
	s8 =	simm.s32 @!p0 $0x1BF5;
	p2 =	por !p2, p0  }
0x20: {  	[sflag:s8] =	ssyncset.s32 @!p0 $0xFFFFF086;
	s6 =	sadd.s32 @!p0 s3, s7;
	s7 =	simm.s32 @!p0 $0x108  }
0x21: {  	s3 =	sadd.s32 s3, s9;
	s6 =	sadd.s32 @!p0 $0x88, s6;
	s7 =	simm.s32 @p2 $0x1082  }
0x22: {  	[simem:s7], [sflag:s8] =	dma.local @!p0 [hbm:s6], $0xF7A  }
0x23: {  	s9 =	sor.u32 $0xD0000000, s2;
	s6 =	simm.s32 $0x108;
	_ =	swait.ge @!p0 [sflag:s8], $0x0  }
0x24: {  	s3 =	sadd.s32 $0x88, s3;
	s6 =	simm.s32 @!p1 $0x1082;
	[sflag:s4] =	ssyncset.s32 $0xFFFFF086  }
0x25: {  	[simem:s6], [sflag:s4] =	dma.local [hbm:s3], $0xF7A  }
0x26: {  	[smem:$0x3F9F] =	sst s1;
	(tag) =	ssettag s2;
	_ =	strace s9  }
0x27: {  	s1 =	sld [smem:$0x3FAF]  }
0x28: {  	s2 =	sld [smem:$0x3FB0]  }
0x29: {  	s4 =	sld [smem:$0x3FB2]  }
0x2a: {  	p0 =	seq.s32 s5, $0x0;
	s5 =	sld [smem:$0x3FB3]  }
0x2b: {  	s6 =	sld [smem:$0x3FB4]  }
0x2c: {  	s7 =	sld [smem:$0x3FB5]  }
0x2d: {  	s3 =	simm.s32 $0x108;
	s8 =	sld [smem:$0x3FB6]  }
0x2e: {  	s3 =	simm.s32 @!p0 $0x1082;
	s9 =	sld [smem:$0x3FB7]  }
0x2f: {  	lr =	sadd.s32 s0, s3;
	s0 =	sld [smem:$0x3FAE]  }
0x30: {  	s3 =	sld [smem:$0x3FB1]  }
0x31: {  	[smem:$0x3FBA] =	sst s10  }
0x32: {  	s10 =	sld [smem:$0x3FB8];
	_ =	sdelay $0x3  }
0x33: {  	p0 =	seq.s32 s10, $0x1;
	s10 =	sld [smem:$0x3FBA];
	_ =	sdelay $0x3  }
0x34: {  	[smem:$0x3FBA] =	sst s10  }
0x35: {  	s10 =	sld [smem:$0x3FB9];
	_ =	sdelay $0x3  }
0x36: {  	p1 =	seq.s32 s10, $0x1;
	s10 =	sld [smem:$0x3FBA];
	_ =	sdelay $0x3  }
0x37: {  	[smem:$0x3FBA] =	sst s10  }
0x38: {  	s10 =	sld [smem:$0x3FBB]  }
0x39: {  	_ = 	snop;
	(pc) =	sbr.ind lr, $3  }
0x3a: {  	_ = 	snop  }
0x3b: {  	_ = 	snop  }
0x3c: {  	p2 =	seq.s32 s10, $0x1;
	s10 =	sld [smem:$0x3FBA]  }
0x3d: {  	_ =	shalt  }
0x3e: {  	_ =	shalt  }
0x3f: {  	_ =	shalt  }
0x40: {  	_ =	shalt  }
0x41: {  	_ =	shalt  }
0x42: {  	_ =	shalt  }
0x43: {  	_ =	shalt  }
0x44: {  	_ =	shalt  }
0x45: {  	_ =	shalt  }
0x46: {  	_ =	shalt  }
0x47: {  	_ =	shalt  }
0x48: {  	_ =	shalt  }
0x49: {  	_ =	shalt  }
0x4a: {  	_ =	shalt  }
0x4b: {  	_ =	shalt  }
0x4c: {  	_ =	shalt  }
0x4d: {  	_ =	shalt  }
0x4e: {  	_ =	shalt  }
0x4f: {  	_ =	shalt  }
0x50: {  	_ =	shalt  }
0x51: {  	_ =	shalt  }
0x52: {  	_ =	shalt  }
0x53: {  	_ =	shalt  }
0x54: {  	_ =	shalt  }
0x55: {  	_ =	shalt  }
0x56: {  	_ =	shalt  }
0x57: {  	_ =	shalt  }
0x58: {  	_ =	shalt  }
0x59: {  	_ =	shalt  }
0x5a: {  	_ =	shalt  }
0x5b: {  	_ =	shalt  }
0x5c: {  	_ =	shalt  }
0x5d: {  	_ =	shalt  }
0x5e: {  	_ =	shalt  }
0x5f: {  	_ =	shalt  }
0x60: {  	_ =	shalt  }
0x61: {  	_ =	shalt  }
0x62: {  	_ =	shalt  }
0x63: {  	_ =	shalt  }
0x64: {  	_ =	shalt  }
0x65: {  	_ =	shalt  }
0x66: {  	_ =	shalt  }
0x67: {  	_ =	shalt  }
0x68: {  	_ =	shalt  }
0x69: {  	_ =	shalt  }
0x6a: {  	_ =	shalt  }
0x6b: {  	_ =	shalt  }
0x6c: {  	_ =	shalt  }
0x6d: {  	_ =	shalt  }
0x6e: {  	_ =	shalt  }
0x6f: {  	_ =	shalt  }
0x70: {  	_ =	shalt  }
0x71: {  	_ =	shalt  }
0x72: {  	_ =	shalt  }
0x73: {  	_ =	shalt  }
0x74: {  	_ =	shalt  }
0x75: {  	_ =	shalt  }
0x76: {  	_ =	shalt  }
0x77: {  	_ =	shalt  }
0x78: {  	_ =	shalt  }
0x79: {  	_ =	shalt  }
0x7a: {  	_ =	shalt  }
0x7b: {  	_ =	shalt  }
0x7c: {  	_ =	shalt  }
0x7d: {  	_ =	shalt  }
0x7e: {  	_ =	shalt  }
0x7f: {  	_ =	shalt  }
0x80: {  	_ =	shalt  }
0x81: {  	_ =	shalt  }
0x82: {  	_ =	shalt  }
0x83: {  	_ =	shalt  }
0x84: {  	_ =	shalt  }
0x85: {  	_ =	shalt  }
0x86: {  	_ =	shalt  }
0x87: {  	_ =	shalt  }
.Lfunc_end0:
.L_simem_size_0:
called_computation.1_lowered:
.L_overlay_start_0:
0x88: {  	s2 =	sld [smem:$0x3FD9]  }
0x89: {  	s3 =	sld [smem:$0x3FFE];
	_ =	sdelay $0x1  }
0x8a: {  	s1 =	srdreg.scid  }
0x8b: {  	s0 =	sand.u32 $0x1, s1  }
0x8c: {  	s16 =	sshll.u32 s0, $0xA;
	s2 =	sadd.s32 s3, s2  }
0x8d: {  	s2 =	sadd.s32 s2, s16  }
0x8e: {  	[smem:$0x3FC6] =	sst s2  }
0x8f: {  	_ = 	snop  }
0x90: {  	(tm) =	ssettm $0x1  }
0x91: {  	s17 =	sld [smem:$0x3FFB];
	_ =	sdelay $0x3  }
0x92: {  	_ =	strace s17  }
0x93: {  	s2 =	sld [smem:$0x3FFC];
	_ =	sdelay $0x3  }
0x94: {  	_ =	strace s2  }
0x95: {  	s2 =	sld [smem:$0x3FFD];
	_ =	sdelay $0x3  }
0x96: {  	_ =	strace s2  }
0x97: {  	_ =	strace $0x8FFFFFFF  }
0x98: {  	s18 =	sld [smem:$0x3FDB];
	_ =	sdelay $0x1  }
0x99: {  	s19 =	simm.s32 $_scs_section_size  }
0x9a: {  	s4 =	simm.s32 $_size__tile_overlayer_lowered;
	s5 =	simm.s32 $_tile_overlayer_lowered  }
0x9b: {  	s22 =	simm.s32 $0x1BFF;
	s21 =	sshll.u32 s5, $0x1;
	s2 =	sadd.s32 s19, s18  }
0x9c: {  	s6 =	simm.s32 $0x0;
	s20 =	sshll.u32 s4, $0x1;
	s4 =	sadd.s32 s21, s2  }
0x9d: {  	[timem:s6], [sflag:s22] =	dma.local [hbm:s4], s20  }
0x9e: {  	_ =	swait.ge [sflag:s22], s20  }
0x9f: {  	s3 =	ssub.s32 $0x0, s20;
	[sflag:s22] =	ssyncset.done $0x0  }
0xa0: {  	[sflag:s22] =	ssyncadd.s32 s3;
	_ =	sdelay $0x1  }
0xa1: {  	s23 =	simm.s32 $0x1B8B  }
0xa2: {  	_ =	swait.ge [sflag:s23], $0x1  }
0xa3: {  	[sflag:s23] =	ssyncset.done $0x0  }
0xa4: {  	s25 =	simm.s32 $0x1B8E;
	s24 =	sld [smem:$0x3FFE];
	[sflag:s23] =	ssyncadd.s32 $0xFFFFFFFF  }
0xa5: {  	s26 =	simm.s32 $execute0_lowered;
	[smem:$0x3FD2] =	sst s25  }
0xa6: {  	s4 =	sshll.u32 s26, $0x1;
	_ =	strace $0x80000046;
	[dreg:$0x1] =	wrdreg $0xFFFFFFFF  }
0xa7: {  	s28 =	simm.s32 $_size_execute0_lowered;
	s2 =	sadd.s32 s2, s4;
	[dreg:$0x0] =	wrdreg $0x0  }
0xa8: {  	s4 =	sshll.u32 s28, $0x1;
	[dreg:$0x2] =	wrdreg s2  }
0xa9: {  	[dreg:$0x3] =	wrdreg s4  }
0xaa: {  	[dreg:$0x4] =	wrdreg $0xC0  }
0xab: {  	_ =	task [dreg:s6], $0x5FFFF  }
0xac: {  	[dreg:$0x1] =	wrdreg $0xFFFFFFFF  }
0xad: {  	[dreg:$0x0] =	wrdreg $0x60  }
0xae: {  	[dreg:$0x2] =	wrdreg s24  }
0xaf: {  	[dreg:$0x3] =	wrdreg $0xA  }
0xb0: {  	_ =	task.clear_ibuf [dreg:s6], $0x4FFFF;
	_ =	strace $0x90000046  }
0xb1: {  	s29 =	simm.s32 $0xA;
	_ =	strace $0x80000048  }
0xb2: {  	_ =	swait.ge [sflag:s29], $0x1  }
0xb3: {  	[sflag:s29] =	ssyncadd.s32 $0xFFFFFFFF  }
0xb4: {  	_ =	strace $0x90000048  }
0xb5: {  	_ =	sfence  }
0xb6: {  	s30 =	sld [smem:$0x0];
	_ =	sdelay $0x2  }
0xb7: {  	s31 =	sshll.u32 s1, $0xD;
	s1 =	sshrl.u32 s1, $0x2  }
0xb8: {  	s3 =	sand.u32 $0x4000, s31;
	s1 =	sadd.s32 s1, s30  }
0xb9: {  	s0 =	sor.u32 s3, s0;
	s1 =	sshll.u32 s1, $0x11  }
0xba: {  	s0 =	sor.u32 s1, s0  }
0xbb: {  	s0 =	sadd.s32 $0x8F2B, s0  }
0xbc: {  	[sflag:s0] =	ssyncadd.remote.s32 $0x1  }
0xbd: {  	_ =	sfence.sel $0xFFFF  }
0xbe: {  	[dreg:$0x0] =	wrdreg $0xFFFFFFFF;
	(pc) =	sbr.abs _section_cstart, $3  }
0xbf: {  	[dreg:$0x1] =	wrdreg $0xFFFFFFFF  }
0xc0: {  	_ =	task.clear_ibuf [dreg:s6], $0x2FFFF;
	_ =	strace $0x9FFFFFFF  }
0xc1: {  	(tm) =	ssettm $0x7FFFFFFF  }
tec
execute0_lowered:
.L_overlay_start_1:
0x0: {  	(tag) =	ssettag $0x1  }
0x1: {  	s1 =	stileid.u32  }
0x2: {  	p0 =	sgt.u32 s1, $0x1  }
.Ltmp0:
0x3: {  	_ = 	snop;
	(pc) =	sbr.rel @p0 .LBB2_7-.Ltmp0, $4  }
0x4: {  	_ = 	snop  }
0x5: {  	s3 =	rddreg [dreg:$0x0];
	s2 =	simm.s32 $0x0  }
0x6: {  	[smem:$0x7FF] =	sst s2  }
0x7: {  	s0 =	rddreg [dreg:$0x1];
	_ =	strace $0x80000047  }
0x8: {  	v0 =	vimm.s32 $0x1380  }
0x9: {  	vm14 =	vcmask $0x300;
	vm13 =	vcmask $0x704;
	vm12 =	vcmask $0xB08  }
0xa: {  	vm11 =	vcmask $0xF0C;
	vm10 =	vcmask $0x1310;
	vm9 =	vcmask $0x1714  }
0xb: {  	vm8 =	vcmask $0x1B18;
	vm7 =	vcmask $0x1F1C;
	vm6 =	vcmask $0x2320  }
0xc: {  	vm5 =	vcmask $0x2724;
	vm4 =	vcmask $0x2B28;
	vm3 =	vcmask $0x2F2C  }
0xd: {  	vm1 =	vcmask $0x3330;
	vm2 =	vcmask $0x3734;
	vm0 =	vcmask $0x3B38  }
0xe: {  	v2 =	vimm.s32 $0x3380;
	v16 =	vimm.f32 $-Inf;
	v3 =	vimm.s32 $0x5380  }
0xf: {  	v4 =	vimm.s32 $0x7380;
	v41 =	vlaneseq.u32;
	v0 =	vsel vm14, $0x0, v0  }
0x10: {  	v2 =	vsel vm14, $0x2000, v2;
	v3 =	vsel vm14, $0x4000, v3;
	v4 =	vsel vm14, $0x6000, v4  }
0x11: {  	v44 =	vor.u32 $0x10, v41;
	v45 =	vor.u32 $0x30, v41;
	v46 =	vor.u32 $0x20, v41  }
0x12: {  	v47 =	vor.u32 $0x50, v41;
	v48 =	vor.u32 $0x40, v41;
	v49 =	vor.u32 $0x70, v41  }
0x13: {  	v50 =	vor.u32 $0x60, v41;
	v51 =	vor.u32 $0x90, v41;
	v52 =	vor.u32 $0x80, v41  }
0x14: {  	v53 =	vor.u32 $0xB0, v41;
	v54 =	vor.u32 $0xA0, v41;
	v55 =	vor.u32 $0xD0, v41  }
0x15: {  	v56 =	vor.u32 $0xC0, v41;
	v57 =	vor.u32 $0xF0, v41;
	v58 =	vor.u32 $0xE0, v41  }
0x16: {  	v59 =	vor.u32 $0x110, v41;
	v60 =	vor.u32 $0x100, v41;
	v61 =	vor.u32 $0x130, v41;
	[tilespmem:$0x1FEC0] =	vst v44  }
0x17: {  	v62 =	vor.u32 $0x120, v41;
	v63 =	vor.u32 $0x150, v41;
	v26 =	vor.u32 $0x140, v41;
	[tilespmem:$0x1FED0] =	vst v45  }
0x18: {  	v27 =	vor.u32 $0x170, v41;
	v28 =	vor.u32 $0x160, v41;
	v29 =	vor.u32 $0x190, v41;
	[tilespmem:$0x1FEE0] =	vst v46  }
0x19: {  	v30 =	vor.u32 $0x180, v41;
	v0 =	vsel vm13, $0x80, v0;
	v2 =	vsel vm13, $0x2080, v2;
	[tilespmem:$0x1FEF0] =	vst v47  }
0x1a: {  	v3 =	vsel vm13, $0x4080, v3;
	v4 =	vsel vm13, $0x6080, v4;
	[tilespmem:$0x1FF00] =	vst v48;
	v0 =	vsel vm12, $0x100, v0  }
0x1b: {  	[tilespmem:$0x1FF10] =	vst v49;
	v2 =	vsel vm12, $0x2100, v2;
	v3 =	vsel vm12, $0x4100, v3;
	v4 =	vsel vm12, $0x6100, v4  }
0x1c: {  	[tilespmem:$0x1FF20] =	vst v50;
	v0 =	vsel vm11, $0x180, v0;
	v2 =	vsel vm11, $0x2180, v2;
	v3 =	vsel vm11, $0x4180, v3  }
0x1d: {  	[tilespmem:$0x1FF30] =	vst v51;
	v4 =	vsel vm11, $0x6180, v4;
	v0 =	vsel vm10, $0x200, v0;
	v2 =	vsel vm10, $0x2200, v2  }
0x1e: {  	[tilespmem:$0x1FF40] =	vst v52;
	v3 =	vsel vm10, $0x4200, v3;
	v4 =	vsel vm10, $0x6200, v4;
	v0 =	vsel vm9, $0x280, v0  }
0x1f: {  	[tilespmem:$0x1FF50] =	vst v53;
	v2 =	vsel vm9, $0x2280, v2;
	v3 =	vsel vm9, $0x4280, v3;
	v4 =	vsel vm9, $0x6280, v4  }
0x20: {  	[tilespmem:$0x1FF60] =	vst v54;
	v0 =	vsel vm8, $0x300, v0;
	v2 =	vsel vm8, $0x2300, v2;
	v3 =	vsel vm8, $0x4300, v3  }
0x21: {  	[tilespmem:$0x1FF70] =	vst v55;
	v4 =	vsel vm8, $0x6300, v4;
	v0 =	vsel vm7, $0x380, v0;
	v2 =	vsel vm7, $0x2380, v2  }
0x22: {  	[tilespmem:$0x1FF80] =	vst v56;
	v3 =	vsel vm7, $0x4380, v3;
	v4 =	vsel vm7, $0x6380, v4;
	v0 =	vsel vm6, $0x1000, v0  }
0x23: {  	[tilespmem:$0x1FF90] =	vst v57;
	v2 =	vsel vm6, $0x3000, v2;
	v3 =	vsel vm6, $0x5000, v3;
	v4 =	vsel vm6, $0x7000, v4  }
0x24: {  	[tilespmem:$0x1FFA0] =	vst v58;
	v0 =	vsel vm5, $0x1080, v0;
	v2 =	vsel vm5, $0x3080, v2;
	v3 =	vsel vm5, $0x5080, v3  }
0x25: {  	[tilespmem:$0x1FFB0] =	vst v59;
	v4 =	vsel vm5, $0x7080, v4;
	v0 =	vsel vm4, $0x1100, v0;
	v2 =	vsel vm4, $0x3100, v2  }
0x26: {  	[tilespmem:$0x1FFC0] =	vst v60;
	v3 =	vsel vm4, $0x5100, v3;
	v4 =	vsel vm4, $0x7100, v4;
	v0 =	vsel vm3, $0x1180, v0  }
0x27: {  	s4 =	srdreg.scid;
	s5 =	sshll.u32 s1, $0x1;
	s8 =	sadd.s32 $0x600, s3;
	[tilespmem:$0x1FFD0] =	vst v61;
	v2 =	vsel vm3, $0x3180, v2;
	v3 =	vsel vm3, $0x5180, v3;
	v0 =	vsel vm1, $0x1200, v0  }
0x28: {  	s9 =	simm.s32 $0x9200;
	s10 =	simm.s32 $0x9300;
	s4 =	sand.u32 $0x1, s4;
	[tilespmem:$0x1FFE0] =	vst v62;
	v4 =	vsel vm3, $0x7180, v4;
	v2 =	vsel vm1, $0x3200, v2;
	v1 =	vsel vm2, $0x1280, v0  }
.Ltmp1:
0x29: {  	s5 =	sor.u32 s4, s5;
	s4 =	ssub.s32 $0x2, s4;
	[tilespmem:$0x1FFF0] =	vst v63;
	v3 =	vsel vm1, $0x5200, v3;
	v2 =	vsel vm2, $0x3280, v2;
	v0 =	vsel vm0, $0x1300, v1;
	(pc) =	sbr.rel .LBB2_2-.Ltmp1, $4  }
0x2a: {  	s11 =	simm.s32 $0x0;
	s6 =	sshll.u32 s5, $0x4;
	s7 =	sshrl.u32 s4, $0x1;
	v4 =	vsel vm1, $0x7200, v4;
	v5 =	vsel vm2, $0x5280, v3;
	v40 =	vsel vm0, $0x3300, v2;
	[tilespmem:$0x1FE80] =	vst v0  }
0x2b: {  	v31 =	vor.u32 $0x1B0, v41;
	s5 =	smul.u32 $0x1200, s5;
	s30 =	sadd.s32 s6, s3;
	s31 =	ssub.s32 s4, s7;
	v6 =	vsel vm2, $0x7280, v4;
	v42 =	vsel vm0, $0x5300, v5;
	[tilespmem:$0x1FE90] =	vst v40  }
0x2c: {  	v32 =	vor.u32 $0x1A0, v41;
	v33 =	vor.u32 $0x1D0, v41;
	s6 =	simm.s32 $0x1;
	s7 =	simm.s32 $0x9280;
	s3 =	sadd.s32 $0x4E00, s30;
	v43 =	vsel vm0, $0x7300, v6;
	[tilespmem:$0x1FEA0] =	vst v42  }
0x2d: {  	v34 =	vor.u32 $0x1C0, v41;
	v35 =	vor.u32 $0x1F0, v41;
	v36 =	vor.u32 $0x1E0, v41;
	s4 =	sadd.s32 s8, s5;
	s5 =	smax.u32 s31, $0x1;
	s8 =	simm.s32 $0x9000;
	[tilespmem:$0x1FEB0] =	vst v43  }
.LBB2_6:
0x2e: {  	v0 =	vld [tilespmem:$0x8100];
	_ =	sdelay $0x1  }
0x2f: {  	v1 =	vld [tilespmem:$0x8110];
	_ =	sdelay $0x1  }
0x30: {  	v2 =	vld [tilespmem:$0x8120]  }
0x31: {  	v0 =	vadd.f32 $0.0e+00, v0  }
0x32: {  	v3 =	vld [tilespmem:$0x8130]  }
0x33: {  	v0 =	vadd.f32 v1, v0  }
0x34: {  	v54 =	vld [tilespmem:$0x8140]  }
0x35: {  	v0 =	vadd.f32 v2, v0  }
0x36: {  	v55 =	vld [tilespmem:$0x8150]  }
0x37: {  	v0 =	vadd.f32 v3, v0  }
0x38: {  	v56 =	vld [tilespmem:$0x8160]  }
0x39: {  	v0 =	vadd.f32 v54, v0  }
0x3a: {  	v57 =	vld [tilespmem:$0x8170]  }
0x3b: {  	v0 =	vadd.f32 v55, v0  }
0x3c: {  	v58 =	vld [tilespmem:$0x8500]  }
0x3d: {  	v0 =	vadd.f32 v56, v0  }
0x3e: {  	v59 =	vld [tilespmem:$0x8510]  }
0x3f: {  	v0 =	vadd.f32 v57, v0  }
0x40: {  	v60 =	vld [tilespmem:$0x8520]  }
0x41: {  	v0 =	vadd.f32 v58, v0  }
0x42: {  	v61 =	vld [tilespmem:$0x8530]  }
0x43: {  	v4 =	vld [tilespmem:$0x9200];
	v0 =	vadd.f32 v59, v0  }
0x44: {  	v62 =	vld [tilespmem:$0x8540]  }
0x45: {  	v63 =	vld [tilespmem:$0x8550];
	v0 =	vadd.f32 v60, v0  }
0x46: {  	v11 =	vld [tilespmem:$0x8560]  }
0x47: {  	v12 =	vld [tilespmem:$0x1FE80];
	v0 =	vadd.f32 v61, v0  }
0x48: {  	v13 =	vld [tilespmem:$0x8570]  }
0x49: {  	v6 =	vld [tilespmem:$0x9210];
	v0 =	vadd.f32 v62, v0  }
0x4a: {  	v14 =	vld [tilespmem:$0x8900]  }
0x4b: {  	v7 =	vld [tilespmem:$0x8910];
	v0 =	vadd.f32 v63, v0  }
0x4c: {  	v21 =	vld [tilespmem:$0x8920]  }
0x4d: {  	v37 =	vld [tilespmem:$0x8930];
	v0 =	vadd.f32 v11, v0  }
0x4e: {  	v38 =	vld [tilespmem:$0x1FE90]  }
0x4f: {  	v39 =	vld [tilespmem:$0x8940];
	v0 =	vadd.f32 v13, v0  }
0x50: {  	v43 =	vld [tilespmem:$0x8960]  }
0x51: {  	v44 =	vld [tilespmem:$0x1FEA0];
	v0 =	vadd.f32 v14, v0  }
0x52: {  	v45 =	vld [tilespmem:$0x8970]  }
0x53: {  	v49 =	vld [tilespmem:$0x8D10];
	v5 =	vshll.u32 v4, $0x3;
	v8 =	vshll.u32 v6, $0x3;
	v0 =	vadd.f32 v7, v0  }
0x54: {  	v50 =	vld [tilespmem:$0x1FEB0];
	v9 =	vand.u32 $0x7F, v4;
	v22 =	vand.u32 $0x7F, v6;
	v23 =	vand.u32 $0xFFFFFC00, v8  }
0x55: {  	v51 =	vld [tilespmem:$0x8D20];
	v10 =	vand.u32 $0xFFFFFC00, v5;
	v1 =	vor.u32 v22, v23;
	v0 =	vadd.f32 v21, v0  }
0x56: {  	v6 =	vadd.s32 v38, v1;
	v2 =	vor.u32 v9, v10;
	v10 =	vld [tilespmem:$0x8950]  }
0x57: {  	v15 =	vld [tilespmem:$0x8D30];
	v0 =	vadd.f32 v37, v0  }
0x58: {  	v40 =	vadd.s32 $0x8080, v1;
	v9 =	vld [tilespmem:$0x9220]  }
0x59: {  	v53 =	vld [tilespmem:$0x8D40];
	v1 =	vadd.s32 $0x8100, v1;
	v0 =	vadd.f32 v39, v0  }
0x5a: {  	v3 =	vadd.s32 v12, v2;
	v12 =	vld [tilespmem:$0x9230]  }
0x5b: {  	v6 =	vld.idx.msk [tilespmem:v6+s2+$0x0], $0xffff;
	v0 =	vadd.f32 v10, v0  }
0x5c: {  	v20 =	vadd.s32 $0x8080, v2;
	v13 =	vld [tilespmem:$0x8D00]  }
0x5d: {  	v2 =	vadd.s32 $0x8100, v2;
	v4 =	vld.idx.msk [tilespmem:v40+s2+$0x0], $0xffff;
	v11 =	vshll.u32 v9, $0x3;
	v0 =	vadd.f32 v43, v0  }
0x5e: {  	v1 =	vld.idx.msk [tilespmem:v1+s2+$0x0], $0xffff;
	v41 =	vand.u32 $0x7F, v9;
	v42 =	vand.u32 $0xFFFFFC00, v11  }
0x5f: {  	v54 =	vld [tilespmem:$0x8D50];
	v47 =	vand.u32 $0x7F, v12;
	v8 =	vor.u32 v41, v42;
	v0 =	vadd.f32 v45, v0  }
0x60: {  	v3 =	vld.idx.msk [tilespmem:v3+s2+$0x0], $0xffff;
	v46 =	vadd.s32 $0x8080, v8;
	v14 =	vshll.u32 v12, $0x3;
	v7 =	vadd.s32 v44, v8  }
0x61: {  	v5 =	vld.idx.msk [tilespmem:v20+s2+$0x0], $0xffff;
	v48 =	vand.u32 $0xFFFFFC00, v14;
	v8 =	vadd.s32 $0x8100, v8;
	v0 =	vadd.f32 v13, v0  }
0x62: {  	v2 =	vld.idx.msk [tilespmem:v2+s2+$0x0], $0xffff;
	v11 =	vor.u32 v47, v48  }
0x63: {  	v56 =	vld [tilespmem:$0x8D60];
	v9 =	vadd.s32 v50, v11;
	v0 =	vadd.f32 v49, v0  }
0x64: {  	v58 =	vld [tilespmem:$0x8D70];
	v52 =	vadd.s32 $0x8080, v11;
	v11 =	vadd.s32 $0x8100, v11  }
0x65: {  	v3 =	vmul.f32 $8.999999760e-01, v3;
	v7 =	vld.idx.msk [tilespmem:v7+s2+$0x0], $0xffff;
	v0 =	vadd.f32 v51, v0  }
0x66: {  	v55 =	vmul.f32 $8.999999760e-01, v6;
	v8 =	vld.idx.msk [tilespmem:v8+s2+$0x0], $0xffff  }
0x67: {  	v3 =	vsub.f32 v5, v3;
	v10 =	vld.idx.msk [tilespmem:v46+s2+$0x0], $0xffff;
	v0 =	vadd.f32 v15, v0  }
0x68: {  	v4 =	vsub.f32 v4, v55;
	v2 =	vadd.f32 $0.0e+00, v2;
	v9 =	vld.idx.msk [tilespmem:v9+s2+$0x0], $0xffff  }
0x69: {  	v3 =	vadd.f32 $0.0e+00, v3;
	v11 =	vld.idx.msk [tilespmem:v11+s2+$0x0], $0xffff;
	v0 =	vadd.f32 v53, v0  }
0x6a: {  	v1 =	vadd.f32 v1, v2;
	v57 =	vmul.f32 $8.999999760e-01, v7;
	v13 =	vld.idx.msk [tilespmem:v52+s2+$0x0], $0xffff  }
0x6b: {  	v59 =	vadd.f32 v4, v3;
	v0 =	vadd.f32 v54, v0  }
0x6c: {  	v1 =	vadd.f32 v8, v1;
	v60 =	vsub.f32 v10, v57  }
0x6d: {  	v61 =	vmul.f32 $8.999999760e-01, v9;
	v0 =	vadd.f32 v56, v0  }
0x6e: {  	v1 =	vadd.f32 v11, v1;
	v2 =	vadd.f32 v60, v59  }
0x6f: {  	v62 =	vsub.f32 v13, v61;
	v0 =	vadd.f32 v58, v0;
	_ =	sdelay $0x1  }
0x70: {  	v2 =	vadd.f32 v62, v2;
	v0 =	vsub.f32 v0, v1;
	_ =	sdelay $0x1  }
0x71: {  	v63 =	vmul.f32 $1.953125000e-03, v2;
	v0 =	vmul.f32 $2.790178590e-05, v0;
	_ =	sdelay $0x1  }
0x72: {  	s11 =	sadd.s32 $0x1, s11;
	v0 =	vadd.f32 v0, v63  }
0x73: {  	p0 =	sne.s32 s11, s5  }
.Ltmp2:
0x74: {  	[tilespmem:$0x9300] =	vst v0;
	(pc) =	sbr.rel @!p0 .LBB2_7-.Ltmp2, $4  }
0x75: {  	[hbm4b:s3+s2] =	stream.linear.scatter [tilespmem:s10], [sflag:$0x1], $0x80, $0x38;
	[tilespmem:$0x9380] =	vst v63  }
0x76: {  	_ =	swait.ge [sflag:s6], $0x80  }
0x77: {  	[sflag:s6] =	ssyncset.done $0x0  }
0x78: {  	[sflag:s6] =	ssyncadd.s32 $0xFFFFFF80  }
.LBB2_2:
0x79: {  	s12 =	simm.s32 $0x0  }
0x7a: {  	[tilespmem:s12], [sflag:$0x1] =	stream.linear.gather [hbm4b:s4+s12], $0x9000, $0x38;
	[tilespmem:$0x9380] =	vst v63  }
0x7b: {  	_ =	swait.ge [sflag:s6], $0x9000  }
0x7c: {  	[sflag:s6] =	ssyncset.done $0x0  }
0x7d: {  	[sflag:s6] =	ssyncadd.s32 $0xFFFF7000  }
0x7e: {  	v37 =	vld [tilespmem:$0x8000]  }
0x7f: {  	v38 =	vld [tilespmem:$0x8010]  }
0x80: {  	v39 =	vld [tilespmem:$0x8020]  }
0x81: {  	v40 =	vld [tilespmem:$0x8030]  }
0x82: {  	v41 =	vld [tilespmem:$0x8040]  }
0x83: {  	v42 =	vld [tilespmem:$0x8050]  }
0x84: {  	v43 =	vld [tilespmem:$0x8060]  }
0x85: {  	v44 =	vld [tilespmem:$0x8070]  }
0x86: {  	v4 =	vld [tilespmem:$0x8400];
	[tilespmem:$0x9000] =	vst v37  }
0x87: {  	v5 =	vld [tilespmem:$0x8410];
	[tilespmem:$0x9010] =	vst v38  }
0x88: {  	v6 =	vld [tilespmem:$0x8420];
	[tilespmem:$0x9020] =	vst v39  }
0x89: {  	v7 =	vld [tilespmem:$0x8430];
	[tilespmem:$0x9030] =	vst v40  }
0x8a: {  	v8 =	vld [tilespmem:$0x8440];
	[tilespmem:$0x9040] =	vst v41  }
0x8b: {  	v9 =	vld [tilespmem:$0x8450];
	[tilespmem:$0x9050] =	vst v42  }
0x8c: {  	v10 =	vld [tilespmem:$0x8460];
	[tilespmem:$0x9060] =	vst v43  }
0x8d: {  	v11 =	vld [tilespmem:$0x8470];
	[tilespmem:$0x9070] =	vst v44  }
0x8e: {  	v12 =	vld [tilespmem:$0x8800];
	[tilespmem:$0x9080] =	vst v4  }
0x8f: {  	v13 =	vld [tilespmem:$0x8810];
	[tilespmem:$0x9090] =	vst v5  }
0x90: {  	v14 =	vld [tilespmem:$0x8820];
	[tilespmem:$0x90A0] =	vst v6  }
0x91: {  	v20 =	vld [tilespmem:$0x8830];
	[tilespmem:$0x90B0] =	vst v7  }
0x92: {  	v21 =	vld [tilespmem:$0x8840];
	[tilespmem:$0x90C0] =	vst v8  }
0x93: {  	v22 =	vld [tilespmem:$0x8850];
	[tilespmem:$0x90D0] =	vst v9  }
0x94: {  	v23 =	vld [tilespmem:$0x8860];
	[tilespmem:$0x90E0] =	vst v10  }
0x95: {  	v48 =	vld [tilespmem:$0x8870];
	[tilespmem:$0x90F0] =	vst v11  }
0x96: {  	v49 =	vld [tilespmem:$0x8C00];
	[tilespmem:$0x9100] =	vst v12  }
0x97: {  	v50 =	vld [tilespmem:$0x8C10];
	[tilespmem:$0x9110] =	vst v13  }
0x98: {  	v51 =	vld [tilespmem:$0x8C20];
	[tilespmem:$0x9120] =	vst v14  }
0x99: {  	v52 =	vld [tilespmem:$0x8C30];
	[tilespmem:$0x9130] =	vst v20  }
0x9a: {  	v53 =	vld [tilespmem:$0x8C40];
	[tilespmem:$0x9140] =	vst v21  }
0x9b: {  	v54 =	vld [tilespmem:$0x8C50];
	[tilespmem:$0x9150] =	vst v22  }
0x9c: {  	v55 =	vld [tilespmem:$0x8C60];
	[tilespmem:$0x9160] =	vst v23  }
0x9d: {  	v56 =	vld [tilespmem:$0x8C70];
	[tilespmem:$0x9170] =	vst v48  }
0x9e: {  	v57 =	vld [tilespmem:$0x8180];
	[tilespmem:$0x9180] =	vst v49  }
0x9f: {  	v58 =	vld [tilespmem:$0x8190];
	[tilespmem:$0x9190] =	vst v50  }
0xa0: {  	v59 =	vld [tilespmem:$0x81A0];
	[tilespmem:$0x91A0] =	vst v51  }
0xa1: {  	v60 =	vld [tilespmem:$0x81B0];
	[tilespmem:$0x91B0] =	vst v52  }
0xa2: {  	[tilespmem:$0x91C0] =	vst v53  }
0xa3: {  	[tilespmem:$0x91D0] =	vst v54;
	v37 =	vtrunc.f32 v57  }
0xa4: {  	[tilespmem:$0x91E0] =	vst v55;
	v38 =	vtrunc.f32 v58;
	v37 =	vcvt.f32.s32 v37  }
.Ltmp3:
0xa5: {  	[tilespmem:$0x91F0] =	vst v56;
	v39 =	vtrunc.f32 v59;
	v38 =	vcvt.f32.s32 v38;
	(pc) =	sbr.rel .LBB2_3-.Ltmp3, $4  }
0xa6: {  	v62 =	vtrunc.f32 v60;
	v61 =	vcvt.f32.s32 v39;
	[tilespmem:$0x9280] =	vst v37  }
0xa7: {  	v63 =	vcvt.f32.s32 v62;
	[tilespmem:$0x9290] =	vst v38  }
0xa8: {  	[tilespmem:$0x92A0] =	vst v61  }
0xa9: {  	s13 =	simm.s32 $0x0;
	s14 =	simm.s32 $0x0;
	[tilespmem:$0x92B0] =	vst v63  }
.LBB2_5:
0xaa: {  	s13 =	sadd.s32 $0x80, s13  }
0xab: {  	p0 =	sne.s32 s13, $0x2000  }
.Ltmp4:
0xac: {  	_ = 	snop;
	(pc) =	sbr.rel @!p0 .LBB2_6-.Ltmp4, $3  }
0xad: {  	_ =	sdelay $0x1  }
0xae: {  	[tilespmem:v38+s8+$0x0] =	vst.idx.msk $0x1, v16  }
0xaf: {  	s14 =	sadd.s32 $0x1, s14;
	s12 =	sadd.s32 $0x200, s12;
	[tilespmem:v37+s9+$0x0] =	vst.idx.msk $0x1, v38  }
.LBB2_3:
0xb0: {  	v37 =	vmov s14;
	_ =	sdelay $0x4  }
0xb1: {  	v38 =	vld.idx.msk [tilespmem:v37+s7+$0x0], $0xffff;
	_ =	sdelay $0x7  }
0xb2: {  	v39 =	vld.idx.msk [tilespmem:v38+s8+$0x0], $0xffff;
	_ =	sdelay $0x4  }
0xb3: {  	(v2sf) =	vpush v39, $0x0;
	_ =	sdelay $0xe  }
0xb4: {  	s15 =	spop (v2sf)  }
0xb5: {  	p0 =	sgt.f32 s15, $-3.000000010e+38  }
.Ltmp5:
0xb6: {  	_ = 	snop;
	(pc) =	sbr.rel @p0 .LBB2_5-.Ltmp5, $1  }
0xb7: {  	_ =	sdelay $0x3  }
0xb8: {  	v39 =	vld [tilespmem:$0x9000]  }
0xb9: {  	v41 =	vld [tilespmem:$0x9010]  }
0xba: {  	v43 =	vld [tilespmem:$0x9020]  }
0xbb: {  	v45 =	vld [tilespmem:$0x9030]  }
0xbc: {  	v47 =	vld [tilespmem:$0x9040]  }
0xbd: {  	v49 =	vld [tilespmem:$0x9050]  }
0xbe: {  	v51 =	vld [tilespmem:$0x9060]  }
0xbf: {  	v53 =	vld [tilespmem:$0x9070]  }
0xc0: {  	v55 =	vld [tilespmem:$0x9080]  }
0xc1: {  	v57 =	vld [tilespmem:$0x9090]  }
0xc2: {  	v59 =	vld [tilespmem:$0x90A0]  }
0xc3: {  	v61 =	vld [tilespmem:$0x90B0]  }
0xc4: {  	v63 =	vld [tilespmem:$0x90C0]  }
0xc5: {  	v2 =	vld [tilespmem:$0x90D0]  }
0xc6: {  	v5 =	vld [tilespmem:$0x90E0]  }
0xc7: {  	v0 =	vld [tilespmem:$0x90F0]  }
0xc8: {  	v7 =	vld [tilespmem:$0x9100]  }
0xc9: {  	v9 =	vld [tilespmem:$0x9110]  }
0xca: {  	v11 =	vld [tilespmem:$0x9120]  }
0xcb: {  	v13 =	vld [tilespmem:$0x9130]  }
0xcc: {  	v15 =	vld [tilespmem:$0x9140]  }
0xcd: {  	v17 =	vld [tilespmem:$0x9150]  }
0xce: {  	v19 =	vld [tilespmem:$0x9160]  }
0xcf: {  	v21 =	vld [tilespmem:$0x9170]  }
0xd0: {  	s15 =	sand.u32 $0x7000, s12;
	s16 =	sand.u32 $0x380, s13;
	v23 =	vld [tilespmem:$0x9180]  }
0xd1: {  	v25 =	vld [tilespmem:$0x9190];
	s15 =	sor.u32 s16, s15  }
0xd2: {  	v38 =	vld [tilespmem:s15+$0x0]  }
0xd3: {  	v40 =	vld [tilespmem:s15+$0x10]  }
0xd4: {  	v42 =	vld [tilespmem:s15+$0x20]  }
0xd5: {  	v44 =	vld [tilespmem:s15+$0x30]  }
0xd6: {  	v46 =	vld [tilespmem:s15+$0x40]  }
0xd7: {  	v48 =	vld [tilespmem:s15+$0x50]  }
0xd8: {  	v50 =	vld [tilespmem:s15+$0x60]  }
0xd9: {  	v52 =	vld [tilespmem:s15+$0x70]  }
0xda: {  	v54 =	vld [tilespmem:s15+$0x400]  }
0xdb: {  	v56 =	vld [tilespmem:s15+$0x410]  }
0xdc: {  	v58 =	vld [tilespmem:s15+$0x420]  }
0xdd: {  	v60 =	vld [tilespmem:s15+$0x430]  }
0xde: {  	v62 =	vld [tilespmem:s15+$0x440]  }
0xdf: {  	v1 =	vld [tilespmem:s15+$0x450]  }
0xe0: {  	v4 =	vld [tilespmem:s15+$0x460]  }
0xe1: {  	v3 =	vld [tilespmem:s15+$0x470]  }
0xe2: {  	v6 =	vld [tilespmem:s15+$0x800]  }
0xe3: {  	v8 =	vld [tilespmem:s15+$0x810]  }
0xe4: {  	v10 =	vld [tilespmem:s15+$0x820]  }
0xe5: {  	v12 =	vld [tilespmem:s15+$0x830]  }
0xe6: {  	v14 =	vld [tilespmem:s15+$0x840];
	v38 =	vadd.f32 v39, v38;
	v40 =	vadd.f32 v41, v40  }
0xe7: {  	v16 =	vld [tilespmem:s15+$0x850];
	v41 =	vadd.f32 v43, v42;
	v43 =	vadd.f32 v45, v44  }
0xe8: {  	v18 =	vld [tilespmem:s15+$0x860];
	v44 =	vadd.f32 v47, v46;
	v46 =	vadd.f32 v49, v48  }
0xe9: {  	v20 =	vld [tilespmem:s15+$0x870];
	v47 =	vadd.f32 v51, v50;
	v49 =	vadd.f32 v53, v52  }
0xea: {  	v22 =	vld [tilespmem:s15+$0xC00];
	v50 =	vadd.f32 v55, v54;
	v52 =	vadd.f32 v57, v56  }
0xeb: {  	v24 =	vld [tilespmem:s15+$0xC10];
	v53 =	vadd.f32 v59, v58;
	v55 =	vadd.f32 v61, v60  }
0xec: {  	v39 =	vld [tilespmem:s15+$0xC20];
	v56 =	vadd.f32 v63, v62;
	v1 =	vadd.f32 v2, v1  }
0xed: {  	v42 =	vld [tilespmem:$0x91A0];
	v2 =	vadd.f32 v5, v4;
	v0 =	vadd.f32 v0, v3  }
0xee: {  	v51 =	vld [tilespmem:s15+$0xC40];
	v3 =	vadd.f32 v7, v6;
	v6 =	vadd.f32 v9, v8  }
0xef: {  	v54 =	vld [tilespmem:$0x91C0];
	v7 =	vadd.f32 v11, v10;
	v9 =	vadd.f32 v13, v12  }
0xf0: {  	v57 =	vld [tilespmem:s15+$0xC50];
	v10 =	vadd.f32 v15, v14;
	v12 =	vadd.f32 v17, v16  }
0xf1: {  	v59 =	vld [tilespmem:$0x91D0];
	v13 =	vadd.f32 v19, v18;
	v15 =	vadd.f32 v21, v20  }
0xf2: {  	v60 =	vld [tilespmem:s15+$0xC60];
	v16 =	vadd.f32 v23, v22;
	v17 =	vadd.f32 v25, v24;
	v58 =	vimm.s32 $0x0  }
0xf3: {  	v61 =	vld [tilespmem:$0x91E0];
	v24 =	vimm.s32 $0x0;
	v25 =	vimm.s32 $0x0;
	vm0 =	vge.f32 v38, v40  }
0xf4: {  	v62 =	vld [tilespmem:s15+$0xC70];
	vm1 =	vge.f32 v41, v43;
	vm2 =	vge.f32 v44, v46;
	vm14 =	vge.f32 v47, v49  }
0xf5: {  	v63 =	vld [tilespmem:$0x91F0];
	vm15 =	vge.f32 v53, v55;
	vm5 =	vge.f32 v2, v0;
	vm6 =	vge.f32 v3, v6  }
0xf6: {  	vm7 =	vge.f32 v7, v9;
	vm8 =	vge.f32 v10, v12;
	vm9 =	vge.f32 v13, v15  }
0xf7: {  	v45 =	vld [tilespmem:s15+$0xC30];
	v11 =	vsel vm0, v38, v40;
	v21 =	vsel vm2, $0xFFFFFFFF, v58;
	v24 =	vsel vm15, $0xFFFFFFFF, v24  }
0xf8: {  	v48 =	vld [tilespmem:$0x91B0];
	v25 =	vsel vm5, $0xFFFFFFFF, v25;
	v0 =	vsel vm5, v2, v0;
	v18 =	vadd.f32 v42, v39  }
0xf9: {  	v22 =	vld [tilespmem:$0x1FF60];
	v40 =	vsel vm7, v7, v9;
	v20 =	vadd.f32 v54, v51;
	v4 =	vadd.f32 v59, v57  }
0xfa: {  	v9 =	vld [tilespmem:$0x1FF00];
	[tilespmem:$0x1FDD0] =	vst v24;
	v5 =	vadd.f32 v61, v60;
	v51 =	vadd.f32 v63, v62;
	v54 =	vimm.s32 $0x0  }
0xfb: {  	v57 =	vsel vm1, v41, v43;
	v59 =	vimm.s32 $0x0;
	v63 =	vimm.s32 $0x0;
	v23 =	vld [tilespmem:$0x1FDD0]  }
0xfc: {  	v61 =	vsel vm14, v47, v49;
	v41 =	vimm.s32 $0x0;
	v2 =	vsel vm6, $0xFFFFFFFF, v63;
	v63 =	vld [tilespmem:$0x1FEF0]  }
0xfd: {  	[tilespmem:$0x1FDF0] =	vst v25;
	v39 =	vsel vm6, v3, v6;
	v43 =	vimm.s32 $0x0;
	v6 =	vsel vm8, $0xFFFFFFFF, v41;
	v41 =	vld [tilespmem:$0x1FF90]  }
0xfe: {  	[tilespmem:$0x1FDB0] =	vst v21;
	v21 =	vsel vm14, $0xFFFFFFFF, v59;
	vm14 =	vge.f32 v50, v52;
	v7 =	vsel vm9, $0xFFFFFFFF, v43;
	v43 =	vld [tilespmem:$0x1FDF0]  }
0xff: {  	v14 =	vsel vm1, $0xFFFFFFFF, v54;
	v62 =	vsel vm14, v50, v52;
	v52 =	vld [tilespmem:$0x1FEC0]  }
0x100: {  	vm4 =	vge.f32 v56, v1;
	vm10 =	vge.f32 v16, v17;
	[tilespmem:$0x1FDA0] =	vst v14;
	v14 =	vld [tilespmem:$0x1FF30]  }
0x101: {  	v38 =	vimm.s32 $0x0;
	v24 =	vimm.s32 $0x0;
	v19 =	vadd.f32 v48, v45;
	[tilespmem:$0x1FDC0] =	vst v21;
	v21 =	vld [tilespmem:$0x1FF50]  }
0x102: {  	v60 =	vsel vm2, v44, v46;
	v44 =	vimm.s32 $0x0;
	[tilespmem:$0x1FE00] =	vst v2;
	v2 =	vsel vm7, $0xFFFFFFFF, v38;
	v38 =	vld [tilespmem:$0x1FF70]  }
0x103: {  	v24 =	vsel vm4, $0xFFFFFFFF, v24;
	v42 =	vsel vm8, v10, v12;
	[tilespmem:$0x1FE30] =	vst v7;
	v7 =	vsel vm10, $0xFFFFFFFF, v44;
	v44 =	vld [tilespmem:$0x1FFB0]  }
0x104: {  	v45 =	vsel vm9, v13, v15;
	v47 =	vimm.s32 $0x0;
	vm12 =	vge.f32 v20, v4;
	v13 =	vld [tilespmem:$0x1FDC0]  }
0x105: {  	v49 =	vimm.s32 $0x0;
	vm11 =	vge.f32 v18, v19;
	v4 =	vsel vm12, v20, v4;
	v20 =	vld [tilespmem:$0x1FF40]  }
0x106: {  	v10 =	vsel vm11, $0xFFFFFFFF, v47;
	v12 =	vsel vm12, $0xFFFFFFFF, v49;
	vm12 =	vge.f32 v60, v61;
	v47 =	vld [tilespmem:$0x1FFD0]  }
0x107: {  	[tilespmem:$0x1FDE0] =	vst v24;
	v24 =	vsel vm15, v53, v55;
	v53 =	vsel vm12, v60, v61;
	v60 =	vld [tilespmem:$0x1FED0]  }
0x108: {  	vm15 =	vge.f32 v62, v24;
	v61 =	vld [tilespmem:$0x1FEE0]  }
0x109: {  	v1 =	vsel vm4, v56, v1;
	v54 =	vsel vm15, v62, v24;
	v62 =	vld [tilespmem:$0x1FDA0]  }
0x10a: {  	v46 =	vsel vm10, v16, v17;
	v48 =	vsel vm11, v18, v19;
	vm11 =	vge.f32 v39, v40;
	[tilespmem:$0x1FE50] =	vst v10;
	v10 =	vld [tilespmem:$0x1FDB0]  }
0x10b: {  	vm6 =	vge.f32 v1, v0;
	vm13 =	vge.f32 v5, v51;
	v55 =	vsel vm11, v39, v40;
	v39 =	vld [tilespmem:$0x1FF80]  }
0x10c: {  	v50 =	vimm.s32 $0x0;
	vm10 =	vge.f32 v11, v57;
	v0 =	vsel vm6, v1, v0;
	[tilespmem:$0x1FE10] =	vst v2;
	v40 =	vld [tilespmem:$0x1FDE0]  }
0x10d: {  	v5 =	vsel vm13, v5, v51;
	v51 =	vlaneseq.u32;
	v11 =	vsel vm10, v11, v57;
	v49 =	vld [tilespmem:$0x1FE10]  }
0x10e: {  	[tilespmem:$0x1FE60] =	vst v12;
	v12 =	vsel vm13, $0xFFFFFFFF, v50;
	vm13 =	vge.f32 v42, v45;
	vm7 =	vge.f32 v46, v48;
	v50 =	vld [tilespmem:$0x1FFF0]  }
0x10f: {  	vm8 =	vge.f32 v4, v5;
	[tilespmem:$0x1FE70] =	vst v12;
	v56 =	vsel vm13, v42, v45;
	vm9 =	vge.f32 v11, v53;
	v12 =	vld [tilespmem:$0x1FF20]  }
0x110: {  	v57 =	vsel vm7, v46, v48;
	v4 =	vsel vm8, v4, v5;
	vm3 =	vge.f32 v54, v0;
	v42 =	vld [tilespmem:$0x1FFA0]  }
0x111: {  	v45 =	vld [tilespmem:$0x1FFC0];
	v58 =	vsel vm9, v11, v53;
	vm4 =	vge.f32 v55, v56;
	vm5 =	vge.f32 v57, v4  }
0x112: {  	v46 =	vld [tilespmem:$0x1FE00];
	v0 =	vsel vm3, v54, v0;
	v1 =	vsel vm4, v55, v56;
	v59 =	vsel vm5, v57, v4  }
0x113: {  	[tilespmem:$0x1FE40] =	vst v7;
	v11 =	vld [tilespmem:$0x1FF10];
	v8 =	vsel vm0, v51, v52;
	vm2 =	vge.f32 v58, v0;
	vm1 =	vge.f32 v1, v59  }
0x114: {  	v53 =	vld [tilespmem:$0x1FE40];
	v0 =	vsel vm2, v58, v0;
	v5 =	vsel vm14, v20, v14;
	vm14 =	vnez.u8 v23  }
0x115: {  	[tilespmem:$0x1FE20] =	vst v6;
	v54 =	vld [tilespmem:$0x1FE50];
	vm0 =	vnez.u8 v62;
	v1 =	vsel vm1, v1, v59;
	v6 =	vsel vm14, v22, v21  }
0x116: {  	v48 =	vld [tilespmem:$0x1FFE0];
	vm14 =	vnez.u8 v40;
	v3 =	vsel vm0, v61, v60;
	vm0 =	vnez.u8 v10  }
0x117: {  	v55 =	vld [tilespmem:$0x1FE60];
	v7 =	vsel vm14, v39, v38;
	vm14 =	vnez.u8 v43;
	v5 =	vsel vm15, v5, v6  }
0x118: {  	v51 =	vld [tilespmem:$0x1FE20];
	v4 =	vsel vm0, v9, v63;
	vm0 =	vnez.u8 v13;
	v3 =	vsel vm10, v8, v3  }
0x119: {  	v52 =	vld [tilespmem:$0x1FE30];
	vm15 =	vnez.u8 v53;
	v2 =	vsel vm0, v12, v11;
	vm0 =	vge.f32 v0, v1  }
0x11a: {  	v56 =	vld [tilespmem:$0x1FE70];
	vm10 =	vnez.u8 v54;
	v6 =	vsel vm15, v30, v29;
	v0 =	vsel vm0, v0, v1  }
0x11b: {  	v1 =	vsel vm14, v42, v41;
	vm14 =	vnez.u8 v46;
	v2 =	vsel vm12, v4, v2  }
0x11c: {  	vm12 =	vnez.u8 v55;
	v9 =	vsel vm14, v45, v44;
	vm14 =	vnez.u8 v49;
	(xrf0) =	vmax.scan.msk.f32 $0xffff, v0  }
0x11d: {  	v1 =	vsel vm6, v7, v1;
	v10 =	vsel vm14, v48, v47;
	vm14 =	vnez.u8 v51  }
0x11e: {  	v7 =	vsel vm10, v32, v31;
	v8 =	vsel vm14, v26, v50;
	vm14 =	vnez.u8 v52  }
0x11f: {  	v9 =	vsel vm11, v9, v10;
	v4 =	vsel vm14, v28, v27;
	vm14 =	vnez.u8 v56  }
0x120: {  	v10 =	vsel vm12, v34, v33;
	v4 =	vsel vm13, v8, v4;
	v8 =	vsel vm14, v36, v35  }
0x121: {  	v2 =	vsel vm9, v3, v2;
	v6 =	vsel vm7, v6, v7;
	v57 =	vsel vm8, v10, v8  }
0x122: {  	v1 =	vsel vm3, v5, v1;
	v58 =	vsel vm4, v9, v4;
	v59 =	vsel vm5, v6, v57;
	v60, _, _ =	vpop (xrf0)  }
0x123: {  	v1 =	vsel vm2, v2, v1;
	v61 =	vsel vm1, v58, v59;
	v62 =	vbroadcast v60, $0xF  }
0x124: {  	v1 =	vsel vm0, v1, v61  }
0x125: {  	vm15 =	veq.f32 v0, v62;
	v63 =	vor.u32 $0x80000000, v1  }
0x126: {  	v0 =	vnsel vm15, $0xC0000000, v63  }
0x127: {  	(xrf0) =	vmin.scan.msk.u32 $0xffff, v0;
	_ =	sdelay $0x5  }
0x128: {  	v0, _, _ =	vpop (xrf0)  }
0x129: {  	(v2sf) =	vpush v0, $0xF;
	_ =	sdelay $0xc  }
.Ltmp6:
0x12a: {  	_ = 	snop;
	(pc) =	sbr.rel .LBB2_5-.Ltmp6, $4  }
0x12b: {  	_ = 	snop  }
0x12c: {  	s31 =	spop (v2sf)  }
0x12d: {  	s15 =	sxor.u32 $0x80000000, s31  }
0x12e: {  	v16 =	vimm.f32 $-Inf;
	v38 =	vmov s15  }
.LBB2_7:
0x12f: {  	_ =	sfence.sel $0x180000  }
0x130: {  	[bflag:$0x0] =	sbarrier.arrive $0xFFFF  }
0x131: {  	p0 =	sne.s32 s1, $0x0;
	_ =	strace $0x90000047  }
0x132: {  	s0 =	sadd.s32 @!p0 $0x100000, s0;
	[bflag:$0x2] =	sbarrier.arrive $0xFFFF  }
0x133: {  	[sflag:s0] =	ssyncadd.tile.s32 @!p0 $0x1;
	_ =	shalt  }
.Lfunc_end2:
_tile_overlayer_lowered:
.L_overlay_start_2:
0x134: {  	(tag) =	ssettag $0x2  }
0x135: {  	s0 =	rddreg [dreg:$0x0];
	s2 =	stileid.u32  }
0x136: {  	s1 =	rddreg [dreg:$0x1];
	p0 =	sne.s32 s2, $0x0  }
0x137: {  	s3 =	rddreg [dreg:$0x2];
	[bflag:$0x3] =	sbarrier.arrive $0xFFFF;
	s2 =	simm.s32 @!p0 $0x1C01  }
0x138: {  	[timem:s3], [sflag:s2] =	dma.local @!p0 [hbm:s0], s1  }
0x139: {  	s0 =	simm.s32 @!p0 $0x1  }
0x13a: {  	_ =	swait.ge @!p0 [sflag:s0], s1  }
0x13b: {  	s1 =	ssub.s32 @!p0 $0x0, s1;
	[sflag:s0] =	ssyncset.done @!p0 $0x0  }
0x13c: {  	[sflag:s0] =	ssyncadd.s32 @!p0 s1  }
0x13d: {  	[bflag:$0x3] =	sbarrier.arrive $0xFFFF  }
0x13e: {  	_ =	shalt  }

</sc_bundles>
